<compile_context>
chip_gen: v7x
topology: tpu7x:2x2x1
jax: 0.10.2.dev20260603
libtpu: 0.0.44.dev20260713+nightly
codegen_flags: <defaults>
</compile_context>

<pallas_src>
import functools

import jax
import jax.numpy as jnp
from jax import lax
from jax.experimental import pallas as pl
from jax.experimental.pallas import tpu as pltpu
from jax.experimental.pallas import tpu_sc as plsc

N = 10000
NP = 10240
D = 128
E = 320000
NC = 2
NS = 16
NB = 16
BN = NP // NB

N_PER_TILE = NP // NS
EPT = E // (NC * NS)
CHUNK = 80
NCHUNK = (E // (NC * NS)) // CHUNK
DEG_W = 1


def _deg_body(dst_hbm, zeros_hbm, ones_hbm, hist_hbm, idx_v, ones_v, acc_sh):
    c = lax.axis_index("c")
    s = lax.axis_index("s")
    sbase = s * (NP // NS)
    pltpu.sync_copy(zeros_hbm, acc_sh.at[pl.ds(sbase, NP // NS)])
    pltpu.sync_copy(ones_hbm, ones_v)
    plsc.subcore_barrier()

    ebase = (c * NS + s) * EPT
    pltpu.sync_copy(dst_hbm.at[pl.ds(ebase, EPT)], idx_v)
    pltpu.sync_copy(ones_v, acc_sh.at[idx_v], add=True)
    plsc.subcore_barrier()
    pltpu.sync_copy(
        acc_sh.at[pl.ds(sbase, NP // NS)],
        hist_hbm.at[pl.ds(c * NP + sbase, NP // NS)],
    )


def _scatter_body(
    hp_hbm, sd_hbm, zeros_hbm, acc_hbm,
    sd0_v, sd1_v, sd2_v, rows0_v, rows1_v, rows2_v,
    g0, g1, g2, s0, s1, s2, i0s, i1s, i2s, acc_sh
):
    c = lax.axis_index("c")
    s = lax.axis_index("s")
    base_n = s * N_PER_TILE
    pltpu.sync_copy(zeros_hbm, acc_sh.at[pl.ds(base_n, N_PER_TILE)])
    plsc.subcore_barrier()

    cbase = (c * NS + s) * NCHUNK

    def load_idx(i, sd_v):
        pltpu.sync_copy(sd_hbm.at[cbase + i], sd_v)

    def gather_start(sd_v, buf, sem):
        pltpu.async_copy(hp_hbm.at[sd_v.at[0]], buf, sem)

    def gather_wait(buf, sem):
        pltpu.make_async_copy(hp_hbm.at[sd0_v.at[0]], buf, sem).wait()

    def scat_start(sd_v, buf, sem):
        pltpu.async_copy(buf, acc_sh.at[sd_v.at[1]], sem, add=True)

    def scat_wait(sd_v, buf, sem):
        pltpu.make_async_copy(buf, acc_sh.at[sd_v.at[1]], sem).wait()

    load_idx(0, sd0_v)
    gather_start(sd0_v, rows0_v, g0)
    load_idx(1, sd1_v)
    gather_start(sd1_v, rows1_v, g1)
    load_idx(2, sd2_v)
    gather_start(sd2_v, rows2_v, g2)

    def load_idx_start(i, sd_v, sem):
        pltpu.async_copy(sd_hbm.at[cbase + i], sd_v, sem)

    def load_idx_wait(sd_v, sem):
        pltpu.make_async_copy(sd_hbm.at[cbase], sd_v, sem).wait()

    def body(k, carry):
        i0 = 3 * k
        gather_wait(rows0_v, g0)
        scat_start(sd0_v, rows0_v, s0)
        gather_wait(rows1_v, g1)
        scat_start(sd1_v, rows1_v, s1)
        gather_wait(rows2_v, g2)
        scat_start(sd2_v, rows2_v, s2)
        scat_wait(sd0_v, rows0_v, s0)
        load_idx_start(i0 + 3, sd0_v, i0s)
        scat_wait(sd1_v, rows1_v, s1)
        load_idx_start(i0 + 4, sd1_v, i1s)
        scat_wait(sd2_v, rows2_v, s2)
        load_idx_start(i0 + 5, sd2_v, i2s)
        load_idx_wait(sd0_v, i0s)
        gather_start(sd0_v, rows0_v, g0)
        load_idx_wait(sd1_v, i1s)
        gather_start(sd1_v, rows1_v, g1)
        load_idx_wait(sd2_v, i2s)
        gather_start(sd2_v, rows2_v, g2)
        return carry

    lax.fori_loop(0, (NCHUNK - 5) // 3, body, 0)

    gather_wait(rows0_v, g0)
    scat_start(sd0_v, rows0_v, s0)
    scat_wait(sd0_v, rows0_v, s0)
    load_idx(NCHUNK - 2, sd0_v)
    gather_start(sd0_v, rows0_v, g0)
    gather_wait(rows1_v, g1)
    scat_start(sd1_v, rows1_v, s1)
    scat_wait(sd1_v, rows1_v, s1)
    load_idx(NCHUNK - 1, sd1_v)
    gather_start(sd1_v, rows1_v, g1)
    gather_wait(rows2_v, g2)
    scat_start(sd2_v, rows2_v, s2)
    gather_wait(rows0_v, g0)
    scat_start(sd0_v, rows0_v, s0)
    gather_wait(rows1_v, g1)
    scat_start(sd1_v, rows1_v, s1)
    scat_wait(sd2_v, rows2_v, s2)
    scat_wait(sd0_v, rows0_v, s0)
    scat_wait(sd1_v, rows1_v, s1)

    plsc.subcore_barrier()
    pltpu.sync_copy(
        acc_sh.at[pl.ds(base_n, N_PER_TILE)],
        acc_hbm.at[pl.ds(c * NP + base_n, N_PER_TILE)],
    )


@functools.lru_cache(maxsize=1)
def _sc_kernels():
    mesh = plsc.VectorSubcoreMesh(
        core_axis_name="c", subcore_axis_name="s", num_cores=NC, num_subcores=NS
    )
    deg = pl.kernel(
        _deg_body,
        out_type=jax.ShapeDtypeStruct((NC * NP * DEG_W,), jnp.float32),
        mesh=mesh,
        scratch_types=[
            pltpu.VMEM((EPT,), jnp.int32),
            pltpu.VMEM((EPT,), jnp.float32),
            pltpu.VMEM_SHARED((NP * DEG_W,), jnp.float32),
        ],
    )
    scatter = pl.kernel(
        _scatter_body,
        out_type=jax.ShapeDtypeStruct((NC * NP, D), jnp.float32),
        mesh=mesh,
        scratch_types=[
            pltpu.VMEM((2, CHUNK), jnp.int32),
            pltpu.VMEM((2, CHUNK), jnp.int32),
            pltpu.VMEM((2, CHUNK), jnp.int32),
            pltpu.VMEM((CHUNK, D), jnp.float32),
            pltpu.VMEM((CHUNK, D), jnp.float32),
            pltpu.VMEM((CHUNK, D), jnp.float32),
            pltpu.SemaphoreType.DMA,
            pltpu.SemaphoreType.DMA,
            pltpu.SemaphoreType.DMA,
            pltpu.SemaphoreType.DMA,
            pltpu.SemaphoreType.DMA,
            pltpu.SemaphoreType.DMA,
            pltpu.SemaphoreType.DMA,
            pltpu.SemaphoreType.DMA,
            pltpu.SemaphoreType.DMA,
            pltpu.VMEM_SHARED((NP, D), jnp.float32),
        ],
    )
    return deg, scatter


def _tc1_body(hist0, hist1, x, w1, hp, dinv):
    deg = hist0[:, 0:1] + hist1[:, 0:1] + 1.0
    di = lax.rsqrt(deg)
    h = jnp.dot(x[...], w1[...], preferred_element_type=jnp.float32)
    hp[...] = h * di
    dinv[...] = di


def _tc1(hist2d, x, w1):
    return pl.pallas_call(
        _tc1_body,
        grid=(NB,),
        in_specs=[
            pl.BlockSpec((BN, DEG_W), lambda j: (j, 0)),
            pl.BlockSpec((BN, DEG_W), lambda j: (NB + j, 0)),
            pl.BlockSpec((BN, D), lambda j: (j, 0)),
            pl.BlockSpec((D, D), lambda j: (0, 0)),
        ],
        out_specs=[
            pl.BlockSpec((BN, D), lambda j: (j, 0)),
            pl.BlockSpec((BN, 1), lambda j: (j, 0)),
        ],
        out_shape=[
            jax.ShapeDtypeStruct((NP, D), jnp.float32),
            jax.ShapeDtypeStruct((NP, 1), jnp.float32),
        ],
    )(hist2d, hist2d, x, w1)


def _tc2_body(acc0, acc1, hp1, dinv, b1, w2, hp2):
    z = acc0[...] + acc1[...] + hp1[...]
    r = jnp.maximum(z * dinv[...] + b1[...], 0.0)
    h2 = jnp.dot(r, w2[...], preferred_element_type=jnp.float32)
    hp2[...] = h2 * dinv[...]


def _tc2(acc, hp1, dinv, b1, w2):
    return pl.pallas_call(
        _tc2_body,
        grid=(NB,),
        in_specs=[
            pl.BlockSpec((BN, D), lambda j: (j, 0)),
            pl.BlockSpec((BN, D), lambda j: (NB + j, 0)),
            pl.BlockSpec((BN, D), lambda j: (j, 0)),
            pl.BlockSpec((BN, 1), lambda j: (j, 0)),
            pl.BlockSpec((1, D), lambda j: (0, 0)),
            pl.BlockSpec((D, D), lambda j: (0, 0)),
        ],
        out_specs=pl.BlockSpec((BN, D), lambda j: (j, 0)),
        out_shape=jax.ShapeDtypeStruct((NP, D), jnp.float32),
    )(acc, acc, hp1, dinv, b1, w2)


def _tc3_body(acc0, acc1, hp2, dinv, b2, emb):
    z = acc0[...] + acc1[...] + hp2[...]
    emb[...] = z * dinv[...] + b2[...]


def _tc3(acc, hp2, dinv, b2):
    return pl.pallas_call(
        _tc3_body,
        grid=(NB,),
        in_specs=[
            pl.BlockSpec((BN, D), lambda j: (j, 0)),
            pl.BlockSpec((BN, D), lambda j: (NB + j, 0)),
            pl.BlockSpec((BN, D), lambda j: (j, 0)),
            pl.BlockSpec((BN, 1), lambda j: (j, 0)),
            pl.BlockSpec((1, D), lambda j: (0, 0)),
        ],
        out_specs=pl.BlockSpec((BN, D), lambda j: (j, 0)),
        out_shape=jax.ShapeDtypeStruct((NP, D), jnp.float32),
    )(acc, acc, hp2, dinv, b2)


def kernel(x, edge_index, W1, b1, W2, b2):
    src = edge_index[0].astype(jnp.int32)
    dst = edge_index[1].astype(jnp.int32)
    deg_kernel, scatter_kernel = _sc_kernels()
    zeros_deg = jnp.zeros((NP // NS,), jnp.float32)
    ones_deg = jnp.ones((EPT,), jnp.float32)
    hist = deg_kernel(dst, zeros_deg, ones_deg)
    hist2d = hist.reshape(NC * NP, DEG_W)

    xp = jnp.pad(x, ((0, NP - N), (0, 0)))
    zeros_rows = jnp.zeros((N_PER_TILE, D), jnp.float32)

    sd = jnp.stack([src.reshape(E // CHUNK, CHUNK), dst.reshape(E // CHUNK, CHUNK)], axis=1)
    hp1, dinv = _tc1(hist2d, xp, W1)
    acc1 = scatter_kernel(hp1, sd, zeros_rows)
    hp2 = _tc2(acc1, hp1, dinv, b1.reshape(1, D), W2)
    acc2 = scatter_kernel(hp2, sd, zeros_rows)
    return _tc3(acc2, hp2, dinv, b2.reshape(1, D))[:N]

# --- scband reference (transcript-rebuilt; emitter-appended) ---
"""Pipeline reference for scband-ocgnnbase-59253368816202 (READ-ONLY COPY).

The authoritative reference and input builder live on the scoring server;
editing this copy changes nothing except your own understanding.
"""

import jax, jax.numpy as jnp
import numpy as np

N_NODES = 10000
D_IN = 128
D_HID = 128
N_EDGES = 320000


def setup_inputs(seed: int = 0) -> dict:
    key = jax.random.key(seed)
    k1, k2, k3, k4, k5, k6 = jax.random.split(key, 6)
    x = jax.random.normal(k1, (N_NODES, D_IN), dtype=jnp.float32)
    edge_index = jax.random.randint(k2, (2, N_EDGES), 0, N_NODES, dtype=jnp.int64)
    # GCNConv params (glorot-style scale)
    W1 = jax.random.normal(k3, (D_IN, D_HID), dtype=jnp.float32) * (1.0 / np.sqrt(D_IN))
    b1 = jnp.zeros((D_HID,), dtype=jnp.float32)
    W2 = jax.random.normal(k4, (D_HID, D_HID), dtype=jnp.float32) * (1.0 / np.sqrt(D_HID))
    b2 = jnp.zeros((D_HID,), dtype=jnp.float32)
    return {"x": x, "edge_index": edge_index, "W1": W1, "b1": b1, "W2": W2, "b2": b2}


def _gcn_conv(x, W, b, src, dst, num_nodes):
    # symmetric normalization with self-loops: D^-1/2 (A+I) D^-1/2 X W + b
    deg = jnp.zeros((num_nodes,), dtype=x.dtype).at[dst].add(1.0)
    deg_inv_sqrt = jnp.where(deg > 0, jax.lax.rsqrt(jnp.maximum(deg, 1e-12)), 0.0)
    norm = deg_inv_sqrt[src] * deg_inv_sqrt[dst]
    h = x @ W
    msgs = jnp.take(h, src, axis=0) * norm[:, None]
    out = jnp.zeros((num_nodes, h.shape[1]), dtype=h.dtype).at[dst].add(msgs)
    return out + b


def reference(x, edge_index, W1, b1, W2, b2):
    num_nodes = x.shape[0]
    loop = jnp.arange(num_nodes, dtype=edge_index.dtype)
    src = jnp.concatenate([edge_index[0], loop])
    dst = jnp.concatenate([edge_index[1], loop])
    h = _gcn_conv(x, W1, b1, src, dst, num_nodes)
    h = jax.nn.relu(h)
    emb = _gcn_conv(h, W2, b2, src, dst, num_nodes)
    return emb

if __name__ == "__main__":
    import jax
    _d = setup_inputs()
    print(jax.jit(kernel)(*tuple(_d.values())))

</pallas_src>

<mosaic_0001>
#map = affine_map<(d0, d1) -> (0, 0)>
#map1 = affine_map<(d0, d1) -> (0, 0, 0)>
module attributes {stable_mosaic.version = 14 : i64} {
  func.func @_scatter_body(%arg0: i32, %arg1: i32, %arg2: memref<10240x128xf32, #tpu.memory_space<hbm>>, %arg3: memref<4000x2x80xi32, #tpu.memory_space<hbm>>, %arg4: memref<640x128xf32, #tpu.memory_space<hbm>>, %arg5: memref<20480x128xf32, #tpu.memory_space<hbm>>, %arg6: memref<2x80xi32, #tpu.memory_space<vmem>>, %arg7: memref<2x80xi32, #tpu.memory_space<vmem>>, %arg8: memref<2x80xi32, #tpu.memory_space<vmem>>, %arg9: memref<80x128xf32, #tpu.memory_space<vmem>>, %arg10: memref<80x128xf32, #tpu.memory_space<vmem>>, %arg11: memref<80x128xf32, #tpu.memory_space<vmem>>, %arg12: memref<!tpu.dma_semaphore, #tpu.memory_space<semaphore_mem>>, %arg13: memref<!tpu.dma_semaphore, #tpu.memory_space<semaphore_mem>>, %arg14: memref<!tpu.dma_semaphore, #tpu.memory_space<semaphore_mem>>, %arg15: memref<!tpu.dma_semaphore, #tpu.memory_space<semaphore_mem>>, %arg16: memref<!tpu.dma_semaphore, #tpu.memory_space<semaphore_mem>>, %arg17: memref<!tpu.dma_semaphore, #tpu.memory_space<semaphore_mem>>, %arg18: memref<!tpu.dma_semaphore, #tpu.memory_space<semaphore_mem>>, %arg19: memref<!tpu.dma_semaphore, #tpu.memory_space<semaphore_mem>>, %arg20: memref<!tpu.dma_semaphore, #tpu.memory_space<semaphore_mem>>, %arg21: memref<10240x128xf32, #tpu.memory_space<vmem_shared>>) attributes {dimension_semantics = [#tpu.dimension_semantics<core_parallel>, #tpu.dimension_semantics<subcore_parallel>], iteration_bounds = array<i64: 2, 16>, scalar_prefetch = 0 : i64, scratch_operands = 16 : i64, tpu.core_type = #tpu.core_type<sc_vector_subcore>, window_params = [{transform_indices = #map}, {transform_indices = #map1}, {transform_indices = #map}, {transform_indices = #map}]} {
    %mul3A = arith.constant 640 : i32
    %mul3A_0 = arith.muli %arg1, %mul3A : i32
    "tpu.region"() ({
      %run_scoped3A = tpu.sem_alloc : memref<!tpu.dma_semaphore, #tpu.memory_space<semaphore_mem>>
      %dma_start3A_162 = arith.constant 0 : i32
      %dma_start3A_163 = tpu.memref_slice %arg21[%mul3A_0, %dma_start3A_162] : memref<10240x128xf32, #tpu.memory_space<vmem_shared>> -> memref<640x128xf32, #tpu.memory_space<vmem_shared>>
      tpu.enqueue_dma source(%arg4 : memref<640x128xf32, #tpu.memory_space<hbm>>) target(%dma_start3A_163 : memref<640x128xf32, #tpu.memory_space<vmem_shared>>) target_semaphore(%run_scoped3A : memref<!tpu.dma_semaphore, #tpu.memory_space<semaphore_mem>>)
      %dma_wait3A_164 = arith.constant 0 : i32
      %dma_wait3A_165 = tpu.memref_slice %arg21[%mul3A_0, %dma_wait3A_164] : memref<10240x128xf32, #tpu.memory_space<vmem_shared>> -> memref<640x128xf32, #tpu.memory_space<vmem_shared>>
      tpu.wait_dma2 semaphore(%run_scoped3A : memref<!tpu.dma_semaphore, #tpu.memory_space<semaphore_mem>>) src(%arg4 : memref<640x128xf32, #tpu.memory_space<hbm>>) dst(%dma_wait3A_165 : memref<640x128xf32, #tpu.memory_space<vmem_shared>>)
      tpu.yield
    }) : () -> ()
    %barrier3A = arith.constant 0 : index
    tpu.barrier barrier_id(%barrier3A)
    %mul3A_1 = arith.constant 16 : i32
    %mul3A_2 = arith.muli %arg0, %mul3A_1 : i32
    %add3A = arith.addi %mul3A_2, %arg1 : i32
    %mul3A_3 = arith.constant 125 : i32
    %mul3A_4 = arith.muli %add3A, %mul3A_3 : i32
    %add3A_5 = arith.constant 0 : i32
    %add3A_6 = arith.addi %mul3A_4, %add3A_5 : i32
    "tpu.region"() ({
      %run_scoped3A = tpu.sem_alloc : memref<!tpu.dma_semaphore, #tpu.memory_space<semaphore_mem>>
      %dma_start3A_162 = arith.constant 0 : i32
      %dma_start3A_163 = arith.constant 0 : i32
      %dma_start3A_164 = tpu.memref_slice %arg3[%add3A_6, %dma_start3A_162, %dma_start3A_163] : memref<4000x2x80xi32, #tpu.memory_space<hbm>> -> memref<1x2x80xi32, #tpu.memory_space<hbm>>
      %dma_start3A_165 = tpu.memref_squeeze %dma_start3A_164 : memref<1x2x80xi32, #tpu.memory_space<hbm>> -> memref<2x80xi32, #tpu.memory_space<hbm>>
      %dma_start3A_166 = arith.constant 0 : i32
      %dma_start3A_167 = arith.constant 0 : i32
      %dma_start3A_168 = tpu.memref_slice %arg3[%add3A_6, %dma_start3A_166, %dma_start3A_167] : memref<4000x2x80xi32, #tpu.memory_space<hbm>> -> memref<1x2x80xi32, #tpu.memory_space<hbm>>
      %dma_start3A_169 = tpu.memref_squeeze %dma_start3A_168 : memref<1x2x80xi32, #tpu.memory_space<hbm>> -> memref<2x80xi32, #tpu.memory_space<hbm>>
      tpu.enqueue_dma source(%dma_start3A_169 : memref<2x80xi32, #tpu.memory_space<hbm>>) target(%arg6 : memref<2x80xi32, #tpu.memory_space<vmem>>) target_semaphore(%run_scoped3A : memref<!tpu.dma_semaphore, #tpu.memory_space<semaphore_mem>>)
      %dma_wait3A_170 = arith.constant 0 : i32
      %dma_wait3A_171 = arith.constant 0 : i32
      %dma_wait3A_172 = tpu.memref_slice %arg3[%add3A_6, %dma_wait3A_170, %dma_wait3A_171] : memref<4000x2x80xi32, #tpu.memory_space<hbm>> -> memref<1x2x80xi32, #tpu.memory_space<hbm>>
      %dma_wait3A_173 = tpu.memref_squeeze %dma_wait3A_172 : memref<1x2x80xi32, #tpu.memory_space<hbm>> -> memref<2x80xi32, #tpu.memory_space<hbm>>
      %dma_wait3A_174 = arith.constant 0 : i32
      %dma_wait3A_175 = arith.constant 0 : i32
      %dma_wait3A_176 = tpu.memref_slice %arg3[%add3A_6, %dma_wait3A_174, %dma_wait3A_175] : memref<4000x2x80xi32, #tpu.memory_space<hbm>> -> memref<1x2x80xi32, #tpu.memory_space<hbm>>
      %dma_wait3A_177 = tpu.memref_squeeze %dma_wait3A_176 : memref<1x2x80xi32, #tpu.memory_space<hbm>> -> memref<2x80xi32, #tpu.memory_space<hbm>>
      tpu.wait_dma2 semaphore(%run_scoped3A : memref<!tpu.dma_semaphore, #tpu.memory_space<semaphore_mem>>) src(%dma_wait3A_177 : memref<2x80xi32, #tpu.memory_space<hbm>>) dst(%arg6 : memref<2x80xi32, #tpu.memory_space<vmem>>)
      tpu.yield
    }) : () -> ()
    %dma_start3A = arith.constant 0 : i32
    %dma_start3A_7 = arith.constant 0 : i32
    %dma_start3A_8 = tpu.memref_slice %arg6[%dma_start3A, %dma_start3A_7] : memref<2x80xi32, #tpu.memory_space<vmem>> -> memref<1x80xi32, #tpu.memory_space<vmem>>
    %dma_start3A_9 = tpu.memref_squeeze %dma_start3A_8 : memref<1x80xi32, #tpu.memory_space<vmem>> -> memref<80xi32, #tpu.memory_space<vmem>>
    %dma_start3A_10 = arith.constant 0 : i32
    %dma_start3A_11 = arith.constant 0 : i32
    %dma_start3A_12 = tpu.memref_slice %arg2[%dma_start3A_10, %dma_start3A_11] : memref<10240x128xf32, #tpu.memory_space<hbm>> -> memref<10240x128xf32, #tpu.memory_space<hbm>>
    tpu.enqueue_indirect_dma source(%dma_start3A_12 : memref<10240x128xf32, #tpu.memory_space<hbm>>) target(%arg9 : memref<80x128xf32, #tpu.memory_space<vmem>>) offsets(%dma_start3A_9 : memref<80xi32, #tpu.memory_space<vmem>>) semaphore(%arg12 : memref<!tpu.dma_semaphore, #tpu.memory_space<semaphore_mem>>)
    %add3A_13 = arith.constant 1 : i32
    %add3A_14 = arith.addi %mul3A_4, %add3A_13 : i32
    "tpu.region"() ({
      %run_scoped3A = tpu.sem_alloc : memref<!tpu.dma_semaphore, #tpu.memory_space<semaphore_mem>>
      %dma_start3A_162 = arith.constant 0 : i32
      %dma_start3A_163 = arith.constant 0 : i32
      %dma_start3A_164 = tpu.memref_slice %arg3[%add3A_14, %dma_start3A_162, %dma_start3A_163] : memref<4000x2x80xi32, #tpu.memory_space<hbm>> -> memref<1x2x80xi32, #tpu.memory_space<hbm>>
      %dma_start3A_165 = tpu.memref_squeeze %dma_start3A_164 : memref<1x2x80xi32, #tpu.memory_space<hbm>> -> memref<2x80xi32, #tpu.memory_space<hbm>>
      %dma_start3A_166 = arith.constant 0 : i32
      %dma_start3A_167 = arith.constant 0 : i32
      %dma_start3A_168 = tpu.memref_slice %arg3[%add3A_14, %dma_start3A_166, %dma_start3A_167] : memref<4000x2x80xi32, #tpu.memory_space<hbm>> -> memref<1x2x80xi32, #tpu.memory_space<hbm>>
      %dma_start3A_169 = tpu.memref_squeeze %dma_start3A_168 : memref<1x2x80xi32, #tpu.memory_space<hbm>> -> memref<2x80xi32, #tpu.memory_space<hbm>>
      tpu.enqueue_dma source(%dma_start3A_169 : memref<2x80xi32, #tpu.memory_space<hbm>>) target(%arg7 : memref<2x80xi32, #tpu.memory_space<vmem>>) target_semaphore(%run_scoped3A : memref<!tpu.dma_semaphore, #tpu.memory_space<semaphore_mem>>)
      %dma_wait3A_170 = arith.constant 0 : i32
      %dma_wait3A_171 = arith.constant 0 : i32
      %dma_wait3A_172 = tpu.memref_slice %arg3[%add3A_14, %dma_wait3A_170, %dma_wait3A_171] : memref<4000x2x80xi32, #tpu.memory_space<hbm>> -> memref<1x2x80xi32, #tpu.memory_space<hbm>>
      %dma_wait3A_173 = tpu.memref_squeeze %dma_wait3A_172 : memref<1x2x80xi32, #tpu.memory_space<hbm>> -> memref<2x80xi32, #tpu.memory_space<hbm>>
      %dma_wait3A_174 = arith.constant 0 : i32
      %dma_wait3A_175 = arith.constant 0 : i32
      %dma_wait3A_176 = tpu.memref_slice %arg3[%add3A_14, %dma_wait3A_174, %dma_wait3A_175] : memref<4000x2x80xi32, #tpu.memory_space<hbm>> -> memref<1x2x80xi32, #tpu.memory_space<hbm>>
      %dma_wait3A_177 = tpu.memref_squeeze %dma_wait3A_176 : memref<1x2x80xi32, #tpu.memory_space<hbm>> -> memref<2x80xi32, #tpu.memory_space<hbm>>
      tpu.wait_dma2 semaphore(%run_scoped3A : memref<!tpu.dma_semaphore, #tpu.memory_space<semaphore_mem>>) src(%dma_wait3A_177 : memref<2x80xi32, #tpu.memory_space<hbm>>) dst(%arg7 : memref<2x80xi32, #tpu.memory_space<vmem>>)
      tpu.yield
    }) : () -> ()
    %dma_start3A_15 = arith.constant 0 : i32
    %dma_start3A_16 = arith.constant 0 : i32
    %dma_start3A_17 = tpu.memref_slice %arg7[%dma_start3A_15, %dma_start3A_16] : memref<2x80xi32, #tpu.memory_space<vmem>> -> memref<1x80xi32, #tpu.memory_space<vmem>>
    %dma_start3A_18 = tpu.memref_squeeze %dma_start3A_17 : memref<1x80xi32, #tpu.memory_space<vmem>> -> memref<80xi32, #tpu.memory_space<vmem>>
    %dma_start3A_19 = arith.constant 0 : i32
    %dma_start3A_20 = arith.constant 0 : i32
    %dma_start3A_21 = tpu.memref_slice %arg2[%dma_start3A_19, %dma_start3A_20] : memref<10240x128xf32, #tpu.memory_space<hbm>> -> memref<10240x128xf32, #tpu.memory_space<hbm>>
    tpu.enqueue_indirect_dma source(%dma_start3A_21 : memref<10240x128xf32, #tpu.memory_space<hbm>>) target(%arg10 : memref<80x128xf32, #tpu.memory_space<vmem>>) offsets(%dma_start3A_18 : memref<80xi32, #tpu.memory_space<vmem>>) semaphore(%arg13 : memref<!tpu.dma_semaphore, #tpu.memory_space<semaphore_mem>>)
    %add3A_22 = arith.constant 2 : i32
    %add3A_23 = arith.addi %mul3A_4, %add3A_22 : i32
    "tpu.region"() ({
      %run_scoped3A = tpu.sem_alloc : memref<!tpu.dma_semaphore, #tpu.memory_space<semaphore_mem>>
      %dma_start3A_162 = arith.constant 0 : i32
      %dma_start3A_163 = arith.constant 0 : i32
      %dma_start3A_164 = tpu.memref_slice %arg3[%add3A_23, %dma_start3A_162, %dma_start3A_163] : memref<4000x2x80xi32, #tpu.memory_space<hbm>> -> memref<1x2x80xi32, #tpu.memory_space<hbm>>
      %dma_start3A_165 = tpu.memref_squeeze %dma_start3A_164 : memref<1x2x80xi32, #tpu.memory_space<hbm>> -> memref<2x80xi32, #tpu.memory_space<hbm>>
      %dma_start3A_166 = arith.constant 0 : i32
      %dma_start3A_167 = arith.constant 0 : i32
      %dma_start3A_168 = tpu.memref_slice %arg3[%add3A_23, %dma_start3A_166, %dma_start3A_167] : memref<4000x2x80xi32, #tpu.memory_space<hbm>> -> memref<1x2x80xi32, #tpu.memory_space<hbm>>
      %dma_start3A_169 = tpu.memref_squeeze %dma_start3A_168 : memref<1x2x80xi32, #tpu.memory_space<hbm>> -> memref<2x80xi32, #tpu.memory_space<hbm>>
      tpu.enqueue_dma source(%dma_start3A_169 : memref<2x80xi32, #tpu.memory_space<hbm>>) target(%arg8 : memref<2x80xi32, #tpu.memory_space<vmem>>) target_semaphore(%run_scoped3A : memref<!tpu.dma_semaphore, #tpu.memory_space<semaphore_mem>>)
      %dma_wait3A_170 = arith.constant 0 : i32
      %dma_wait3A_171 = arith.constant 0 : i32
      %dma_wait3A_172 = tpu.memref_slice %arg3[%add3A_23, %dma_wait3A_170, %dma_wait3A_171] : memref<4000x2x80xi32, #tpu.memory_space<hbm>> -> memref<1x2x80xi32, #tpu.memory_space<hbm>>
      %dma_wait3A_173 = tpu.memref_squeeze %dma_wait3A_172 : memref<1x2x80xi32, #tpu.memory_space<hbm>> -> memref<2x80xi32, #tpu.memory_space<hbm>>
      %dma_wait3A_174 = arith.constant 0 : i32
      %dma_wait3A_175 = arith.constant 0 : i32
      %dma_wait3A_176 = tpu.memref_slice %arg3[%add3A_23, %dma_wait3A_174, %dma_wait3A_175] : memref<4000x2x80xi32, #tpu.memory_space<hbm>> -> memref<1x2x80xi32, #tpu.memory_space<hbm>>
      %dma_wait3A_177 = tpu.memref_squeeze %dma_wait3A_176 : memref<1x2x80xi32, #tpu.memory_space<hbm>> -> memref<2x80xi32, #tpu.memory_space<hbm>>
      tpu.wait_dma2 semaphore(%run_scoped3A : memref<!tpu.dma_semaphore, #tpu.memory_space<semaphore_mem>>) src(%dma_wait3A_177 : memref<2x80xi32, #tpu.memory_space<hbm>>) dst(%arg8 : memref<2x80xi32, #tpu.memory_space<vmem>>)
      tpu.yield
    }) : () -> ()
    %dma_start3A_24 = arith.constant 0 : i32
    %dma_start3A_25 = arith.constant 0 : i32
    %dma_start3A_26 = tpu.memref_slice %arg8[%dma_start3A_24, %dma_start3A_25] : memref<2x80xi32, #tpu.memory_space<vmem>> -> memref<1x80xi32, #tpu.memory_space<vmem>>
    %dma_start3A_27 = tpu.memref_squeeze %dma_start3A_26 : memref<1x80xi32, #tpu.memory_space<vmem>> -> memref<80xi32, #tpu.memory_space<vmem>>
    %dma_start3A_28 = arith.constant 0 : i32
    %dma_start3A_29 = arith.constant 0 : i32
    %dma_start3A_30 = tpu.memref_slice %arg2[%dma_start3A_28, %dma_start3A_29] : memref<10240x128xf32, #tpu.memory_space<hbm>> -> memref<10240x128xf32, #tpu.memory_space<hbm>>
    tpu.enqueue_indirect_dma source(%dma_start3A_30 : memref<10240x128xf32, #tpu.memory_space<hbm>>) target(%arg11 : memref<80x128xf32, #tpu.memory_space<vmem>>) offsets(%dma_start3A_27 : memref<80xi32, #tpu.memory_space<vmem>>) semaphore(%arg14 : memref<!tpu.dma_semaphore, #tpu.memory_space<semaphore_mem>>)
    %scan3A = arith.constant 0 : i32
    %scan3A_31 = arith.constant 0 : i32
    %scan3A_32 = arith.constant 40 : i32
    %scan3A_33 = arith.addi %scan3A_31, %scan3A_32 : i32
    %scan3A_34 = arith.constant 1 : i32
    scf.for %scan3A_162 = %scan3A_31 to %scan3A_33 step %scan3A_34  : i32 {
      %mul3A_163 = arith.constant 3 : i32
      %mul3A_164 = arith.muli %mul3A_163, %scan3A_162 : i32
      %dma_wait3A_165 = arith.constant 0 : i32
      %dma_wait3A_166 = arith.constant 0 : i32
      %dma_wait3A_167 = tpu.memref_slice %arg6[%dma_wait3A_165, %dma_wait3A_166] : memref<2x80xi32, #tpu.memory_space<vmem>> -> memref<1x80xi32, #tpu.memory_space<vmem>>
      %dma_wait3A_168 = tpu.memref_squeeze %dma_wait3A_167 : memref<1x80xi32, #tpu.memory_space<vmem>> -> memref<80xi32, #tpu.memory_space<vmem>>
      %dma_wait3A_169 = arith.constant 0 : i32
      %dma_wait3A_170 = arith.constant 0 : i32
      %dma_wait3A_171 = tpu.memref_slice %arg2[%dma_wait3A_169, %dma_wait3A_170] : memref<10240x128xf32, #tpu.memory_space<hbm>> -> memref<10240x128xf32, #tpu.memory_space<hbm>>
      tpu.wait_indirect_dma semaphore(%arg12 : memref<!tpu.dma_semaphore, #tpu.memory_space<semaphore_mem>>) src(%dma_wait3A_171 : memref<10240x128xf32, #tpu.memory_space<hbm>>) dst(%arg9 : memref<80x128xf32, #tpu.memory_space<vmem>>)
      %dma_start3A_172 = arith.constant 1 : i32
      %dma_start3A_173 = arith.constant 0 : i32
      %dma_start3A_174 = tpu.memref_slice %arg6[%dma_start3A_172, %dma_start3A_173] : memref<2x80xi32, #tpu.memory_space<vmem>> -> memref<1x80xi32, #tpu.memory_space<vmem>>
      %dma_start3A_175 = tpu.memref_squeeze %dma_start3A_174 : memref<1x80xi32, #tpu.memory_space<vmem>> -> memref<80xi32, #tpu.memory_space<vmem>>
      %dma_start3A_176 = arith.constant 0 : i32
      %dma_start3A_177 = arith.constant 0 : i32
      %dma_start3A_178 = tpu.memref_slice %arg21[%dma_start3A_176, %dma_start3A_177] : memref<10240x128xf32, #tpu.memory_space<vmem_shared>> -> memref<10240x128xf32, #tpu.memory_space<vmem_shared>>
      tpu.enqueue_indirect_dma source(%arg9 : memref<80x128xf32, #tpu.memory_space<vmem>>) target(%dma_start3A_178 : memref<10240x128xf32, #tpu.memory_space<vmem_shared>>) offsets(%dma_start3A_175 : memref<80xi32, #tpu.memory_space<vmem>>) semaphore(%arg15 : memref<!tpu.dma_semaphore, #tpu.memory_space<semaphore_mem>>) {add = true}
      %dma_wait3A_179 = arith.constant 0 : i32
      %dma_wait3A_180 = arith.constant 0 : i32
      %dma_wait3A_181 = tpu.memref_slice %arg6[%dma_wait3A_179, %dma_wait3A_180] : memref<2x80xi32, #tpu.memory_space<vmem>> -> memref<1x80xi32, #tpu.memory_space<vmem>>
      %dma_wait3A_182 = tpu.memref_squeeze %dma_wait3A_181 : memref<1x80xi32, #tpu.memory_space<vmem>> -> memref<80xi32, #tpu.memory_space<vmem>>
      %dma_wait3A_183 = arith.constant 0 : i32
      %dma_wait3A_184 = arith.constant 0 : i32
      %dma_wait3A_185 = tpu.memref_slice %arg2[%dma_wait3A_183, %dma_wait3A_184] : memref<10240x128xf32, #tpu.memory_space<hbm>> -> memref<10240x128xf32, #tpu.memory_space<hbm>>
      tpu.wait_indirect_dma semaphore(%arg13 : memref<!tpu.dma_semaphore, #tpu.memory_space<semaphore_mem>>) src(%dma_wait3A_185 : memref<10240x128xf32, #tpu.memory_space<hbm>>) dst(%arg10 : memref<80x128xf32, #tpu.memory_space<vmem>>)
      %dma_start3A_186 = arith.constant 1 : i32
      %dma_start3A_187 = arith.constant 0 : i32
      %dma_start3A_188 = tpu.memref_slice %arg7[%dma_start3A_186, %dma_start3A_187] : memref<2x80xi32, #tpu.memory_space<vmem>> -> memref<1x80xi32, #tpu.memory_space<vmem>>
      %dma_start3A_189 = tpu.memref_squeeze %dma_start3A_188 : memref<1x80xi32, #tpu.memory_space<vmem>> -> memref<80xi32, #tpu.memory_space<vmem>>
      %dma_start3A_190 = arith.constant 0 : i32
      %dma_start3A_191 = arith.constant 0 : i32
      %dma_start3A_192 = tpu.memref_slice %arg21[%dma_start3A_190, %dma_start3A_191] : memref<10240x128xf32, #tpu.memory_space<vmem_shared>> -> memref<10240x128xf32, #tpu.memory_space<vmem_shared>>
      tpu.enqueue_indirect_dma source(%arg10 : memref<80x128xf32, #tpu.memory_space<vmem>>) target(%dma_start3A_192 : memref<10240x128xf32, #tpu.memory_space<vmem_shared>>) offsets(%dma_start3A_189 : memref<80xi32, #tpu.memory_space<vmem>>) semaphore(%arg16 : memref<!tpu.dma_semaphore, #tpu.memory_space<semaphore_mem>>) {add = true}
      %dma_wait3A_193 = arith.constant 0 : i32
      %dma_wait3A_194 = arith.constant 0 : i32
      %dma_wait3A_195 = tpu.memref_slice %arg6[%dma_wait3A_193, %dma_wait3A_194] : memref<2x80xi32, #tpu.memory_space<vmem>> -> memref<1x80xi32, #tpu.memory_space<vmem>>
      %dma_wait3A_196 = tpu.memref_squeeze %dma_wait3A_195 : memref<1x80xi32, #tpu.memory_space<vmem>> -> memref<80xi32, #tpu.memory_space<vmem>>
      %dma_wait3A_197 = arith.constant 0 : i32
      %dma_wait3A_198 = arith.constant 0 : i32
      %dma_wait3A_199 = tpu.memref_slice %arg2[%dma_wait3A_197, %dma_wait3A_198] : memref<10240x128xf32, #tpu.memory_space<hbm>> -> memref<10240x128xf32, #tpu.memory_space<hbm>>
      tpu.wait_indirect_dma semaphore(%arg14 : memref<!tpu.dma_semaphore, #tpu.memory_space<semaphore_mem>>) src(%dma_wait3A_199 : memref<10240x128xf32, #tpu.memory_space<hbm>>) dst(%arg11 : memref<80x128xf32, #tpu.memory_space<vmem>>)
      %dma_start3A_200 = arith.constant 1 : i32
      %dma_start3A_201 = arith.constant 0 : i32
      %dma_start3A_202 = tpu.memref_slice %arg8[%dma_start3A_200, %dma_start3A_201] : memref<2x80xi32, #tpu.memory_space<vmem>> -> memref<1x80xi32, #tpu.memory_space<vmem>>
      %dma_start3A_203 = tpu.memref_squeeze %dma_start3A_202 : memref<1x80xi32, #tpu.memory_space<vmem>> -> memref<80xi32, #tpu.memory_space<vmem>>
      %dma_start3A_204 = arith.constant 0 : i32
      %dma_start3A_205 = arith.constant 0 : i32
      %dma_start3A_206 = tpu.memref_slice %arg21[%dma_start3A_204, %dma_start3A_205] : memref<10240x128xf32, #tpu.memory_space<vmem_shared>> -> memref<10240x128xf32, #tpu.memory_space<vmem_shared>>
      tpu.enqueue_indirect_dma source(%arg11 : memref<80x128xf32, #tpu.memory_space<vmem>>) target(%dma_start3A_206 : memref<10240x128xf32, #tpu.memory_space<vmem_shared>>) offsets(%dma_start3A_203 : memref<80xi32, #tpu.memory_space<vmem>>) semaphore(%arg17 : memref<!tpu.dma_semaphore, #tpu.memory_space<semaphore_mem>>) {add = true}
      %dma_wait3A_207 = arith.constant 1 : i32
      %dma_wait3A_208 = arith.constant 0 : i32
      %dma_wait3A_209 = tpu.memref_slice %arg6[%dma_wait3A_207, %dma_wait3A_208] : memref<2x80xi32, #tpu.memory_space<vmem>> -> memref<1x80xi32, #tpu.memory_space<vmem>>
      %dma_wait3A_210 = tpu.memref_squeeze %dma_wait3A_209 : memref<1x80xi32, #tpu.memory_space<vmem>> -> memref<80xi32, #tpu.memory_space<vmem>>
      %dma_wait3A_211 = arith.constant 0 : i32
      %dma_wait3A_212 = arith.constant 0 : i32
      %dma_wait3A_213 = tpu.memref_slice %arg21[%dma_wait3A_211, %dma_wait3A_212] : memref<10240x128xf32, #tpu.memory_space<vmem_shared>> -> memref<10240x128xf32, #tpu.memory_space<vmem_shared>>
      tpu.wait_indirect_dma semaphore(%arg15 : memref<!tpu.dma_semaphore, #tpu.memory_space<semaphore_mem>>) src(%arg9 : memref<80x128xf32, #tpu.memory_space<vmem>>) dst(%dma_wait3A_213 : memref<10240x128xf32, #tpu.memory_space<vmem_shared>>)
      %add3A_214 = arith.constant 3 : i32
      %add3A_215 = arith.addi %mul3A_164, %add3A_214 : i32
      %add3A_216 = arith.addi %mul3A_4, %add3A_215 : i32
      %dma_start3A_217 = arith.constant 0 : i32
      %dma_start3A_218 = arith.constant 0 : i32
      %dma_start3A_219 = tpu.memref_slice %arg3[%add3A_216, %dma_start3A_217, %dma_start3A_218] : memref<4000x2x80xi32, #tpu.memory_space<hbm>> -> memref<1x2x80xi32, #tpu.memory_space<hbm>>
      %dma_start3A_220 = tpu.memref_squeeze %dma_start3A_219 : memref<1x2x80xi32, #tpu.memory_space<hbm>> -> memref<2x80xi32, #tpu.memory_space<hbm>>
      %dma_start3A_221 = arith.constant 0 : i32
      %dma_start3A_222 = arith.constant 0 : i32
      %dma_start3A_223 = tpu.memref_slice %arg3[%add3A_216, %dma_start3A_221, %dma_start3A_222] : memref<4000x2x80xi32, #tpu.memory_space<hbm>> -> memref<1x2x80xi32, #tpu.memory_space<hbm>>
      %dma_start3A_224 = tpu.memref_squeeze %dma_start3A_223 : memref<1x2x80xi32, #tpu.memory_space<hbm>> -> memref<2x80xi32, #tpu.memory_space<hbm>>
      tpu.enqueue_dma source(%dma_start3A_224 : memref<2x80xi32, #tpu.memory_space<hbm>>) target(%arg6 : memref<2x80xi32, #tpu.memory_space<vmem>>) target_semaphore(%arg18 : memref<!tpu.dma_semaphore, #tpu.memory_space<semaphore_mem>>)
      %dma_wait3A_225 = arith.constant 1 : i32
      %dma_wait3A_226 = arith.constant 0 : i32
      %dma_wait3A_227 = tpu.memref_slice %arg7[%dma_wait3A_225, %dma_wait3A_226] : memref<2x80xi32, #tpu.memory_space<vmem>> -> memref<1x80xi32, #tpu.memory_space<vmem>>
      %dma_wait3A_228 = tpu.memref_squeeze %dma_wait3A_227 : memref<1x80xi32, #tpu.memory_space<vmem>> -> memref<80xi32, #tpu.memory_space<vmem>>
      %dma_wait3A_229 = arith.constant 0 : i32
      %dma_wait3A_230 = arith.constant 0 : i32
      %dma_wait3A_231 = tpu.memref_slice %arg21[%dma_wait3A_229, %dma_wait3A_230] : memref<10240x128xf32, #tpu.memory_space<vmem_shared>> -> memref<10240x128xf32, #tpu.memory_space<vmem_shared>>
      tpu.wait_indirect_dma semaphore(%arg16 : memref<!tpu.dma_semaphore, #tpu.memory_space<semaphore_mem>>) src(%arg10 : memref<80x128xf32, #tpu.memory_space<vmem>>) dst(%dma_wait3A_231 : memref<10240x128xf32, #tpu.memory_space<vmem_shared>>)
      %add3A_232 = arith.constant 4 : i32
      %add3A_233 = arith.addi %mul3A_164, %add3A_232 : i32
      %add3A_234 = arith.addi %mul3A_4, %add3A_233 : i32
      %dma_start3A_235 = arith.constant 0 : i32
      %dma_start3A_236 = arith.constant 0 : i32
      %dma_start3A_237 = tpu.memref_slice %arg3[%add3A_234, %dma_start3A_235, %dma_start3A_236] : memref<4000x2x80xi32, #tpu.memory_space<hbm>> -> memref<1x2x80xi32, #tpu.memory_space<hbm>>
      %dma_start3A_238 = tpu.memref_squeeze %dma_start3A_237 : memref<1x2x80xi32, #tpu.memory_space<hbm>> -> memref<2x80xi32, #tpu.memory_space<hbm>>
      %dma_start3A_239 = arith.constant 0 : i32
      %dma_start3A_240 = arith.constant 0 : i32
      %dma_start3A_241 = tpu.memref_slice %arg3[%add3A_234, %dma_start3A_239, %dma_start3A_240] : memref<4000x2x80xi32, #tpu.memory_space<hbm>> -> memref<1x2x80xi32, #tpu.memory_space<hbm>>
      %dma_start3A_242 = tpu.memref_squeeze %dma_start3A_241 : memref<1x2x80xi32, #tpu.memory_space<hbm>> -> memref<2x80xi32, #tpu.memory_space<hbm>>
      tpu.enqueue_dma source(%dma_start3A_242 : memref<2x80xi32, #tpu.memory_space<hbm>>) target(%arg7 : memref<2x80xi32, #tpu.memory_space<vmem>>) target_semaphore(%arg19 : memref<!tpu.dma_semaphore, #tpu.memory_space<semaphore_mem>>)
      %dma_wait3A_243 = arith.constant 1 : i32
      %dma_wait3A_244 = arith.constant 0 : i32
      %dma_wait3A_245 = tpu.memref_slice %arg8[%dma_wait3A_243, %dma_wait3A_244] : memref<2x80xi32, #tpu.memory_space<vmem>> -> memref<1x80xi32, #tpu.memory_space<vmem>>
      %dma_wait3A_246 = tpu.memref_squeeze %dma_wait3A_245 : memref<1x80xi32, #tpu.memory_space<vmem>> -> memref<80xi32, #tpu.memory_space<vmem>>
      %dma_wait3A_247 = arith.constant 0 : i32
      %dma_wait3A_248 = arith.constant 0 : i32
      %dma_wait3A_249 = tpu.memref_slice %arg21[%dma_wait3A_247, %dma_wait3A_248] : memref<10240x128xf32, #tpu.memory_space<vmem_shared>> -> memref<10240x128xf32, #tpu.memory_space<vmem_shared>>
      tpu.wait_indirect_dma semaphore(%arg17 : memref<!tpu.dma_semaphore, #tpu.memory_space<semaphore_mem>>) src(%arg11 : memref<80x128xf32, #tpu.memory_space<vmem>>) dst(%dma_wait3A_249 : memref<10240x128xf32, #tpu.memory_space<vmem_shared>>)
      %add3A_250 = arith.constant 5 : i32
      %add3A_251 = arith.addi %mul3A_164, %add3A_250 : i32
      %add3A_252 = arith.addi %mul3A_4, %add3A_251 : i32
      %dma_start3A_253 = arith.constant 0 : i32
      %dma_start3A_254 = arith.constant 0 : i32
      %dma_start3A_255 = tpu.memref_slice %arg3[%add3A_252, %dma_start3A_253, %dma_start3A_254] : memref<4000x2x80xi32, #tpu.memory_space<hbm>> -> memref<1x2x80xi32, #tpu.memory_space<hbm>>
      %dma_start3A_256 = tpu.memref_squeeze %dma_start3A_255 : memref<1x2x80xi32, #tpu.memory_space<hbm>> -> memref<2x80xi32, #tpu.memory_space<hbm>>
      %dma_start3A_257 = arith.constant 0 : i32
      %dma_start3A_258 = arith.constant 0 : i32
      %dma_start3A_259 = tpu.memref_slice %arg3[%add3A_252, %dma_start3A_257, %dma_start3A_258] : memref<4000x2x80xi32, #tpu.memory_space<hbm>> -> memref<1x2x80xi32, #tpu.memory_space<hbm>>
      %dma_start3A_260 = tpu.memref_squeeze %dma_start3A_259 : memref<1x2x80xi32, #tpu.memory_space<hbm>> -> memref<2x80xi32, #tpu.memory_space<hbm>>
      tpu.enqueue_dma source(%dma_start3A_260 : memref<2x80xi32, #tpu.memory_space<hbm>>) target(%arg8 : memref<2x80xi32, #tpu.memory_space<vmem>>) target_semaphore(%arg20 : memref<!tpu.dma_semaphore, #tpu.memory_space<semaphore_mem>>)
      %dma_wait3A_261 = arith.constant 0 : i32
      %dma_wait3A_262 = arith.constant 0 : i32
      %dma_wait3A_263 = tpu.memref_slice %arg3[%mul3A_4, %dma_wait3A_261, %dma_wait3A_262] : memref<4000x2x80xi32, #tpu.memory_space<hbm>> -> memref<1x2x80xi32, #tpu.memory_space<hbm>>
      %dma_wait3A_264 = tpu.memref_squeeze %dma_wait3A_263 : memref<1x2x80xi32, #tpu.memory_space<hbm>> -> memref<2x80xi32, #tpu.memory_space<hbm>>
      %dma_wait3A_265 = arith.constant 0 : i32
      %dma_wait3A_266 = arith.constant 0 : i32
      %dma_wait3A_267 = tpu.memref_slice %arg3[%mul3A_4, %dma_wait3A_265, %dma_wait3A_266] : memref<4000x2x80xi32, #tpu.memory_space<hbm>> -> memref<1x2x80xi32, #tpu.memory_space<hbm>>
      %dma_wait3A_268 = tpu.memref_squeeze %dma_wait3A_267 : memref<1x2x80xi32, #tpu.memory_space<hbm>> -> memref<2x80xi32, #tpu.memory_space<hbm>>
      tpu.wait_dma2 semaphore(%arg18 : memref<!tpu.dma_semaphore, #tpu.memory_space<semaphore_mem>>) src(%dma_wait3A_268 : memref<2x80xi32, #tpu.memory_space<hbm>>) dst(%arg6 : memref<2x80xi32, #tpu.memory_space<vmem>>)
      %dma_start3A_269 = arith.constant 0 : i32
      %dma_start3A_270 = arith.constant 0 : i32
      %dma_start3A_271 = tpu.memref_slice %arg6[%dma_start3A_269, %dma_start3A_270] : memref<2x80xi32, #tpu.memory_space<vmem>> -> memref<1x80xi32, #tpu.memory_space<vmem>>
      %dma_start3A_272 = tpu.memref_squeeze %dma_start3A_271 : memref<1x80xi32, #tpu.memory_space<vmem>> -> memref<80xi32, #tpu.memory_space<vmem>>
      %dma_start3A_273 = arith.constant 0 : i32
      %dma_start3A_274 = arith.constant 0 : i32
      %dma_start3A_275 = tpu.memref_slice %arg2[%dma_start3A_273, %dma_start3A_274] : memref<10240x128xf32, #tpu.memory_space<hbm>> -> memref<10240x128xf32, #tpu.memory_space<hbm>>
      tpu.enqueue_indirect_dma source(%dma_start3A_275 : memref<10240x128xf32, #tpu.memory_space<hbm>>) target(%arg9 : memref<80x128xf32, #tpu.memory_space<vmem>>) offsets(%dma_start3A_272 : memref<80xi32, #tpu.memory_space<vmem>>) semaphore(%arg12 : memref<!tpu.dma_semaphore, #tpu.memory_space<semaphore_mem>>)
      %dma_wait3A_276 = arith.constant 0 : i32
      %dma_wait3A_277 = arith.constant 0 : i32
      %dma_wait3A_278 = tpu.memref_slice %arg3[%mul3A_4, %dma_wait3A_276, %dma_wait3A_277] : memref<4000x2x80xi32, #tpu.memory_space<hbm>> -> memref<1x2x80xi32, #tpu.memory_space<hbm>>
      %dma_wait3A_279 = tpu.memref_squeeze %dma_wait3A_278 : memref<1x2x80xi32, #tpu.memory_space<hbm>> -> memref<2x80xi32, #tpu.memory_space<hbm>>
      %dma_wait3A_280 = arith.constant 0 : i32
      %dma_wait3A_281 = arith.constant 0 : i32
      %dma_wait3A_282 = tpu.memref_slice %arg3[%mul3A_4, %dma_wait3A_280, %dma_wait3A_281] : memref<4000x2x80xi32, #tpu.memory_space<hbm>> -> memref<1x2x80xi32, #tpu.memory_space<hbm>>
      %dma_wait3A_283 = tpu.memref_squeeze %dma_wait3A_282 : memref<1x2x80xi32, #tpu.memory_space<hbm>> -> memref<2x80xi32, #tpu.memory_space<hbm>>
      tpu.wait_dma2 semaphore(%arg19 : memref<!tpu.dma_semaphore, #tpu.memory_space<semaphore_mem>>) src(%dma_wait3A_283 : memref<2x80xi32, #tpu.memory_space<hbm>>) dst(%arg7 : memref<2x80xi32, #tpu.memory_space<vmem>>)
      %dma_start3A_284 = arith.constant 0 : i32
      %dma_start3A_285 = arith.constant 0 : i32
      %dma_start3A_286 = tpu.memref_slice %arg7[%dma_start3A_284, %dma_start3A_285] : memref<2x80xi32, #tpu.memory_space<vmem>> -> memref<1x80xi32, #tpu.memory_space<vmem>>
      %dma_start3A_287 = tpu.memref_squeeze %dma_start3A_286 : memref<1x80xi32, #tpu.memory_space<vmem>> -> memref<80xi32, #tpu.memory_space<vmem>>
      %dma_start3A_288 = arith.constant 0 : i32
      %dma_start3A_289 = arith.constant 0 : i32
      %dma_start3A_290 = tpu.memref_slice %arg2[%dma_start3A_288, %dma_start3A_289] : memref<10240x128xf32, #tpu.memory_space<hbm>> -> memref<10240x128xf32, #tpu.memory_space<hbm>>
      tpu.enqueue_indirect_dma source(%dma_start3A_290 : memref<10240x128xf32, #tpu.memory_space<hbm>>) target(%arg10 : memref<80x128xf32, #tpu.memory_space<vmem>>) offsets(%dma_start3A_287 : memref<80xi32, #tpu.memory_space<vmem>>) semaphore(%arg13 : memref<!tpu.dma_semaphore, #tpu.memory_space<semaphore_mem>>)
      %dma_wait3A_291 = arith.constant 0 : i32
      %dma_wait3A_292 = arith.constant 0 : i32
      %dma_wait3A_293 = tpu.memref_slice %arg3[%mul3A_4, %dma_wait3A_291, %dma_wait3A_292] : memref<4000x2x80xi32, #tpu.memory_space<hbm>> -> memref<1x2x80xi32, #tpu.memory_space<hbm>>
      %dma_wait3A_294 = tpu.memref_squeeze %dma_wait3A_293 : memref<1x2x80xi32, #tpu.memory_space<hbm>> -> memref<2x80xi32, #tpu.memory_space<hbm>>
      %dma_wait3A_295 = arith.constant 0 : i32
      %dma_wait3A_296 = arith.constant 0 : i32
      %dma_wait3A_297 = tpu.memref_slice %arg3[%mul3A_4, %dma_wait3A_295, %dma_wait3A_296] : memref<4000x2x80xi32, #tpu.memory_space<hbm>> -> memref<1x2x80xi32, #tpu.memory_space<hbm>>
      %dma_wait3A_298 = tpu.memref_squeeze %dma_wait3A_297 : memref<1x2x80xi32, #tpu.memory_space<hbm>> -> memref<2x80xi32, #tpu.memory_space<hbm>>
      tpu.wait_dma2 semaphore(%arg20 : memref<!tpu.dma_semaphore, #tpu.memory_space<semaphore_mem>>) src(%dma_wait3A_298 : memref<2x80xi32, #tpu.memory_space<hbm>>) dst(%arg8 : memref<2x80xi32, #tpu.memory_space<vmem>>)
      %dma_start3A_299 = arith.constant 0 : i32
      %dma_start3A_300 = arith.constant 0 : i32
      %dma_start3A_301 = tpu.memref_slice %arg8[%dma_start3A_299, %dma_start3A_300] : memref<2x80xi32, #tpu.memory_space<vmem>> -> memref<1x80xi32, #tpu.memory_space<vmem>>
      %dma_start3A_302 = tpu.memref_squeeze %dma_start3A_301 : memref<1x80xi32, #tpu.memory_space<vmem>> -> memref<80xi32, #tpu.memory_space<vmem>>
      %dma_start3A_303 = arith.constant 0 : i32
      %dma_start3A_304 = arith.constant 0 : i32
      %dma_start3A_305 = tpu.memref_slice %arg2[%dma_start3A_303, %dma_start3A_304] : memref<10240x128xf32, #tpu.memory_space<hbm>> -> memref<10240x128xf32, #tpu.memory_space<hbm>>
      tpu.enqueue_indirect_dma source(%dma_start3A_305 : memref<10240x128xf32, #tpu.memory_space<hbm>>) target(%arg11 : memref<80x128xf32, #tpu.memory_space<vmem>>) offsets(%dma_start3A_302 : memref<80xi32, #tpu.memory_space<vmem>>) semaphore(%arg14 : memref<!tpu.dma_semaphore, #tpu.memory_space<semaphore_mem>>)
    }
    %scan3A_35 = arith.constant 40 : i32
    %dma_wait3A = arith.constant 0 : i32
    %dma_wait3A_36 = arith.constant 0 : i32
    %dma_wait3A_37 = tpu.memref_slice %arg6[%dma_wait3A, %dma_wait3A_36] : memref<2x80xi32, #tpu.memory_space<vmem>> -> memref<1x80xi32, #tpu.memory_space<vmem>>
    %dma_wait3A_38 = tpu.memref_squeeze %dma_wait3A_37 : memref<1x80xi32, #tpu.memory_space<vmem>> -> memref<80xi32, #tpu.memory_space<vmem>>
    %dma_wait3A_39 = arith.constant 0 : i32
    %dma_wait3A_40 = arith.constant 0 : i32
    %dma_wait3A_41 = tpu.memref_slice %arg2[%dma_wait3A_39, %dma_wait3A_40] : memref<10240x128xf32, #tpu.memory_space<hbm>> -> memref<10240x128xf32, #tpu.memory_space<hbm>>
    tpu.wait_indirect_dma semaphore(%arg12 : memref<!tpu.dma_semaphore, #tpu.memory_space<semaphore_mem>>) src(%dma_wait3A_41 : memref<10240x128xf32, #tpu.memory_space<hbm>>) dst(%arg9 : memref<80x128xf32, #tpu.memory_space<vmem>>)
    %dma_start3A_42 = arith.constant 1 : i32
    %dma_start3A_43 = arith.constant 0 : i32
    %dma_start3A_44 = tpu.memref_slice %arg6[%dma_start3A_42, %dma_start3A_43] : memref<2x80xi32, #tpu.memory_space<vmem>> -> memref<1x80xi32, #tpu.memory_space<vmem>>
    %dma_start3A_45 = tpu.memref_squeeze %dma_start3A_44 : memref<1x80xi32, #tpu.memory_space<vmem>> -> memref<80xi32, #tpu.memory_space<vmem>>
    %dma_start3A_46 = arith.constant 0 : i32
    %dma_start3A_47 = arith.constant 0 : i32
    %dma_start3A_48 = tpu.memref_slice %arg21[%dma_start3A_46, %dma_start3A_47] : memref<10240x128xf32, #tpu.memory_space<vmem_shared>> -> memref<10240x128xf32, #tpu.memory_space<vmem_shared>>
    tpu.enqueue_indirect_dma source(%arg9 : memref<80x128xf32, #tpu.memory_space<vmem>>) target(%dma_start3A_48 : memref<10240x128xf32, #tpu.memory_space<vmem_shared>>) offsets(%dma_start3A_45 : memref<80xi32, #tpu.memory_space<vmem>>) semaphore(%arg15 : memref<!tpu.dma_semaphore, #tpu.memory_space<semaphore_mem>>) {add = true}
    %dma_wait3A_49 = arith.constant 1 : i32
    %dma_wait3A_50 = arith.constant 0 : i32
    %dma_wait3A_51 = tpu.memref_slice %arg6[%dma_wait3A_49, %dma_wait3A_50] : memref<2x80xi32, #tpu.memory_space<vmem>> -> memref<1x80xi32, #tpu.memory_space<vmem>>
    %dma_wait3A_52 = tpu.memref_squeeze %dma_wait3A_51 : memref<1x80xi32, #tpu.memory_space<vmem>> -> memref<80xi32, #tpu.memory_space<vmem>>
    %dma_wait3A_53 = arith.constant 0 : i32
    %dma_wait3A_54 = arith.constant 0 : i32
    %dma_wait3A_55 = tpu.memref_slice %arg21[%dma_wait3A_53, %dma_wait3A_54] : memref<10240x128xf32, #tpu.memory_space<vmem_shared>> -> memref<10240x128xf32, #tpu.memory_space<vmem_shared>>
    tpu.wait_indirect_dma semaphore(%arg15 : memref<!tpu.dma_semaphore, #tpu.memory_space<semaphore_mem>>) src(%arg9 : memref<80x128xf32, #tpu.memory_space<vmem>>) dst(%dma_wait3A_55 : memref<10240x128xf32, #tpu.memory_space<vmem_shared>>)
    %add3A_56 = arith.constant 123 : i32
    %add3A_57 = arith.addi %mul3A_4, %add3A_56 : i32
    "tpu.region"() ({
      %run_scoped3A = tpu.sem_alloc : memref<!tpu.dma_semaphore, #tpu.memory_space<semaphore_mem>>
      %dma_start3A_162 = arith.constant 0 : i32
      %dma_start3A_163 = arith.constant 0 : i32
      %dma_start3A_164 = tpu.memref_slice %arg3[%add3A_57, %dma_start3A_162, %dma_start3A_163] : memref<4000x2x80xi32, #tpu.memory_space<hbm>> -> memref<1x2x80xi32, #tpu.memory_space<hbm>>
      %dma_start3A_165 = tpu.memref_squeeze %dma_start3A_164 : memref<1x2x80xi32, #tpu.memory_space<hbm>> -> memref<2x80xi32, #tpu.memory_space<hbm>>
      %dma_start3A_166 = arith.constant 0 : i32
      %dma_start3A_167 = arith.constant 0 : i32
      %dma_start3A_168 = tpu.memref_slice %arg3[%add3A_57, %dma_start3A_166, %dma_start3A_167] : memref<4000x2x80xi32, #tpu.memory_space<hbm>> -> memref<1x2x80xi32, #tpu.memory_space<hbm>>
      %dma_start3A_169 = tpu.memref_squeeze %dma_start3A_168 : memref<1x2x80xi32, #tpu.memory_space<hbm>> -> memref<2x80xi32, #tpu.memory_space<hbm>>
      tpu.enqueue_dma source(%dma_start3A_169 : memref<2x80xi32, #tpu.memory_space<hbm>>) target(%arg6 : memref<2x80xi32, #tpu.memory_space<vmem>>) target_semaphore(%run_scoped3A : memref<!tpu.dma_semaphore, #tpu.memory_space<semaphore_mem>>)
      %dma_wait3A_170 = arith.constant 0 : i32
      %dma_wait3A_171 = arith.constant 0 : i32
      %dma_wait3A_172 = tpu.memref_slice %arg3[%add3A_57, %dma_wait3A_170, %dma_wait3A_171] : memref<4000x2x80xi32, #tpu.memory_space<hbm>> -> memref<1x2x80xi32, #tpu.memory_space<hbm>>
      %dma_wait3A_173 = tpu.memref_squeeze %dma_wait3A_172 : memref<1x2x80xi32, #tpu.memory_space<hbm>> -> memref<2x80xi32, #tpu.memory_space<hbm>>
      %dma_wait3A_174 = arith.constant 0 : i32
      %dma_wait3A_175 = arith.constant 0 : i32
      %dma_wait3A_176 = tpu.memref_slice %arg3[%add3A_57, %dma_wait3A_174, %dma_wait3A_175] : memref<4000x2x80xi32, #tpu.memory_space<hbm>> -> memref<1x2x80xi32, #tpu.memory_space<hbm>>
      %dma_wait3A_177 = tpu.memref_squeeze %dma_wait3A_176 : memref<1x2x80xi32, #tpu.memory_space<hbm>> -> memref<2x80xi32, #tpu.memory_space<hbm>>
      tpu.wait_dma2 semaphore(%run_scoped3A : memref<!tpu.dma_semaphore, #tpu.memory_space<semaphore_mem>>) src(%dma_wait3A_177 : memref<2x80xi32, #tpu.memory_space<hbm>>) dst(%arg6 : memref<2x80xi32, #tpu.memory_space<vmem>>)
      tpu.yield
    }) : () -> ()
    %dma_start3A_58 = arith.constant 0 : i32
    %dma_start3A_59 = arith.constant 0 : i32
    %dma_start3A_60 = tpu.memref_slice %arg6[%dma_start3A_58, %dma_start3A_59] : memref<2x80xi32, #tpu.memory_space<vmem>> -> memref<1x80xi32, #tpu.memory_space<vmem>>
    %dma_start3A_61 = tpu.memref_squeeze %dma_start3A_60 : memref<1x80xi32, #tpu.memory_space<vmem>> -> memref<80xi32, #tpu.memory_space<vmem>>
    %dma_start3A_62 = arith.constant 0 : i32
    %dma_start3A_63 = arith.constant 0 : i32
    %dma_start3A_64 = tpu.memref_slice %arg2[%dma_start3A_62, %dma_start3A_63] : memref<10240x128xf32, #tpu.memory_space<hbm>> -> memref<10240x128xf32, #tpu.memory_space<hbm>>
    tpu.enqueue_indirect_dma source(%dma_start3A_64 : memref<10240x128xf32, #tpu.memory_space<hbm>>) target(%arg9 : memref<80x128xf32, #tpu.memory_space<vmem>>) offsets(%dma_start3A_61 : memref<80xi32, #tpu.memory_space<vmem>>) semaphore(%arg12 : memref<!tpu.dma_semaphore, #tpu.memory_space<semaphore_mem>>)
    %dma_wait3A_65 = arith.constant 0 : i32
    %dma_wait3A_66 = arith.constant 0 : i32
    %dma_wait3A_67 = tpu.memref_slice %arg6[%dma_wait3A_65, %dma_wait3A_66] : memref<2x80xi32, #tpu.memory_space<vmem>> -> memref<1x80xi32, #tpu.memory_space<vmem>>
    %dma_wait3A_68 = tpu.memref_squeeze %dma_wait3A_67 : memref<1x80xi32, #tpu.memory_space<vmem>> -> memref<80xi32, #tpu.memory_space<vmem>>
    %dma_wait3A_69 = arith.constant 0 : i32
    %dma_wait3A_70 = arith.constant 0 : i32
    %dma_wait3A_71 = tpu.memref_slice %arg2[%dma_wait3A_69, %dma_wait3A_70] : memref<10240x128xf32, #tpu.memory_space<hbm>> -> memref<10240x128xf32, #tpu.memory_space<hbm>>
    tpu.wait_indirect_dma semaphore(%arg13 : memref<!tpu.dma_semaphore, #tpu.memory_space<semaphore_mem>>) src(%dma_wait3A_71 : memref<10240x128xf32, #tpu.memory_space<hbm>>) dst(%arg10 : memref<80x128xf32, #tpu.memory_space<vmem>>)
    %dma_start3A_72 = arith.constant 1 : i32
    %dma_start3A_73 = arith.constant 0 : i32
    %dma_start3A_74 = tpu.memref_slice %arg7[%dma_start3A_72, %dma_start3A_73] : memref<2x80xi32, #tpu.memory_space<vmem>> -> memref<1x80xi32, #tpu.memory_space<vmem>>
    %dma_start3A_75 = tpu.memref_squeeze %dma_start3A_74 : memref<1x80xi32, #tpu.memory_space<vmem>> -> memref<80xi32, #tpu.memory_space<vmem>>
    %dma_start3A_76 = arith.constant 0 : i32
    %dma_start3A_77 = arith.constant 0 : i32
    %dma_start3A_78 = tpu.memref_slice %arg21[%dma_start3A_76, %dma_start3A_77] : memref<10240x128xf32, #tpu.memory_space<vmem_shared>> -> memref<10240x128xf32, #tpu.memory_space<vmem_shared>>
    tpu.enqueue_indirect_dma source(%arg10 : memref<80x128xf32, #tpu.memory_space<vmem>>) target(%dma_start3A_78 : memref<10240x128xf32, #tpu.memory_space<vmem_shared>>) offsets(%dma_start3A_75 : memref<80xi32, #tpu.memory_space<vmem>>) semaphore(%arg16 : memref<!tpu.dma_semaphore, #tpu.memory_space<semaphore_mem>>) {add = true}
    %dma_wait3A_79 = arith.constant 1 : i32
    %dma_wait3A_80 = arith.constant 0 : i32
    %dma_wait3A_81 = tpu.memref_slice %arg7[%dma_wait3A_79, %dma_wait3A_80] : memref<2x80xi32, #tpu.memory_space<vmem>> -> memref<1x80xi32, #tpu.memory_space<vmem>>
    %dma_wait3A_82 = tpu.memref_squeeze %dma_wait3A_81 : memref<1x80xi32, #tpu.memory_space<vmem>> -> memref<80xi32, #tpu.memory_space<vmem>>
    %dma_wait3A_83 = arith.constant 0 : i32
    %dma_wait3A_84 = arith.constant 0 : i32
    %dma_wait3A_85 = tpu.memref_slice %arg21[%dma_wait3A_83, %dma_wait3A_84] : memref<10240x128xf32, #tpu.memory_space<vmem_shared>> -> memref<10240x128xf32, #tpu.memory_space<vmem_shared>>
    tpu.wait_indirect_dma semaphore(%arg16 : memref<!tpu.dma_semaphore, #tpu.memory_space<semaphore_mem>>) src(%arg10 : memref<80x128xf32, #tpu.memory_space<vmem>>) dst(%dma_wait3A_85 : memref<10240x128xf32, #tpu.memory_space<vmem_shared>>)
    %add3A_86 = arith.constant 124 : i32
    %add3A_87 = arith.addi %mul3A_4, %add3A_86 : i32
    "tpu.region"() ({
      %run_scoped3A = tpu.sem_alloc : memref<!tpu.dma_semaphore, #tpu.memory_space<semaphore_mem>>
      %dma_start3A_162 = arith.constant 0 : i32
      %dma_start3A_163 = arith.constant 0 : i32
      %dma_start3A_164 = tpu.memref_slice %arg3[%add3A_87, %dma_start3A_162, %dma_start3A_163] : memref<4000x2x80xi32, #tpu.memory_space<hbm>> -> memref<1x2x80xi32, #tpu.memory_space<hbm>>
      %dma_start3A_165 = tpu.memref_squeeze %dma_start3A_164 : memref<1x2x80xi32, #tpu.memory_space<hbm>> -> memref<2x80xi32, #tpu.memory_space<hbm>>
      %dma_start3A_166 = arith.constant 0 : i32
      %dma_start3A_167 = arith.constant 0 : i32
      %dma_start3A_168 = tpu.memref_slice %arg3[%add3A_87, %dma_start3A_166, %dma_start3A_167] : memref<4000x2x80xi32, #tpu.memory_space<hbm>> -> memref<1x2x80xi32, #tpu.memory_space<hbm>>
      %dma_start3A_169 = tpu.memref_squeeze %dma_start3A_168 : memref<1x2x80xi32, #tpu.memory_space<hbm>> -> memref<2x80xi32, #tpu.memory_space<hbm>>
      tpu.enqueue_dma source(%dma_start3A_169 : memref<2x80xi32, #tpu.memory_space<hbm>>) target(%arg7 : memref<2x80xi32, #tpu.memory_space<vmem>>) target_semaphore(%run_scoped3A : memref<!tpu.dma_semaphore, #tpu.memory_space<semaphore_mem>>)
      %dma_wait3A_170 = arith.constant 0 : i32
      %dma_wait3A_171 = arith.constant 0 : i32
      %dma_wait3A_172 = tpu.memref_slice %arg3[%add3A_87, %dma_wait3A_170, %dma_wait3A_171] : memref<4000x2x80xi32, #tpu.memory_space<hbm>> -> memref<1x2x80xi32, #tpu.memory_space<hbm>>
      %dma_wait3A_173 = tpu.memref_squeeze %dma_wait3A_172 : memref<1x2x80xi32, #tpu.memory_space<hbm>> -> memref<2x80xi32, #tpu.memory_space<hbm>>
      %dma_wait3A_174 = arith.constant 0 : i32
      %dma_wait3A_175 = arith.constant 0 : i32
      %dma_wait3A_176 = tpu.memref_slice %arg3[%add3A_87, %dma_wait3A_174, %dma_wait3A_175] : memref<4000x2x80xi32, #tpu.memory_space<hbm>> -> memref<1x2x80xi32, #tpu.memory_space<hbm>>
      %dma_wait3A_177 = tpu.memref_squeeze %dma_wait3A_176 : memref<1x2x80xi32, #tpu.memory_space<hbm>> -> memref<2x80xi32, #tpu.memory_space<hbm>>
      tpu.wait_dma2 semaphore(%run_scoped3A : memref<!tpu.dma_semaphore, #tpu.memory_space<semaphore_mem>>) src(%dma_wait3A_177 : memref<2x80xi32, #tpu.memory_space<hbm>>) dst(%arg7 : memref<2x80xi32, #tpu.memory_space<vmem>>)
      tpu.yield
    }) : () -> ()
    %dma_start3A_88 = arith.constant 0 : i32
    %dma_start3A_89 = arith.constant 0 : i32
    %dma_start3A_90 = tpu.memref_slice %arg7[%dma_start3A_88, %dma_start3A_89] : memref<2x80xi32, #tpu.memory_space<vmem>> -> memref<1x80xi32, #tpu.memory_space<vmem>>
    %dma_start3A_91 = tpu.memref_squeeze %dma_start3A_90 : memref<1x80xi32, #tpu.memory_space<vmem>> -> memref<80xi32, #tpu.memory_space<vmem>>
    %dma_start3A_92 = arith.constant 0 : i32
    %dma_start3A_93 = arith.constant 0 : i32
    %dma_start3A_94 = tpu.memref_slice %arg2[%dma_start3A_92, %dma_start3A_93] : memref<10240x128xf32, #tpu.memory_space<hbm>> -> memref<10240x128xf32, #tpu.memory_space<hbm>>
    tpu.enqueue_indirect_dma source(%dma_start3A_94 : memref<10240x128xf32, #tpu.memory_space<hbm>>) target(%arg10 : memref<80x128xf32, #tpu.memory_space<vmem>>) offsets(%dma_start3A_91 : memref<80xi32, #tpu.memory_space<vmem>>) semaphore(%arg13 : memref<!tpu.dma_semaphore, #tpu.memory_space<semaphore_mem>>)
    %dma_wait3A_95 = arith.constant 0 : i32
    %dma_wait3A_96 = arith.constant 0 : i32
    %dma_wait3A_97 = tpu.memref_slice %arg6[%dma_wait3A_95, %dma_wait3A_96] : memref<2x80xi32, #tpu.memory_space<vmem>> -> memref<1x80xi32, #tpu.memory_space<vmem>>
    %dma_wait3A_98 = tpu.memref_squeeze %dma_wait3A_97 : memref<1x80xi32, #tpu.memory_space<vmem>> -> memref<80xi32, #tpu.memory_space<vmem>>
    %dma_wait3A_99 = arith.constant 0 : i32
    %dma_wait3A_100 = arith.constant 0 : i32
    %dma_wait3A_101 = tpu.memref_slice %arg2[%dma_wait3A_99, %dma_wait3A_100] : memref<10240x128xf32, #tpu.memory_space<hbm>> -> memref<10240x128xf32, #tpu.memory_space<hbm>>
    tpu.wait_indirect_dma semaphore(%arg14 : memref<!tpu.dma_semaphore, #tpu.memory_space<semaphore_mem>>) src(%dma_wait3A_101 : memref<10240x128xf32, #tpu.memory_space<hbm>>) dst(%arg11 : memref<80x128xf32, #tpu.memory_space<vmem>>)
    %dma_start3A_102 = arith.constant 1 : i32
    %dma_start3A_103 = arith.constant 0 : i32
    %dma_start3A_104 = tpu.memref_slice %arg8[%dma_start3A_102, %dma_start3A_103] : memref<2x80xi32, #tpu.memory_space<vmem>> -> memref<1x80xi32, #tpu.memory_space<vmem>>
    %dma_start3A_105 = tpu.memref_squeeze %dma_start3A_104 : memref<1x80xi32, #tpu.memory_space<vmem>> -> memref<80xi32, #tpu.memory_space<vmem>>
    %dma_start3A_106 = arith.constant 0 : i32
    %dma_start3A_107 = arith.constant 0 : i32
    %dma_start3A_108 = tpu.memref_slice %arg21[%dma_start3A_106, %dma_start3A_107] : memref<10240x128xf32, #tpu.memory_space<vmem_shared>> -> memref<10240x128xf32, #tpu.memory_space<vmem_shared>>
    tpu.enqueue_indirect_dma source(%arg11 : memref<80x128xf32, #tpu.memory_space<vmem>>) target(%dma_start3A_108 : memref<10240x128xf32, #tpu.memory_space<vmem_shared>>) offsets(%dma_start3A_105 : memref<80xi32, #tpu.memory_space<vmem>>) semaphore(%arg17 : memref<!tpu.dma_semaphore, #tpu.memory_space<semaphore_mem>>) {add = true}
    %dma_wait3A_109 = arith.constant 0 : i32
    %dma_wait3A_110 = arith.constant 0 : i32
    %dma_wait3A_111 = tpu.memref_slice %arg6[%dma_wait3A_109, %dma_wait3A_110] : memref<2x80xi32, #tpu.memory_space<vmem>> -> memref<1x80xi32, #tpu.memory_space<vmem>>
    %dma_wait3A_112 = tpu.memref_squeeze %dma_wait3A_111 : memref<1x80xi32, #tpu.memory_space<vmem>> -> memref<80xi32, #tpu.memory_space<vmem>>
    %dma_wait3A_113 = arith.constant 0 : i32
    %dma_wait3A_114 = arith.constant 0 : i32
    %dma_wait3A_115 = tpu.memref_slice %arg2[%dma_wait3A_113, %dma_wait3A_114] : memref<10240x128xf32, #tpu.memory_space<hbm>> -> memref<10240x128xf32, #tpu.memory_space<hbm>>
    tpu.wait_indirect_dma semaphore(%arg12 : memref<!tpu.dma_semaphore, #tpu.memory_space<semaphore_mem>>) src(%dma_wait3A_115 : memref<10240x128xf32, #tpu.memory_space<hbm>>) dst(%arg9 : memref<80x128xf32, #tpu.memory_space<vmem>>)
    %dma_start3A_116 = arith.constant 1 : i32
    %dma_start3A_117 = arith.constant 0 : i32
    %dma_start3A_118 = tpu.memref_slice %arg6[%dma_start3A_116, %dma_start3A_117] : memref<2x80xi32, #tpu.memory_space<vmem>> -> memref<1x80xi32, #tpu.memory_space<vmem>>
    %dma_start3A_119 = tpu.memref_squeeze %dma_start3A_118 : memref<1x80xi32, #tpu.memory_space<vmem>> -> memref<80xi32, #tpu.memory_space<vmem>>
    %dma_start3A_120 = arith.constant 0 : i32
    %dma_start3A_121 = arith.constant 0 : i32
    %dma_start3A_122 = tpu.memref_slice %arg21[%dma_start3A_120, %dma_start3A_121] : memref<10240x128xf32, #tpu.memory_space<vmem_shared>> -> memref<10240x128xf32, #tpu.memory_space<vmem_shared>>
    tpu.enqueue_indirect_dma source(%arg9 : memref<80x128xf32, #tpu.memory_space<vmem>>) target(%dma_start3A_122 : memref<10240x128xf32, #tpu.memory_space<vmem_shared>>) offsets(%dma_start3A_119 : memref<80xi32, #tpu.memory_space<vmem>>) semaphore(%arg15 : memref<!tpu.dma_semaphore, #tpu.memory_space<semaphore_mem>>) {add = true}
    %dma_wait3A_123 = arith.constant 0 : i32
    %dma_wait3A_124 = arith.constant 0 : i32
    %dma_wait3A_125 = tpu.memref_slice %arg6[%dma_wait3A_123, %dma_wait3A_124] : memref<2x80xi32, #tpu.memory_space<vmem>> -> memref<1x80xi32, #tpu.memory_space<vmem>>
    %dma_wait3A_126 = tpu.memref_squeeze %dma_wait3A_125 : memref<1x80xi32, #tpu.memory_space<vmem>> -> memref<80xi32, #tpu.memory_space<vmem>>
    %dma_wait3A_127 = arith.constant 0 : i32
    %dma_wait3A_128 = arith.constant 0 : i32
    %dma_wait3A_129 = tpu.memref_slice %arg2[%dma_wait3A_127, %dma_wait3A_128] : memref<10240x128xf32, #tpu.memory_space<hbm>> -> memref<10240x128xf32, #tpu.memory_space<hbm>>
    tpu.wait_indirect_dma semaphore(%arg13 : memref<!tpu.dma_semaphore, #tpu.memory_space<semaphore_mem>>) src(%dma_wait3A_129 : memref<10240x128xf32, #tpu.memory_space<hbm>>) dst(%arg10 : memref<80x128xf32, #tpu.memory_space<vmem>>)
    %dma_start3A_130 = arith.constant 1 : i32
    %dma_start3A_131 = arith.constant 0 : i32
    %dma_start3A_132 = tpu.memref_slice %arg7[%dma_start3A_130, %dma_start3A_131] : memref<2x80xi32, #tpu.memory_space<vmem>> -> memref<1x80xi32, #tpu.memory_space<vmem>>
    %dma_start3A_133 = tpu.memref_squeeze %dma_start3A_132 : memref<1x80xi32, #tpu.memory_space<vmem>> -> memref<80xi32, #tpu.memory_space<vmem>>
    %dma_start3A_134 = arith.constant 0 : i32
    %dma_start3A_135 = arith.constant 0 : i32
    %dma_start3A_136 = tpu.memref_slice %arg21[%dma_start3A_134, %dma_start3A_135] : memref<10240x128xf32, #tpu.memory_space<vmem_shared>> -> memref<10240x128xf32, #tpu.memory_space<vmem_shared>>
    tpu.enqueue_indirect_dma source(%arg10 : memref<80x128xf32, #tpu.memory_space<vmem>>) target(%dma_start3A_136 : memref<10240x128xf32, #tpu.memory_space<vmem_shared>>) offsets(%dma_start3A_133 : memref<80xi32, #tpu.memory_space<vmem>>) semaphore(%arg16 : memref<!tpu.dma_semaphore, #tpu.memory_space<semaphore_mem>>) {add = true}
    %dma_wait3A_137 = arith.constant 1 : i32
    %dma_wait3A_138 = arith.constant 0 : i32
    %dma_wait3A_139 = tpu.memref_slice %arg8[%dma_wait3A_137, %dma_wait3A_138] : memref<2x80xi32, #tpu.memory_space<vmem>> -> memref<1x80xi32, #tpu.memory_space<vmem>>
    %dma_wait3A_140 = tpu.memref_squeeze %dma_wait3A_139 : memref<1x80xi32, #tpu.memory_space<vmem>> -> memref<80xi32, #tpu.memory_space<vmem>>
    %dma_wait3A_141 = arith.constant 0 : i32
    %dma_wait3A_142 = arith.constant 0 : i32
    %dma_wait3A_143 = tpu.memref_slice %arg21[%dma_wait3A_141, %dma_wait3A_142] : memref<10240x128xf32, #tpu.memory_space<vmem_shared>> -> memref<10240x128xf32, #tpu.memory_space<vmem_shared>>
    tpu.wait_indirect_dma semaphore(%arg17 : memref<!tpu.dma_semaphore, #tpu.memory_space<semaphore_mem>>) src(%arg11 : memref<80x128xf32, #tpu.memory_space<vmem>>) dst(%dma_wait3A_143 : memref<10240x128xf32, #tpu.memory_space<vmem_shared>>)
    %dma_wait3A_144 = arith.constant 1 : i32
    %dma_wait3A_145 = arith.constant 0 : i32
    %dma_wait3A_146 = tpu.memref_slice %arg6[%dma_wait3A_144, %dma_wait3A_145] : memref<2x80xi32, #tpu.memory_space<vmem>> -> memref<1x80xi32, #tpu.memory_space<vmem>>
    %dma_wait3A_147 = tpu.memref_squeeze %dma_wait3A_146 : memref<1x80xi32, #tpu.memory_space<vmem>> -> memref<80xi32, #tpu.memory_space<vmem>>
    %dma_wait3A_148 = arith.constant 0 : i32
    %dma_wait3A_149 = arith.constant 0 : i32
    %dma_wait3A_150 = tpu.memref_slice %arg21[%dma_wait3A_148, %dma_wait3A_149] : memref<10240x128xf32, #tpu.memory_space<vmem_shared>> -> memref<10240x128xf32, #tpu.memory_space<vmem_shared>>
    tpu.wait_indirect_dma semaphore(%arg15 : memref<!tpu.dma_semaphore, #tpu.memory_space<semaphore_mem>>) src(%arg9 : memref<80x128xf32, #tpu.memory_space<vmem>>) dst(%dma_wait3A_150 : memref<10240x128xf32, #tpu.memory_space<vmem_shared>>)
    %dma_wait3A_151 = arith.constant 1 : i32
    %dma_wait3A_152 = arith.constant 0 : i32
    %dma_wait3A_153 = tpu.memref_slice %arg7[%dma_wait3A_151, %dma_wait3A_152] : memref<2x80xi32, #tpu.memory_space<vmem>> -> memref<1x80xi32, #tpu.memory_space<vmem>>
    %dma_wait3A_154 = tpu.memref_squeeze %dma_wait3A_153 : memref<1x80xi32, #tpu.memory_space<vmem>> -> memref<80xi32, #tpu.memory_space<vmem>>
    %dma_wait3A_155 = arith.constant 0 : i32
    %dma_wait3A_156 = arith.constant 0 : i32
    %dma_wait3A_157 = tpu.memref_slice %arg21[%dma_wait3A_155, %dma_wait3A_156] : memref<10240x128xf32, #tpu.memory_space<vmem_shared>> -> memref<10240x128xf32, #tpu.memory_space<vmem_shared>>
    tpu.wait_indirect_dma semaphore(%arg16 : memref<!tpu.dma_semaphore, #tpu.memory_space<semaphore_mem>>) src(%arg10 : memref<80x128xf32, #tpu.memory_space<vmem>>) dst(%dma_wait3A_157 : memref<10240x128xf32, #tpu.memory_space<vmem_shared>>)
    %barrier3A_158 = arith.constant 0 : index
    tpu.barrier barrier_id(%barrier3A_158)
    %mul3A_159 = arith.constant 10240 : i32
    %mul3A_160 = arith.muli %arg0, %mul3A_159 : i32
    %add3A_161 = arith.addi %mul3A_160, %mul3A_0 : i32
    "tpu.region"() ({
      %run_scoped3A = tpu.sem_alloc : memref<!tpu.dma_semaphore, #tpu.memory_space<semaphore_mem>>
      %dma_start3A_162 = arith.constant 0 : i32
      %dma_start3A_163 = tpu.memref_slice %arg5[%add3A_161, %dma_start3A_162] : memref<20480x128xf32, #tpu.memory_space<hbm>> -> memref<640x128xf32, #tpu.memory_space<hbm>>
      %dma_start3A_164 = arith.constant 0 : i32
      %dma_start3A_165 = tpu.memref_slice %arg21[%mul3A_0, %dma_start3A_164] : memref<10240x128xf32, #tpu.memory_space<vmem_shared>> -> memref<640x128xf32, #tpu.memory_space<vmem_shared>>
      tpu.enqueue_dma source(%dma_start3A_165 : memref<640x128xf32, #tpu.memory_space<vmem_shared>>) target(%dma_start3A_163 : memref<640x128xf32, #tpu.memory_space<hbm>>) target_semaphore(%run_scoped3A : memref<!tpu.dma_semaphore, #tpu.memory_space<semaphore_mem>>)
      %dma_wait3A_166 = arith.constant 0 : i32
      %dma_wait3A_167 = tpu.memref_slice %arg5[%add3A_161, %dma_wait3A_166] : memref<20480x128xf32, #tpu.memory_space<hbm>> -> memref<640x128xf32, #tpu.memory_space<hbm>>
      %dma_wait3A_168 = arith.constant 0 : i32
      %dma_wait3A_169 = tpu.memref_slice %arg21[%mul3A_0, %dma_wait3A_168] : memref<10240x128xf32, #tpu.memory_space<vmem_shared>> -> memref<640x128xf32, #tpu.memory_space<vmem_shared>>
      tpu.wait_dma2 semaphore(%run_scoped3A : memref<!tpu.dma_semaphore, #tpu.memory_space<semaphore_mem>>) src(%dma_wait3A_169 : memref<640x128xf32, #tpu.memory_space<vmem_shared>>) dst(%dma_wait3A_167 : memref<640x128xf32, #tpu.memory_space<hbm>>)
      tpu.yield
    }) : () -> ()
    return
  }
}

#map = affine_map<(d0, d1) -> (0, 0)>
#map1 = affine_map<(d0, d1) -> (0, 0, 0)>
module attributes {stable_mosaic.version = 14 : i64} {
  func.func @_scatter_body(%arg0: i32, %arg1: i32, %arg2: memref<10240x128xf32, #tpu.memory_space<hbm>>, %arg3: memref<4000x2x80xi32, #tpu.memory_space<hbm>>, %arg4: memref<640x128xf32, #tpu.memory_space<hbm>>, %arg5: memref<20480x128xf32, #tpu.memory_space<hbm>>, %arg6: memref<2x80xi32, #tpu.memory_space<vmem>>, %arg7: memref<2x80xi32, #tpu.memory_space<vmem>>, %arg8: memref<2x80xi32, #tpu.memory_space<vmem>>, %arg9: memref<80x128xf32, #tpu.memory_space<vmem>>, %arg10: memref<80x128xf32, #tpu.memory_space<vmem>>, %arg11: memref<80x128xf32, #tpu.memory_space<vmem>>, %arg12: memref<!tpu.dma_semaphore, #tpu.memory_space<semaphore_mem>>, %arg13: memref<!tpu.dma_semaphore, #tpu.memory_space<semaphore_mem>>, %arg14: memref<!tpu.dma_semaphore, #tpu.memory_space<semaphore_mem>>, %arg15: memref<!tpu.dma_semaphore, #tpu.memory_space<semaphore_mem>>, %arg16: memref<!tpu.dma_semaphore, #tpu.memory_space<semaphore_mem>>, %arg17: memref<!tpu.dma_semaphore, #tpu.memory_space<semaphore_mem>>, %arg18: memref<!tpu.dma_semaphore, #tpu.memory_space<semaphore_mem>>, %arg19: memref<!tpu.dma_semaphore, #tpu.memory_space<semaphore_mem>>, %arg20: memref<!tpu.dma_semaphore, #tpu.memory_space<semaphore_mem>>, %arg21: memref<10240x128xf32, #tpu.memory_space<vmem_shared>>) attributes {dimension_semantics = [#tpu.dimension_semantics<core_parallel>, #tpu.dimension_semantics<subcore_parallel>], iteration_bounds = array<i64: 2, 16>, scalar_prefetch = 0 : i64, scratch_operands = 16 : i64, tpu.core_type = #tpu.core_type<sc_vector_subcore>, window_params = [{transform_indices = #map}, {transform_indices = #map1}, {transform_indices = #map}, {transform_indices = #map}]} {
    %mul3A = arith.constant 640 : i32
    %mul3A_0 = arith.muli %arg1, %mul3A : i32
    "tpu.region"() ({
      %run_scoped3A = tpu.sem_alloc : memref<!tpu.dma_semaphore, #tpu.memory_space<semaphore_mem>>
      %dma_start3A_162 = arith.constant 0 : i32
      %dma_start3A_163 = tpu.memref_slice %arg21[%mul3A_0, %dma_start3A_162] : memref<10240x128xf32, #tpu.memory_space<vmem_shared>> -> memref<640x128xf32, #tpu.memory_space<vmem_shared>>
      tpu.enqueue_dma source(%arg4 : memref<640x128xf32, #tpu.memory_space<hbm>>) target(%dma_start3A_163 : memref<640x128xf32, #tpu.memory_space<vmem_shared>>) target_semaphore(%run_scoped3A : memref<!tpu.dma_semaphore, #tpu.memory_space<semaphore_mem>>)
      %dma_wait3A_164 = arith.constant 0 : i32
      %dma_wait3A_165 = tpu.memref_slice %arg21[%mul3A_0, %dma_wait3A_164] : memref<10240x128xf32, #tpu.memory_space<vmem_shared>> -> memref<640x128xf32, #tpu.memory_space<vmem_shared>>
      tpu.wait_dma2 semaphore(%run_scoped3A : memref<!tpu.dma_semaphore, #tpu.memory_space<semaphore_mem>>) src(%arg4 : memref<640x128xf32, #tpu.memory_space<hbm>>) dst(%dma_wait3A_165 : memref<640x128xf32, #tpu.memory_space<vmem_shared>>)
      tpu.yield
    }) : () -> ()
    %barrier3A = arith.constant 0 : index
    tpu.barrier barrier_id(%barrier3A)
    %mul3A_1 = arith.constant 16 : i32
    %mul3A_2 = arith.muli %arg0, %mul3A_1 : i32
    %add3A = arith.addi %mul3A_2, %arg1 : i32
    %mul3A_3 = arith.constant 125 : i32
    %mul3A_4 = arith.muli %add3A, %mul3A_3 : i32
    %add3A_5 = arith.constant 0 : i32
    %add3A_6 = arith.addi %mul3A_4, %add3A_5 : i32
    "tpu.region"() ({
      %run_scoped3A = tpu.sem_alloc : memref<!tpu.dma_semaphore, #tpu.memory_space<semaphore_mem>>
      %dma_start3A_162 = arith.constant 0 : i32
      %dma_start3A_163 = arith.constant 0 : i32
      %dma_start3A_164 = tpu.memref_slice %arg3[%add3A_6, %dma_start3A_162, %dma_start3A_163] : memref<4000x2x80xi32, #tpu.memory_space<hbm>> -> memref<1x2x80xi32, #tpu.memory_space<hbm>>
      %dma_start3A_165 = tpu.memref_squeeze %dma_start3A_164 : memref<1x2x80xi32, #tpu.memory_space<hbm>> -> memref<2x80xi32, #tpu.memory_space<hbm>>
      %dma_start3A_166 = arith.constant 0 : i32
      %dma_start3A_167 = arith.constant 0 : i32
      %dma_start3A_168 = tpu.memref_slice %arg3[%add3A_6, %dma_start3A_166, %dma_start3A_167] : memref<4000x2x80xi32, #tpu.memory_space<hbm>> -> memref<1x2x80xi32, #tpu.memory_space<hbm>>
      %dma_start3A_169 = tpu.memref_squeeze %dma_start3A_168 : memref<1x2x80xi32, #tpu.memory_space<hbm>> -> memref<2x80xi32, #tpu.memory_space<hbm>>
      tpu.enqueue_dma source(%dma_start3A_169 : memref<2x80xi32, #tpu.memory_space<hbm>>) target(%arg6 : memref<2x80xi32, #tpu.memory_space<vmem>>) target_semaphore(%run_scoped3A : memref<!tpu.dma_semaphore, #tpu.memory_space<semaphore_mem>>)
      %dma_wait3A_170 = arith.constant 0 : i32
      %dma_wait3A_171 = arith.constant 0 : i32
      %dma_wait3A_172 = tpu.memref_slice %arg3[%add3A_6, %dma_wait3A_170, %dma_wait3A_171] : memref<4000x2x80xi32, #tpu.memory_space<hbm>> -> memref<1x2x80xi32, #tpu.memory_space<hbm>>
      %dma_wait3A_173 = tpu.memref_squeeze %dma_wait3A_172 : memref<1x2x80xi32, #tpu.memory_space<hbm>> -> memref<2x80xi32, #tpu.memory_space<hbm>>
      %dma_wait3A_174 = arith.constant 0 : i32
      %dma_wait3A_175 = arith.constant 0 : i32
      %dma_wait3A_176 = tpu.memref_slice %arg3[%add3A_6, %dma_wait3A_174, %dma_wait3A_175] : memref<4000x2x80xi32, #tpu.memory_space<hbm>> -> memref<1x2x80xi32, #tpu.memory_space<hbm>>
      %dma_wait3A_177 = tpu.memref_squeeze %dma_wait3A_176 : memref<1x2x80xi32, #tpu.memory_space<hbm>> -> memref<2x80xi32, #tpu.memory_space<hbm>>
      tpu.wait_dma2 semaphore(%run_scoped3A : memref<!tpu.dma_semaphore, #tpu.memory_space<semaphore_mem>>) src(%dma_wait3A_177 : memref<2x80xi32, #tpu.memory_space<hbm>>) dst(%arg6 : memref<2x80xi32, #tpu.memory_space<vmem>>)
      tpu.yield
    }) : () -> ()
    %dma_start3A = arith.constant 0 : i32
    %dma_start3A_7 = arith.constant 0 : i32
    %dma_start3A_8 = tpu.memref_slice %arg6[%dma_start3A, %dma_start3A_7] : memref<2x80xi32, #tpu.memory_space<vmem>> -> memref<1x80xi32, #tpu.memory_space<vmem>>
    %dma_start3A_9 = tpu.memref_squeeze %dma_start3A_8 : memref<1x80xi32, #tpu.memory_space<vmem>> -> memref<80xi32, #tpu.memory_space<vmem>>
    %dma_start3A_10 = arith.constant 0 : i32
    %dma_start3A_11 = arith.constant 0 : i32
    %dma_start3A_12 = tpu.memref_slice %arg2[%dma_start3A_10, %dma_start3A_11] : memref<10240x128xf32, #tpu.memory_space<hbm>> -> memref<10240x128xf32, #tpu.memory_space<hbm>>
    tpu.enqueue_indirect_dma source(%dma_start3A_12 : memref<10240x128xf32, #tpu.memory_space<hbm>>) target(%arg9 : memref<80x128xf32, #tpu.memory_space<vmem>>) offsets(%dma_start3A_9 : memref<80xi32, #tpu.memory_space<vmem>>) semaphore(%arg12 : memref<!tpu.dma_semaphore, #tpu.memory_space<semaphore_mem>>)
    %add3A_13 = arith.constant 1 : i32
    %add3A_14 = arith.addi %mul3A_4, %add3A_13 : i32
    "tpu.region"() ({
      %run_scoped3A = tpu.sem_alloc : memref<!tpu.dma_semaphore, #tpu.memory_space<semaphore_mem>>
      %dma_start3A_162 = arith.constant 0 : i32
      %dma_start3A_163 = arith.constant 0 : i32
      %dma_start3A_164 = tpu.memref_slice %arg3[%add3A_14, %dma_start3A_162, %dma_start3A_163] : memref<4000x2x80xi32, #tpu.memory_space<hbm>> -> memref<1x2x80xi32, #tpu.memory_space<hbm>>
      %dma_start3A_165 = tpu.memref_squeeze %dma_start3A_164 : memref<1x2x80xi32, #tpu.memory_space<hbm>> -> memref<2x80xi32, #tpu.memory_space<hbm>>
      %dma_start3A_166 = arith.constant 0 : i32
      %dma_start3A_167 = arith.constant 0 : i32
      %dma_start3A_168 = tpu.memref_slice %arg3[%add3A_14, %dma_start3A_166, %dma_start3A_167] : memref<4000x2x80xi32, #tpu.memory_space<hbm>> -> memref<1x2x80xi32, #tpu.memory_space<hbm>>
      %dma_start3A_169 = tpu.memref_squeeze %dma_start3A_168 : memref<1x2x80xi32, #tpu.memory_space<hbm>> -> memref<2x80xi32, #tpu.memory_space<hbm>>
      tpu.enqueue_dma source(%dma_start3A_169 : memref<2x80xi32, #tpu.memory_space<hbm>>) target(%arg7 : memref<2x80xi32, #tpu.memory_space<vmem>>) target_semaphore(%run_scoped3A : memref<!tpu.dma_semaphore, #tpu.memory_space<semaphore_mem>>)
      %dma_wait3A_170 = arith.constant 0 : i32
      %dma_wait3A_171 = arith.constant 0 : i32
      %dma_wait3A_172 = tpu.memref_slice %arg3[%add3A_14, %dma_wait3A_170, %dma_wait3A_171] : memref<4000x2x80xi32, #tpu.memory_space<hbm>> -> memref<1x2x80xi32, #tpu.memory_space<hbm>>
      %dma_wait3A_173 = tpu.memref_squeeze %dma_wait3A_172 : memref<1x2x80xi32, #tpu.memory_space<hbm>> -> memref<2x80xi32, #tpu.memory_space<hbm>>
      %dma_wait3A_174 = arith.constant 0 : i32
      %dma_wait3A_175 = arith.constant 0 : i32
      %dma_wait3A_176 = tpu.memref_slice %arg3[%add3A_14, %dma_wait3A_174, %dma_wait3A_175] : memref<4000x2x80xi32, #tpu.memory_space<hbm>> -> memref<1x2x80xi32, #tpu.memory_space<hbm>>
      %dma_wait3A_177 = tpu.memref_squeeze %dma_wait3A_176 : memref<1x2x80xi32, #tpu.memory_space<hbm>> -> memref<2x80xi32, #tpu.memory_space<hbm>>
      tpu.wait_dma2 semaphore(%run_scoped3A : memref<!tpu.dma_semaphore, #tpu.memory_space<semaphore_mem>>) src(%dma_wait3A_177 : memref<2x80xi32, #tpu.memory_space<hbm>>) dst(%arg7 : memref<2x80xi32, #tpu.memory_space<vmem>>)
      tpu.yield
    }) : () -> ()
    %dma_start3A_15 = arith.constant 0 : i32
    %dma_start3A_16 = arith.constant 0 : i32
    %dma_start3A_17 = tpu.memref_slice %arg7[%dma_start3A_15, %dma_start3A_16] : memref<2x80xi32, #tpu.memory_space<vmem>> -> memref<1x80xi32, #tpu.memory_space<vmem>>
    %dma_start3A_18 = tpu.memref_squeeze %dma_start3A_17 : memref<1x80xi32, #tpu.memory_space<vmem>> -> memref<80xi32, #tpu.memory_space<vmem>>
    %dma_start3A_19 = arith.constant 0 : i32
    %dma_start3A_20 = arith.constant 0 : i32
    %dma_start3A_21 = tpu.memref_slice %arg2[%dma_start3A_19, %dma_start3A_20] : memref<10240x128xf32, #tpu.memory_space<hbm>> -> memref<10240x128xf32, #tpu.memory_space<hbm>>
    tpu.enqueue_indirect_dma source(%dma_start3A_21 : memref<10240x128xf32, #tpu.memory_space<hbm>>) target(%arg10 : memref<80x128xf32, #tpu.memory_space<vmem>>) offsets(%dma_start3A_18 : memref<80xi32, #tpu.memory_space<vmem>>) semaphore(%arg13 : memref<!tpu.dma_semaphore, #tpu.memory_space<semaphore_mem>>)
    %add3A_22 = arith.constant 2 : i32
    %add3A_23 = arith.addi %mul3A_4, %add3A_22 : i32
    "tpu.region"() ({
      %run_scoped3A = tpu.sem_alloc : memref<!tpu.dma_semaphore, #tpu.memory_space<semaphore_mem>>
      %dma_start3A_162 = arith.constant 0 : i32
      %dma_start3A_163 = arith.constant 0 : i32
      %dma_start3A_164 = tpu.memref_slice %arg3[%add3A_23, %dma_start3A_162, %dma_start3A_163] : memref<4000x2x80xi32, #tpu.memory_space<hbm>> -> memref<1x2x80xi32, #tpu.memory_space<hbm>>
      %dma_start3A_165 = tpu.memref_squeeze %dma_start3A_164 : memref<1x2x80xi32, #tpu.memory_space<hbm>> -> memref<2x80xi32, #tpu.memory_space<hbm>>
      %dma_start3A_166 = arith.constant 0 : i32
      %dma_start3A_167 = arith.constant 0 : i32
      %dma_start3A_168 = tpu.memref_slice %arg3[%add3A_23, %dma_start3A_166, %dma_start3A_167] : memref<4000x2x80xi32, #tpu.memory_space<hbm>> -> memref<1x2x80xi32, #tpu.memory_space<hbm>>
      %dma_start3A_169 = tpu.memref_squeeze %dma_start3A_168 : memref<1x2x80xi32, #tpu.memory_space<hbm>> -> memref<2x80xi32, #tpu.memory_space<hbm>>
      tpu.enqueue_dma source(%dma_start3A_169 : memref<2x80xi32, #tpu.memory_space<hbm>>) target(%arg8 : memref<2x80xi32, #tpu.memory_space<vmem>>) target_semaphore(%run_scoped3A : memref<!tpu.dma_semaphore, #tpu.memory_space<semaphore_mem>>)
      %dma_wait3A_170 = arith.constant 0 : i32
      %dma_wait3A_171 = arith.constant 0 : i32
      %dma_wait3A_172 = tpu.memref_slice %arg3[%add3A_23, %dma_wait3A_170, %dma_wait3A_171] : memref<4000x2x80xi32, #tpu.memory_space<hbm>> -> memref<1x2x80xi32, #tpu.memory_space<hbm>>
      %dma_wait3A_173 = tpu.memref_squeeze %dma_wait3A_172 : memref<1x2x80xi32, #tpu.memory_space<hbm>> -> memref<2x80xi32, #tpu.memory_space<hbm>>
      %dma_wait3A_174 = arith.constant 0 : i32
      %dma_wait3A_175 = arith.constant 0 : i32
      %dma_wait3A_176 = tpu.memref_slice %arg3[%add3A_23, %dma_wait3A_174, %dma_wait3A_175] : memref<4000x2x80xi32, #tpu.memory_space<hbm>> -> memref<1x2x80xi32, #tpu.memory_space<hbm>>
      %dma_wait3A_177 = tpu.memref_squeeze %dma_wait3A_176 : memref<1x2x80xi32, #tpu.memory_space<hbm>> -> memref<2x80xi32, #tpu.memory_space<hbm>>
      tpu.wait_dma2 semaphore(%run_scoped3A : memref<!tpu.dma_semaphore, #tpu.memory_space<semaphore_mem>>) src(%dma_wait3A_177 : memref<2x80xi32, #tpu.memory_space<hbm>>) dst(%arg8 : memref<2x80xi32, #tpu.memory_space<vmem>>)
      tpu.yield
    }) : () -> ()
    %dma_start3A_24 = arith.constant 0 : i32
    %dma_start3A_25 = arith.constant 0 : i32
    %dma_start3A_26 = tpu.memref_slice %arg8[%dma_start3A_24, %dma_start3A_25] : memref<2x80xi32, #tpu.memory_space<vmem>> -> memref<1x80xi32, #tpu.memory_space<vmem>>
    %dma_start3A_27 = tpu.memref_squeeze %dma_start3A_26 : memref<1x80xi32, #tpu.memory_space<vmem>> -> memref<80xi32, #tpu.memory_space<vmem>>
    %dma_start3A_28 = arith.constant 0 : i32
    %dma_start3A_29 = arith.constant 0 : i32
    %dma_start3A_30 = tpu.memref_slice %arg2[%dma_start3A_28, %dma_start3A_29] : memref<10240x128xf32, #tpu.memory_space<hbm>> -> memref<10240x128xf32, #tpu.memory_space<hbm>>
    tpu.enqueue_indirect_dma source(%dma_start3A_30 : memref<10240x128xf32, #tpu.memory_space<hbm>>) target(%arg11 : memref<80x128xf32, #tpu.memory_space<vmem>>) offsets(%dma_start3A_27 : memref<80xi32, #tpu.memory_space<vmem>>) semaphore(%arg14 : memref<!tpu.dma_semaphore, #tpu.memory_space<semaphore_mem>>)
    %scan3A = arith.constant 0 : i32
    %scan3A_31 = arith.constant 0 : i32
    %scan3A_32 = arith.constant 40 : i32
    %scan3A_33 = arith.addi %scan3A_31, %scan3A_32 : i32
    %scan3A_34 = arith.constant 1 : i32
    scf.for %scan3A_162 = %scan3A_31 to %scan3A_33 step %scan3A_34  : i32 {
      %mul3A_163 = arith.constant 3 : i32
      %mul3A_164 = arith.muli %mul3A_163, %scan3A_162 : i32
      %dma_wait3A_165 = arith.constant 0 : i32
      %dma_wait3A_166 = arith.constant 0 : i32
      %dma_wait3A_167 = tpu.memref_slice %arg6[%dma_wait3A_165, %dma_wait3A_166] : memref<2x80xi32, #tpu.memory_space<vmem>> -> memref<1x80xi32, #tpu.memory_space<vmem>>
      %dma_wait3A_168 = tpu.memref_squeeze %dma_wait3A_167 : memref<1x80xi32, #tpu.memory_space<vmem>> -> memref<80xi32, #tpu.memory_space<vmem>>
      %dma_wait3A_169 = arith.constant 0 : i32
      %dma_wait3A_170 = arith.constant 0 : i32
      %dma_wait3A_171 = tpu.memref_slice %arg2[%dma_wait3A_169, %dma_wait3A_170] : memref<10240x128xf32, #tpu.memory_space<hbm>> -> memref<10240x128xf32, #tpu.memory_space<hbm>>
      tpu.wait_indirect_dma semaphore(%arg12 : memref<!tpu.dma_semaphore, #tpu.memory_space<semaphore_mem>>) src(%dma_wait3A_171 : memref<10240x128xf32, #tpu.memory_space<hbm>>) dst(%arg9 : memref<80x128xf32, #tpu.memory_space<vmem>>)
      %dma_start3A_172 = arith.constant 1 : i32
      %dma_start3A_173 = arith.constant 0 : i32
      %dma_start3A_174 = tpu.memref_slice %arg6[%dma_start3A_172, %dma_start3A_173] : memref<2x80xi32, #tpu.memory_space<vmem>> -> memref<1x80xi32, #tpu.memory_space<vmem>>
      %dma_start3A_175 = tpu.memref_squeeze %dma_start3A_174 : memref<1x80xi32, #tpu.memory_space<vmem>> -> memref<80xi32, #tpu.memory_space<vmem>>
      %dma_start3A_176 = arith.constant 0 : i32
      %dma_start3A_177 = arith.constant 0 : i32
      %dma_start3A_178 = tpu.memref_slice %arg21[%dma_start3A_176, %dma_start3A_177] : memref<10240x128xf32, #tpu.memory_space<vmem_shared>> -> memref<10240x128xf32, #tpu.memory_space<vmem_shared>>
      tpu.enqueue_indirect_dma source(%arg9 : memref<80x128xf32, #tpu.memory_space<vmem>>) target(%dma_start3A_178 : memref<10240x128xf32, #tpu.memory_space<vmem_shared>>) offsets(%dma_start3A_175 : memref<80xi32, #tpu.memory_space<vmem>>) semaphore(%arg15 : memref<!tpu.dma_semaphore, #tpu.memory_space<semaphore_mem>>) {add = true}
      %dma_wait3A_179 = arith.constant 0 : i32
      %dma_wait3A_180 = arith.constant 0 : i32
      %dma_wait3A_181 = tpu.memref_slice %arg6[%dma_wait3A_179, %dma_wait3A_180] : memref<2x80xi32, #tpu.memory_space<vmem>> -> memref<1x80xi32, #tpu.memory_space<vmem>>
      %dma_wait3A_182 = tpu.memref_squeeze %dma_wait3A_181 : memref<1x80xi32, #tpu.memory_space<vmem>> -> memref<80xi32, #tpu.memory_space<vmem>>
      %dma_wait3A_183 = arith.constant 0 : i32
      %dma_wait3A_184 = arith.constant 0 : i32
      %dma_wait3A_185 = tpu.memref_slice %arg2[%dma_wait3A_183, %dma_wait3A_184] : memref<10240x128xf32, #tpu.memory_space<hbm>> -> memref<10240x128xf32, #tpu.memory_space<hbm>>
      tpu.wait_indirect_dma semaphore(%arg13 : memref<!tpu.dma_semaphore, #tpu.memory_space<semaphore_mem>>) src(%dma_wait3A_185 : memref<10240x128xf32, #tpu.memory_space<hbm>>) dst(%arg10 : memref<80x128xf32, #tpu.memory_space<vmem>>)
      %dma_start3A_186 = arith.constant 1 : i32
      %dma_start3A_187 = arith.constant 0 : i32
      %dma_start3A_188 = tpu.memref_slice %arg7[%dma_start3A_186, %dma_start3A_187] : memref<2x80xi32, #tpu.memory_space<vmem>> -> memref<1x80xi32, #tpu.memory_space<vmem>>
      %dma_start3A_189 = tpu.memref_squeeze %dma_start3A_188 : memref<1x80xi32, #tpu.memory_space<vmem>> -> memref<80xi32, #tpu.memory_space<vmem>>
      %dma_start3A_190 = arith.constant 0 : i32
      %dma_start3A_191 = arith.constant 0 : i32
      %dma_start3A_192 = tpu.memref_slice %arg21[%dma_start3A_190, %dma_start3A_191] : memref<10240x128xf32, #tpu.memory_space<vmem_shared>> -> memref<10240x128xf32, #tpu.memory_space<vmem_shared>>
      tpu.enqueue_indirect_dma source(%arg10 : memref<80x128xf32, #tpu.memory_space<vmem>>) target(%dma_start3A_192 : memref<10240x128xf32, #tpu.memory_space<vmem_shared>>) offsets(%dma_start3A_189 : memref<80xi32, #tpu.memory_space<vmem>>) semaphore(%arg16 : memref<!tpu.dma_semaphore, #tpu.memory_space<semaphore_mem>>) {add = true}
      %dma_wait3A_193 = arith.constant 0 : i32
      %dma_wait3A_194 = arith.constant 0 : i32
      %dma_wait3A_195 = tpu.memref_slice %arg6[%dma_wait3A_193, %dma_wait3A_194] : memref<2x80xi32, #tpu.memory_space<vmem>> -> memref<1x80xi32, #tpu.memory_space<vmem>>
      %dma_wait3A_196 = tpu.memref_squeeze %dma_wait3A_195 : memref<1x80xi32, #tpu.memory_space<vmem>> -> memref<80xi32, #tpu.memory_space<vmem>>
      %dma_wait3A_197 = arith.constant 0 : i32
      %dma_wait3A_198 = arith.constant 0 : i32
      %dma_wait3A_199 = tpu.memref_slice %arg2[%dma_wait3A_197, %dma_wait3A_198] : memref<10240x128xf32, #tpu.memory_space<hbm>> -> memref<10240x128xf32, #tpu.memory_space<hbm>>
      tpu.wait_indirect_dma semaphore(%arg14 : memref<!tpu.dma_semaphore, #tpu.memory_space<semaphore_mem>>) src(%dma_wait3A_199 : memref<10240x128xf32, #tpu.memory_space<hbm>>) dst(%arg11 : memref<80x128xf32, #tpu.memory_space<vmem>>)
      %dma_start3A_200 = arith.constant 1 : i32
      %dma_start3A_201 = arith.constant 0 : i32
      %dma_start3A_202 = tpu.memref_slice %arg8[%dma_start3A_200, %dma_start3A_201] : memref<2x80xi32, #tpu.memory_space<vmem>> -> memref<1x80xi32, #tpu.memory_space<vmem>>
      %dma_start3A_203 = tpu.memref_squeeze %dma_start3A_202 : memref<1x80xi32, #tpu.memory_space<vmem>> -> memref<80xi32, #tpu.memory_space<vmem>>
      %dma_start3A_204 = arith.constant 0 : i32
      %dma_start3A_205 = arith.constant 0 : i32
      %dma_start3A_206 = tpu.memref_slice %arg21[%dma_start3A_204, %dma_start3A_205] : memref<10240x128xf32, #tpu.memory_space<vmem_shared>> -> memref<10240x128xf32, #tpu.memory_space<vmem_shared>>
      tpu.enqueue_indirect_dma source(%arg11 : memref<80x128xf32, #tpu.memory_space<vmem>>) target(%dma_start3A_206 : memref<10240x128xf32, #tpu.memory_space<vmem_shared>>) offsets(%dma_start3A_203 : memref<80xi32, #tpu.memory_space<vmem>>) semaphore(%arg17 : memref<!tpu.dma_semaphore, #tpu.memory_space<semaphore_mem>>) {add = true}
      %dma_wait3A_207 = arith.constant 1 : i32
      %dma_wait3A_208 = arith.constant 0 : i32
      %dma_wait3A_209 = tpu.memref_slice %arg6[%dma_wait3A_207, %dma_wait3A_208] : memref<2x80xi32, #tpu.memory_space<vmem>> -> memref<1x80xi32, #tpu.memory_space<vmem>>
      %dma_wait3A_210 = tpu.memref_squeeze %dma_wait3A_209 : memref<1x80xi32, #tpu.memory_space<vmem>> -> memref<80xi32, #tpu.memory_space<vmem>>
      %dma_wait3A_211 = arith.constant 0 : i32
      %dma_wait3A_212 = arith.constant 0 : i32
      %dma_wait3A_213 = tpu.memref_slice %arg21[%dma_wait3A_211, %dma_wait3A_212] : memref<10240x128xf32, #tpu.memory_space<vmem_shared>> -> memref<10240x128xf32, #tpu.memory_space<vmem_shared>>
      tpu.wait_indirect_dma semaphore(%arg15 : memref<!tpu.dma_semaphore, #tpu.memory_space<semaphore_mem>>) src(%arg9 : memref<80x128xf32, #tpu.memory_space<vmem>>) dst(%dma_wait3A_213 : memref<10240x128xf32, #tpu.memory_space<vmem_shared>>)
      %add3A_214 = arith.constant 3 : i32
      %add3A_215 = arith.addi %mul3A_164, %add3A_214 : i32
      %add3A_216 = arith.addi %mul3A_4, %add3A_215 : i32
      %dma_start3A_217 = arith.constant 0 : i32
      %dma_start3A_218 = arith.constant 0 : i32
      %dma_start3A_219 = tpu.memref_slice %arg3[%add3A_216, %dma_start3A_217, %dma_start3A_218] : memref<4000x2x80xi32, #tpu.memory_space<hbm>> -> memref<1x2x80xi32, #tpu.memory_space<hbm>>
      %dma_start3A_220 = tpu.memref_squeeze %dma_start3A_219 : memref<1x2x80xi32, #tpu.memory_space<hbm>> -> memref<2x80xi32, #tpu.memory_space<hbm>>
      %dma_start3A_221 = arith.constant 0 : i32
      %dma_start3A_222 = arith.constant 0 : i32
      %dma_start3A_223 = tpu.memref_slice %arg3[%add3A_216, %dma_start3A_221, %dma_start3A_222] : memref<4000x2x80xi32, #tpu.memory_space<hbm>> -> memref<1x2x80xi32, #tpu.memory_space<hbm>>
      %dma_start3A_224 = tpu.memref_squeeze %dma_start3A_223 : memref<1x2x80xi32, #tpu.memory_space<hbm>> -> memref<2x80xi32, #tpu.memory_space<hbm>>
      tpu.enqueue_dma source(%dma_start3A_224 : memref<2x80xi32, #tpu.memory_space<hbm>>) target(%arg6 : memref<2x80xi32, #tpu.memory_space<vmem>>) target_semaphore(%arg18 : memref<!tpu.dma_semaphore, #tpu.memory_space<semaphore_mem>>)
      %dma_wait3A_225 = arith.constant 1 : i32
      %dma_wait3A_226 = arith.constant 0 : i32
      %dma_wait3A_227 = tpu.memref_slice %arg7[%dma_wait3A_225, %dma_wait3A_226] : memref<2x80xi32, #tpu.memory_space<vmem>> -> memref<1x80xi32, #tpu.memory_space<vmem>>
      %dma_wait3A_228 = tpu.memref_squeeze %dma_wait3A_227 : memref<1x80xi32, #tpu.memory_space<vmem>> -> memref<80xi32, #tpu.memory_space<vmem>>
      %dma_wait3A_229 = arith.constant 0 : i32
      %dma_wait3A_230 = arith.constant 0 : i32
      %dma_wait3A_231 = tpu.memref_slice %arg21[%dma_wait3A_229, %dma_wait3A_230] : memref<10240x128xf32, #tpu.memory_space<vmem_shared>> -> memref<10240x128xf32, #tpu.memory_space<vmem_shared>>
      tpu.wait_indirect_dma semaphore(%arg16 : memref<!tpu.dma_semaphore, #tpu.memory_space<semaphore_mem>>) src(%arg10 : memref<80x128xf32, #tpu.memory_space<vmem>>) dst(%dma_wait3A_231 : memref<10240x128xf32, #tpu.memory_space<vmem_shared>>)
      %add3A_232 = arith.constant 4 : i32
      %add3A_233 = arith.addi %mul3A_164, %add3A_232 : i32
      %add3A_234 = arith.addi %mul3A_4, %add3A_233 : i32
      %dma_start3A_235 = arith.constant 0 : i32
      %dma_start3A_236 = arith.constant 0 : i32
      %dma_start3A_237 = tpu.memref_slice %arg3[%add3A_234, %dma_start3A_235, %dma_start3A_236] : memref<4000x2x80xi32, #tpu.memory_space<hbm>> -> memref<1x2x80xi32, #tpu.memory_space<hbm>>
      %dma_start3A_238 = tpu.memref_squeeze %dma_start3A_237 : memref<1x2x80xi32, #tpu.memory_space<hbm>> -> memref<2x80xi32, #tpu.memory_space<hbm>>
      %dma_start3A_239 = arith.constant 0 : i32
      %dma_start3A_240 = arith.constant 0 : i32
      %dma_start3A_241 = tpu.memref_slice %arg3[%add3A_234, %dma_start3A_239, %dma_start3A_240] : memref<4000x2x80xi32, #tpu.memory_space<hbm>> -> memref<1x2x80xi32, #tpu.memory_space<hbm>>
      %dma_start3A_242 = tpu.memref_squeeze %dma_start3A_241 : memref<1x2x80xi32, #tpu.memory_space<hbm>> -> memref<2x80xi32, #tpu.memory_space<hbm>>
      tpu.enqueue_dma source(%dma_start3A_242 : memref<2x80xi32, #tpu.memory_space<hbm>>) target(%arg7 : memref<2x80xi32, #tpu.memory_space<vmem>>) target_semaphore(%arg19 : memref<!tpu.dma_semaphore, #tpu.memory_space<semaphore_mem>>)
      %dma_wait3A_243 = arith.constant 1 : i32
      %dma_wait3A_244 = arith.constant 0 : i32
      %dma_wait3A_245 = tpu.memref_slice %arg8[%dma_wait3A_243, %dma_wait3A_244] : memref<2x80xi32, #tpu.memory_space<vmem>> -> memref<1x80xi32, #tpu.memory_space<vmem>>
      %dma_wait3A_246 = tpu.memref_squeeze %dma_wait3A_245 : memref<1x80xi32, #tpu.memory_space<vmem>> -> memref<80xi32, #tpu.memory_space<vmem>>
      %dma_wait3A_247 = arith.constant 0 : i32
      %dma_wait3A_248 = arith.constant 0 : i32
      %dma_wait3A_249 = tpu.memref_slice %arg21[%dma_wait3A_247, %dma_wait3A_248] : memref<10240x128xf32, #tpu.memory_space<vmem_shared>> -> memref<10240x128xf32, #tpu.memory_space<vmem_shared>>
      tpu.wait_indirect_dma semaphore(%arg17 : memref<!tpu.dma_semaphore, #tpu.memory_space<semaphore_mem>>) src(%arg11 : memref<80x128xf32, #tpu.memory_space<vmem>>) dst(%dma_wait3A_249 : memref<10240x128xf32, #tpu.memory_space<vmem_shared>>)
      %add3A_250 = arith.constant 5 : i32
      %add3A_251 = arith.addi %mul3A_164, %add3A_250 : i32
      %add3A_252 = arith.addi %mul3A_4, %add3A_251 : i32
      %dma_start3A_253 = arith.constant 0 : i32
      %dma_start3A_254 = arith.constant 0 : i32
      %dma_start3A_255 = tpu.memref_slice %arg3[%add3A_252, %dma_start3A_253, %dma_start3A_254] : memref<4000x2x80xi32, #tpu.memory_space<hbm>> -> memref<1x2x80xi32, #tpu.memory_space<hbm>>
      %dma_start3A_256 = tpu.memref_squeeze %dma_start3A_255 : memref<1x2x80xi32, #tpu.memory_space<hbm>> -> memref<2x80xi32, #tpu.memory_space<hbm>>
      %dma_start3A_257 = arith.constant 0 : i32
      %dma_start3A_258 = arith.constant 0 : i32
      %dma_start3A_259 = tpu.memref_slice %arg3[%add3A_252, %dma_start3A_257, %dma_start3A_258] : memref<4000x2x80xi32, #tpu.memory_space<hbm>> -> memref<1x2x80xi32, #tpu.memory_space<hbm>>
      %dma_start3A_260 = tpu.memref_squeeze %dma_start3A_259 : memref<1x2x80xi32, #tpu.memory_space<hbm>> -> memref<2x80xi32, #tpu.memory_space<hbm>>
      tpu.enqueue_dma source(%dma_start3A_260 : memref<2x80xi32, #tpu.memory_space<hbm>>) target(%arg8 : memref<2x80xi32, #tpu.memory_space<vmem>>) target_semaphore(%arg20 : memref<!tpu.dma_semaphore, #tpu.memory_space<semaphore_mem>>)
      %dma_wait3A_261 = arith.constant 0 : i32
      %dma_wait3A_262 = arith.constant 0 : i32
      %dma_wait3A_263 = tpu.memref_slice %arg3[%mul3A_4, %dma_wait3A_261, %dma_wait3A_262] : memref<4000x2x80xi32, #tpu.memory_space<hbm>> -> memref<1x2x80xi32, #tpu.memory_space<hbm>>
      %dma_wait3A_264 = tpu.memref_squeeze %dma_wait3A_263 : memref<1x2x80xi32, #tpu.memory_space<hbm>> -> memref<2x80xi32, #tpu.memory_space<hbm>>
      %dma_wait3A_265 = arith.constant 0 : i32
      %dma_wait3A_266 = arith.constant 0 : i32
      %dma_wait3A_267 = tpu.memref_slice %arg3[%mul3A_4, %dma_wait3A_265, %dma_wait3A_266] : memref<4000x2x80xi32, #tpu.memory_space<hbm>> -> memref<1x2x80xi32, #tpu.memory_space<hbm>>
      %dma_wait3A_268 = tpu.memref_squeeze %dma_wait3A_267 : memref<1x2x80xi32, #tpu.memory_space<hbm>> -> memref<2x80xi32, #tpu.memory_space<hbm>>
      tpu.wait_dma2 semaphore(%arg18 : memref<!tpu.dma_semaphore, #tpu.memory_space<semaphore_mem>>) src(%dma_wait3A_268 : memref<2x80xi32, #tpu.memory_space<hbm>>) dst(%arg6 : memref<2x80xi32, #tpu.memory_space<vmem>>)
      %dma_start3A_269 = arith.constant 0 : i32
      %dma_start3A_270 = arith.constant 0 : i32
      %dma_start3A_271 = tpu.memref_slice %arg6[%dma_start3A_269, %dma_start3A_270] : memref<2x80xi32, #tpu.memory_space<vmem>> -> memref<1x80xi32, #tpu.memory_space<vmem>>
      %dma_start3A_272 = tpu.memref_squeeze %dma_start3A_271 : memref<1x80xi32, #tpu.memory_space<vmem>> -> memref<80xi32, #tpu.memory_space<vmem>>
      %dma_start3A_273 = arith.constant 0 : i32
      %dma_start3A_274 = arith.constant 0 : i32
      %dma_start3A_275 = tpu.memref_slice %arg2[%dma_start3A_273, %dma_start3A_274] : memref<10240x128xf32, #tpu.memory_space<hbm>> -> memref<10240x128xf32, #tpu.memory_space<hbm>>
      tpu.enqueue_indirect_dma source(%dma_start3A_275 : memref<10240x128xf32, #tpu.memory_space<hbm>>) target(%arg9 : memref<80x128xf32, #tpu.memory_space<vmem>>) offsets(%dma_start3A_272 : memref<80xi32, #tpu.memory_space<vmem>>) semaphore(%arg12 : memref<!tpu.dma_semaphore, #tpu.memory_space<semaphore_mem>>)
      %dma_wait3A_276 = arith.constant 0 : i32
      %dma_wait3A_277 = arith.constant 0 : i32
      %dma_wait3A_278 = tpu.memref_slice %arg3[%mul3A_4, %dma_wait3A_276, %dma_wait3A_277] : memref<4000x2x80xi32, #tpu.memory_space<hbm>> -> memref<1x2x80xi32, #tpu.memory_space<hbm>>
      %dma_wait3A_279 = tpu.memref_squeeze %dma_wait3A_278 : memref<1x2x80xi32, #tpu.memory_space<hbm>> -> memref<2x80xi32, #tpu.memory_space<hbm>>
      %dma_wait3A_280 = arith.constant 0 : i32
      %dma_wait3A_281 = arith.constant 0 : i32
      %dma_wait3A_282 = tpu.memref_slice %arg3[%mul3A_4, %dma_wait3A_280, %dma_wait3A_281] : memref<4000x2x80xi32, #tpu.memory_space<hbm>> -> memref<1x2x80xi32, #tpu.memory_space<hbm>>
      %dma_wait3A_283 = tpu.memref_squeeze %dma_wait3A_282 : memref<1x2x80xi32, #tpu.memory_space<hbm>> -> memref<2x80xi32, #tpu.memory_space<hbm>>
      tpu.wait_dma2 semaphore(%arg19 : memref<!tpu.dma_semaphore, #tpu.memory_space<semaphore_mem>>) src(%dma_wait3A_283 : memref<2x80xi32, #tpu.memory_space<hbm>>) dst(%arg7 : memref<2x80xi32, #tpu.memory_space<vmem>>)
      %dma_start3A_284 = arith.constant 0 : i32
      %dma_start3A_285 = arith.constant 0 : i32
      %dma_start3A_286 = tpu.memref_slice %arg7[%dma_start3A_284, %dma_start3A_285] : memref<2x80xi32, #tpu.memory_space<vmem>> -> memref<1x80xi32, #tpu.memory_space<vmem>>
      %dma_start3A_287 = tpu.memref_squeeze %dma_start3A_286 : memref<1x80xi32, #tpu.memory_space<vmem>> -> memref<80xi32, #tpu.memory_space<vmem>>
      %dma_start3A_288 = arith.constant 0 : i32
      %dma_start3A_289 = arith.constant 0 : i32
      %dma_start3A_290 = tpu.memref_slice %arg2[%dma_start3A_288, %dma_start3A_289] : memref<10240x128xf32, #tpu.memory_space<hbm>> -> memref<10240x128xf32, #tpu.memory_space<hbm>>
      tpu.enqueue_indirect_dma source(%dma_start3A_290 : memref<10240x128xf32, #tpu.memory_space<hbm>>) target(%arg10 : memref<80x128xf32, #tpu.memory_space<vmem>>) offsets(%dma_start3A_287 : memref<80xi32, #tpu.memory_space<vmem>>) semaphore(%arg13 : memref<!tpu.dma_semaphore, #tpu.memory_space<semaphore_mem>>)
      %dma_wait3A_291 = arith.constant 0 : i32
      %dma_wait3A_292 = arith.constant 0 : i32
      %dma_wait3A_293 = tpu.memref_slice %arg3[%mul3A_4, %dma_wait3A_291, %dma_wait3A_292] : memref<4000x2x80xi32, #tpu.memory_space<hbm>> -> memref<1x2x80xi32, #tpu.memory_space<hbm>>
      %dma_wait3A_294 = tpu.memref_squeeze %dma_wait3A_293 : memref<1x2x80xi32, #tpu.memory_space<hbm>> -> memref<2x80xi32, #tpu.memory_space<hbm>>
      %dma_wait3A_295 = arith.constant 0 : i32
      %dma_wait3A_296 = arith.constant 0 : i32
      %dma_wait3A_297 = tpu.memref_slice %arg3[%mul3A_4, %dma_wait3A_295, %dma_wait3A_296] : memref<4000x2x80xi32, #tpu.memory_space<hbm>> -> memref<1x2x80xi32, #tpu.memory_space<hbm>>
      %dma_wait3A_298 = tpu.memref_squeeze %dma_wait3A_297 : memref<1x2x80xi32, #tpu.memory_space<hbm>> -> memref<2x80xi32, #tpu.memory_space<hbm>>
      tpu.wait_dma2 semaphore(%arg20 : memref<!tpu.dma_semaphore, #tpu.memory_space<semaphore_mem>>) src(%dma_wait3A_298 : memref<2x80xi32, #tpu.memory_space<hbm>>) dst(%arg8 : memref<2x80xi32, #tpu.memory_space<vmem>>)
      %dma_start3A_299 = arith.constant 0 : i32
      %dma_start3A_300 = arith.constant 0 : i32
      %dma_start3A_301 = tpu.memref_slice %arg8[%dma_start3A_299, %dma_start3A_300] : memref<2x80xi32, #tpu.memory_space<vmem>> -> memref<1x80xi32, #tpu.memory_space<vmem>>
      %dma_start3A_302 = tpu.memref_squeeze %dma_start3A_301 : memref<1x80xi32, #tpu.memory_space<vmem>> -> memref<80xi32, #tpu.memory_space<vmem>>
      %dma_start3A_303 = arith.constant 0 : i32
      %dma_start3A_304 = arith.constant 0 : i32
      %dma_start3A_305 = tpu.memref_slice %arg2[%dma_start3A_303, %dma_start3A_304] : memref<10240x128xf32, #tpu.memory_space<hbm>> -> memref<10240x128xf32, #tpu.memory_space<hbm>>
      tpu.enqueue_indirect_dma source(%dma_start3A_305 : memref<10240x128xf32, #tpu.memory_space<hbm>>) target(%arg11 : memref<80x128xf32, #tpu.memory_space<vmem>>) offsets(%dma_start3A_302 : memref<80xi32, #tpu.memory_space<vmem>>) semaphore(%arg14 : memref<!tpu.dma_semaphore, #tpu.memory_space<semaphore_mem>>)
    }
    %scan3A_35 = arith.constant 40 : i32
    %dma_wait3A = arith.constant 0 : i32
    %dma_wait3A_36 = arith.constant 0 : i32
    %dma_wait3A_37 = tpu.memref_slice %arg6[%dma_wait3A, %dma_wait3A_36] : memref<2x80xi32, #tpu.memory_space<vmem>> -> memref<1x80xi32, #tpu.memory_space<vmem>>
    %dma_wait3A_38 = tpu.memref_squeeze %dma_wait3A_37 : memref<1x80xi32, #tpu.memory_space<vmem>> -> memref<80xi32, #tpu.memory_space<vmem>>
    %dma_wait3A_39 = arith.constant 0 : i32
    %dma_wait3A_40 = arith.constant 0 : i32
    %dma_wait3A_41 = tpu.memref_slice %arg2[%dma_wait3A_39, %dma_wait3A_40] : memref<10240x128xf32, #tpu.memory_space<hbm>> -> memref<10240x128xf32, #tpu.memory_space<hbm>>
    tpu.wait_indirect_dma semaphore(%arg12 : memref<!tpu.dma_semaphore, #tpu.memory_space<semaphore_mem>>) src(%dma_wait3A_41 : memref<10240x128xf32, #tpu.memory_space<hbm>>) dst(%arg9 : memref<80x128xf32, #tpu.memory_space<vmem>>)
    %dma_start3A_42 = arith.constant 1 : i32
    %dma_start3A_43 = arith.constant 0 : i32
    %dma_start3A_44 = tpu.memref_slice %arg6[%dma_start3A_42, %dma_start3A_43] : memref<2x80xi32, #tpu.memory_space<vmem>> -> memref<1x80xi32, #tpu.memory_space<vmem>>
    %dma_start3A_45 = tpu.memref_squeeze %dma_start3A_44 : memref<1x80xi32, #tpu.memory_space<vmem>> -> memref<80xi32, #tpu.memory_space<vmem>>
    %dma_start3A_46 = arith.constant 0 : i32
    %dma_start3A_47 = arith.constant 0 : i32
    %dma_start3A_48 = tpu.memref_slice %arg21[%dma_start3A_46, %dma_start3A_47] : memref<10240x128xf32, #tpu.memory_space<vmem_shared>> -> memref<10240x128xf32, #tpu.memory_space<vmem_shared>>
    tpu.enqueue_indirect_dma source(%arg9 : memref<80x128xf32, #tpu.memory_space<vmem>>) target(%dma_start3A_48 : memref<10240x128xf32, #tpu.memory_space<vmem_shared>>) offsets(%dma_start3A_45 : memref<80xi32, #tpu.memory_space<vmem>>) semaphore(%arg15 : memref<!tpu.dma_semaphore, #tpu.memory_space<semaphore_mem>>) {add = true}
    %dma_wait3A_49 = arith.constant 1 : i32
    %dma_wait3A_50 = arith.constant 0 : i32
    %dma_wait3A_51 = tpu.memref_slice %arg6[%dma_wait3A_49, %dma_wait3A_50] : memref<2x80xi32, #tpu.memory_space<vmem>> -> memref<1x80xi32, #tpu.memory_space<vmem>>
    %dma_wait3A_52 = tpu.memref_squeeze %dma_wait3A_51 : memref<1x80xi32, #tpu.memory_space<vmem>> -> memref<80xi32, #tpu.memory_space<vmem>>
    %dma_wait3A_53 = arith.constant 0 : i32
    %dma_wait3A_54 = arith.constant 0 : i32
    %dma_wait3A_55 = tpu.memref_slice %arg21[%dma_wait3A_53, %dma_wait3A_54] : memref<10240x128xf32, #tpu.memory_space<vmem_shared>> -> memref<10240x128xf32, #tpu.memory_space<vmem_shared>>
    tpu.wait_indirect_dma semaphore(%arg15 : memref<!tpu.dma_semaphore, #tpu.memory_space<semaphore_mem>>) src(%arg9 : memref<80x128xf32, #tpu.memory_space<vmem>>) dst(%dma_wait3A_55 : memref<10240x128xf32, #tpu.memory_space<vmem_shared>>)
    %add3A_56 = arith.constant 123 : i32
    %add3A_57 = arith.addi %mul3A_4, %add3A_56 : i32
    "tpu.region"() ({
      %run_scoped3A = tpu.sem_alloc : memref<!tpu.dma_semaphore, #tpu.memory_space<semaphore_mem>>
      %dma_start3A_162 = arith.constant 0 : i32
      %dma_start3A_163 = arith.constant 0 : i32
      %dma_start3A_164 = tpu.memref_slice %arg3[%add3A_57, %dma_start3A_162, %dma_start3A_163] : memref<4000x2x80xi32, #tpu.memory_space<hbm>> -> memref<1x2x80xi32, #tpu.memory_space<hbm>>
      %dma_start3A_165 = tpu.memref_squeeze %dma_start3A_164 : memref<1x2x80xi32, #tpu.memory_space<hbm>> -> memref<2x80xi32, #tpu.memory_space<hbm>>
      %dma_start3A_166 = arith.constant 0 : i32
      %dma_start3A_167 = arith.constant 0 : i32
      %dma_start3A_168 = tpu.memref_slice %arg3[%add3A_57, %dma_start3A_166, %dma_start3A_167] : memref<4000x2x80xi32, #tpu.memory_space<hbm>> -> memref<1x2x80xi32, #tpu.memory_space<hbm>>
      %dma_start3A_169 = tpu.memref_squeeze %dma_start3A_168 : memref<1x2x80xi32, #tpu.memory_space<hbm>> -> memref<2x80xi32, #tpu.memory_space<hbm>>
      tpu.enqueue_dma source(%dma_start3A_169 : memref<2x80xi32, #tpu.memory_space<hbm>>) target(%arg6 : memref<2x80xi32, #tpu.memory_space<vmem>>) target_semaphore(%run_scoped3A : memref<!tpu.dma_semaphore, #tpu.memory_space<semaphore_mem>>)
      %dma_wait3A_170 = arith.constant 0 : i32
      %dma_wait3A_171 = arith.constant 0 : i32
      %dma_wait3A_172 = tpu.memref_slice %arg3[%add3A_57, %dma_wait3A_170, %dma_wait3A_171] : memref<4000x2x80xi32, #tpu.memory_space<hbm>> -> memref<1x2x80xi32, #tpu.memory_space<hbm>>
      %dma_wait3A_173 = tpu.memref_squeeze %dma_wait3A_172 : memref<1x2x80xi32, #tpu.memory_space<hbm>> -> memref<2x80xi32, #tpu.memory_space<hbm>>
      %dma_wait3A_174 = arith.constant 0 : i32
      %dma_wait3A_175 = arith.constant 0 : i32
      %dma_wait3A_176 = tpu.memref_slice %arg3[%add3A_57, %dma_wait3A_174, %dma_wait3A_175] : memref<4000x2x80xi32, #tpu.memory_space<hbm>> -> memref<1x2x80xi32, #tpu.memory_space<hbm>>
      %dma_wait3A_177 = tpu.memref_squeeze %dma_wait3A_176 : memref<1x2x80xi32, #tpu.memory_space<hbm>> -> memref<2x80xi32, #tpu.memory_space<hbm>>
      tpu.wait_dma2 semaphore(%run_scoped3A : memref<!tpu.dma_semaphore, #tpu.memory_space<semaphore_mem>>) src(%dma_wait3A_177 : memref<2x80xi32, #tpu.memory_space<hbm>>) dst(%arg6 : memref<2x80xi32, #tpu.memory_space<vmem>>)
      tpu.yield
    }) : () -> ()
    %dma_start3A_58 = arith.constant 0 : i32
    %dma_start3A_59 = arith.constant 0 : i32
    %dma_start3A_60 = tpu.memref_slice %arg6[%dma_start3A_58, %dma_start3A_59] : memref<2x80xi32, #tpu.memory_space<vmem>> -> memref<1x80xi32, #tpu.memory_space<vmem>>
    %dma_start3A_61 = tpu.memref_squeeze %dma_start3A_60 : memref<1x80xi32, #tpu.memory_space<vmem>> -> memref<80xi32, #tpu.memory_space<vmem>>
    %dma_start3A_62 = arith.constant 0 : i32
    %dma_start3A_63 = arith.constant 0 : i32
    %dma_start3A_64 = tpu.memref_slice %arg2[%dma_start3A_62, %dma_start3A_63] : memref<10240x128xf32, #tpu.memory_space<hbm>> -> memref<10240x128xf32, #tpu.memory_space<hbm>>
    tpu.enqueue_indirect_dma source(%dma_start3A_64 : memref<10240x128xf32, #tpu.memory_space<hbm>>) target(%arg9 : memref<80x128xf32, #tpu.memory_space<vmem>>) offsets(%dma_start3A_61 : memref<80xi32, #tpu.memory_space<vmem>>) semaphore(%arg12 : memref<!tpu.dma_semaphore, #tpu.memory_space<semaphore_mem>>)
    %dma_wait3A_65 = arith.constant 0 : i32
    %dma_wait3A_66 = arith.constant 0 : i32
    %dma_wait3A_67 = tpu.memref_slice %arg6[%dma_wait3A_65, %dma_wait3A_66] : memref<2x80xi32, #tpu.memory_space<vmem>> -> memref<1x80xi32, #tpu.memory_space<vmem>>
    %dma_wait3A_68 = tpu.memref_squeeze %dma_wait3A_67 : memref<1x80xi32, #tpu.memory_space<vmem>> -> memref<80xi32, #tpu.memory_space<vmem>>
    %dma_wait3A_69 = arith.constant 0 : i32
    %dma_wait3A_70 = arith.constant 0 : i32
    %dma_wait3A_71 = tpu.memref_slice %arg2[%dma_wait3A_69, %dma_wait3A_70] : memref<10240x128xf32, #tpu.memory_space<hbm>> -> memref<10240x128xf32, #tpu.memory_space<hbm>>
    tpu.wait_indirect_dma semaphore(%arg13 : memref<!tpu.dma_semaphore, #tpu.memory_space<semaphore_mem>>) src(%dma_wait3A_71 : memref<10240x128xf32, #tpu.memory_space<hbm>>) dst(%arg10 : memref<80x128xf32, #tpu.memory_space<vmem>>)
    %dma_start3A_72 = arith.constant 1 : i32
    %dma_start3A_73 = arith.constant 0 : i32
    %dma_start3A_74 = tpu.memref_slice %arg7[%dma_start3A_72, %dma_start3A_73] : memref<2x80xi32, #tpu.memory_space<vmem>> -> memref<1x80xi32, #tpu.memory_space<vmem>>
    %dma_start3A_75 = tpu.memref_squeeze %dma_start3A_74 : memref<1x80xi32, #tpu.memory_space<vmem>> -> memref<80xi32, #tpu.memory_space<vmem>>
    %dma_start3A_76 = arith.constant 0 : i32
    %dma_start3A_77 = arith.constant 0 : i32
    %dma_start3A_78 = tpu.memref_slice %arg21[%dma_start3A_76, %dma_start3A_77] : memref<10240x128xf32, #tpu.memory_space<vmem_shared>> -> memref<10240x128xf32, #tpu.memory_space<vmem_shared>>
    tpu.enqueue_indirect_dma source(%arg10 : memref<80x128xf32, #tpu.memory_space<vmem>>) target(%dma_start3A_78 : memref<10240x128xf32, #tpu.memory_space<vmem_shared>>) offsets(%dma_start3A_75 : memref<80xi32, #tpu.memory_space<vmem>>) semaphore(%arg16 : memref<!tpu.dma_semaphore, #tpu.memory_space<semaphore_mem>>) {add = true}
    %dma_wait3A_79 = arith.constant 1 : i32
    %dma_wait3A_80 = arith.constant 0 : i32
    %dma_wait3A_81 = tpu.memref_slice %arg7[%dma_wait3A_79, %dma_wait3A_80] : memref<2x80xi32, #tpu.memory_space<vmem>> -> memref<1x80xi32, #tpu.memory_space<vmem>>
    %dma_wait3A_82 = tpu.memref_squeeze %dma_wait3A_81 : memref<1x80xi32, #tpu.memory_space<vmem>> -> memref<80xi32, #tpu.memory_space<vmem>>
    %dma_wait3A_83 = arith.constant 0 : i32
    %dma_wait3A_84 = arith.constant 0 : i32
    %dma_wait3A_85 = tpu.memref_slice %arg21[%dma_wait3A_83, %dma_wait3A_84] : memref<10240x128xf32, #tpu.memory_space<vmem_shared>> -> memref<10240x128xf32, #tpu.memory_space<vmem_shared>>
    tpu.wait_indirect_dma semaphore(%arg16 : memref<!tpu.dma_semaphore, #tpu.memory_space<semaphore_mem>>) src(%arg10 : memref<80x128xf32, #tpu.memory_space<vmem>>) dst(%dma_wait3A_85 : memref<10240x128xf32, #tpu.memory_space<vmem_shared>>)
    %add3A_86 = arith.constant 124 : i32
    %add3A_87 = arith.addi %mul3A_4, %add3A_86 : i32
    "tpu.region"() ({
      %run_scoped3A = tpu.sem_alloc : memref<!tpu.dma_semaphore, #tpu.memory_space<semaphore_mem>>
      %dma_start3A_162 = arith.constant 0 : i32
      %dma_start3A_163 = arith.constant 0 : i32
      %dma_start3A_164 = tpu.memref_slice %arg3[%add3A_87, %dma_start3A_162, %dma_start3A_163] : memref<4000x2x80xi32, #tpu.memory_space<hbm>> -> memref<1x2x80xi32, #tpu.memory_space<hbm>>
      %dma_start3A_165 = tpu.memref_squeeze %dma_start3A_164 : memref<1x2x80xi32, #tpu.memory_space<hbm>> -> memref<2x80xi32, #tpu.memory_space<hbm>>
      %dma_start3A_166 = arith.constant 0 : i32
      %dma_start3A_167 = arith.constant 0 : i32
      %dma_start3A_168 = tpu.memref_slice %arg3[%add3A_87, %dma_start3A_166, %dma_start3A_167] : memref<4000x2x80xi32, #tpu.memory_space<hbm>> -> memref<1x2x80xi32, #tpu.memory_space<hbm>>
      %dma_start3A_169 = tpu.memref_squeeze %dma_start3A_168 : memref<1x2x80xi32, #tpu.memory_space<hbm>> -> memref<2x80xi32, #tpu.memory_space<hbm>>
      tpu.enqueue_dma source(%dma_start3A_169 : memref<2x80xi32, #tpu.memory_space<hbm>>) target(%arg7 : memref<2x80xi32, #tpu.memory_space<vmem>>) target_semaphore(%run_scoped3A : memref<!tpu.dma_semaphore, #tpu.memory_space<semaphore_mem>>)
      %dma_wait3A_170 = arith.constant 0 : i32
      %dma_wait3A_171 = arith.constant 0 : i32
      %dma_wait3A_172 = tpu.memref_slice %arg3[%add3A_87, %dma_wait3A_170, %dma_wait3A_171] : memref<4000x2x80xi32, #tpu.memory_space<hbm>> -> memref<1x2x80xi32, #tpu.memory_space<hbm>>
      %dma_wait3A_173 = tpu.memref_squeeze %dma_wait3A_172 : memref<1x2x80xi32, #tpu.memory_space<hbm>> -> memref<2x80xi32, #tpu.memory_space<hbm>>
      %dma_wait3A_174 = arith.constant 0 : i32
      %dma_wait3A_175 = arith.constant 0 : i32
      %dma_wait3A_176 = tpu.memref_slice %arg3[%add3A_87, %dma_wait3A_174, %dma_wait3A_175] : memref<4000x2x80xi32, #tpu.memory_space<hbm>> -> memref<1x2x80xi32, #tpu.memory_space<hbm>>
      %dma_wait3A_177 = tpu.memref_squeeze %dma_wait3A_176 : memref<1x2x80xi32, #tpu.memory_space<hbm>> -> memref<2x80xi32, #tpu.memory_space<hbm>>
      tpu.wait_dma2 semaphore(%run_scoped3A : memref<!tpu.dma_semaphore, #tpu.memory_space<semaphore_mem>>) src(%dma_wait3A_177 : memref<2x80xi32, #tpu.memory_space<hbm>>) dst(%arg7 : memref<2x80xi32, #tpu.memory_space<vmem>>)
      tpu.yield
    }) : () -> ()
    %dma_start3A_88 = arith.constant 0 : i32
    %dma_start3A_89 = arith.constant 0 : i32
    %dma_start3A_90 = tpu.memref_slice %arg7[%dma_start3A_88, %dma_start3A_89] : memref<2x80xi32, #tpu.memory_space<vmem>> -> memref<1x80xi32, #tpu.memory_space<vmem>>
    %dma_start3A_91 = tpu.memref_squeeze %dma_start3A_90 : memref<1x80xi32, #tpu.memory_space<vmem>> -> memref<80xi32, #tpu.memory_space<vmem>>
    %dma_start3A_92 = arith.constant 0 : i32
    %dma_start3A_93 = arith.constant 0 : i32
    %dma_start3A_94 = tpu.memref_slice %arg2[%dma_start3A_92, %dma_start3A_93] : memref<10240x128xf32, #tpu.memory_space<hbm>> -> memref<10240x128xf32, #tpu.memory_space<hbm>>
    tpu.enqueue_indirect_dma source(%dma_start3A_94 : memref<10240x128xf32, #tpu.memory_space<hbm>>) target(%arg10 : memref<80x128xf32, #tpu.memory_space<vmem>>) offsets(%dma_start3A_91 : memref<80xi32, #tpu.memory_space<vmem>>) semaphore(%arg13 : memref<!tpu.dma_semaphore, #tpu.memory_space<semaphore_mem>>)
    %dma_wait3A_95 = arith.constant 0 : i32
    %dma_wait3A_96 = arith.constant 0 : i32
    %dma_wait3A_97 = tpu.memref_slice %arg6[%dma_wait3A_95, %dma_wait3A_96] : memref<2x80xi32, #tpu.memory_space<vmem>> -> memref<1x80xi32, #tpu.memory_space<vmem>>
    %dma_wait3A_98 = tpu.memref_squeeze %dma_wait3A_97 : memref<1x80xi32, #tpu.memory_space<vmem>> -> memref<80xi32, #tpu.memory_space<vmem>>
    %dma_wait3A_99 = arith.constant 0 : i32
    %dma_wait3A_100 = arith.constant 0 : i32
    %dma_wait3A_101 = tpu.memref_slice %arg2[%dma_wait3A_99, %dma_wait3A_100] : memref<10240x128xf32, #tpu.memory_space<hbm>> -> memref<10240x128xf32, #tpu.memory_space<hbm>>
    tpu.wait_indirect_dma semaphore(%arg14 : memref<!tpu.dma_semaphore, #tpu.memory_space<semaphore_mem>>) src(%dma_wait3A_101 : memref<10240x128xf32, #tpu.memory_space<hbm>>) dst(%arg11 : memref<80x128xf32, #tpu.memory_space<vmem>>)
    %dma_start3A_102 = arith.constant 1 : i32
    %dma_start3A_103 = arith.constant 0 : i32
    %dma_start3A_104 = tpu.memref_slice %arg8[%dma_start3A_102, %dma_start3A_103] : memref<2x80xi32, #tpu.memory_space<vmem>> -> memref<1x80xi32, #tpu.memory_space<vmem>>
    %dma_start3A_105 = tpu.memref_squeeze %dma_start3A_104 : memref<1x80xi32, #tpu.memory_space<vmem>> -> memref<80xi32, #tpu.memory_space<vmem>>
    %dma_start3A_106 = arith.constant 0 : i32
    %dma_start3A_107 = arith.constant 0 : i32
    %dma_start3A_108 = tpu.memref_slice %arg21[%dma_start3A_106, %dma_start3A_107] : memref<10240x128xf32, #tpu.memory_space<vmem_shared>> -> memref<10240x128xf32, #tpu.memory_space<vmem_shared>>
    tpu.enqueue_indirect_dma source(%arg11 : memref<80x128xf32, #tpu.memory_space<vmem>>) target(%dma_start3A_108 : memref<10240x128xf32, #tpu.memory_space<vmem_shared>>) offsets(%dma_start3A_105 : memref<80xi32, #tpu.memory_space<vmem>>) semaphore(%arg17 : memref<!tpu.dma_semaphore, #tpu.memory_space<semaphore_mem>>) {add = true}
    %dma_wait3A_109 = arith.constant 0 : i32
    %dma_wait3A_110 = arith.constant 0 : i32
    %dma_wait3A_111 = tpu.memref_slice %arg6[%dma_wait3A_109, %dma_wait3A_110] : memref<2x80xi32, #tpu.memory_space<vmem>> -> memref<1x80xi32, #tpu.memory_space<vmem>>
    %dma_wait3A_112 = tpu.memref_squeeze %dma_wait3A_111 : memref<1x80xi32, #tpu.memory_space<vmem>> -> memref<80xi32, #tpu.memory_space<vmem>>
    %dma_wait3A_113 = arith.constant 0 : i32
    %dma_wait3A_114 = arith.constant 0 : i32
    %dma_wait3A_115 = tpu.memref_slice %arg2[%dma_wait3A_113, %dma_wait3A_114] : memref<10240x128xf32, #tpu.memory_space<hbm>> -> memref<10240x128xf32, #tpu.memory_space<hbm>>
    tpu.wait_indirect_dma semaphore(%arg12 : memref<!tpu.dma_semaphore, #tpu.memory_space<semaphore_mem>>) src(%dma_wait3A_115 : memref<10240x128xf32, #tpu.memory_space<hbm>>) dst(%arg9 : memref<80x128xf32, #tpu.memory_space<vmem>>)
    %dma_start3A_116 = arith.constant 1 : i32
    %dma_start3A_117 = arith.constant 0 : i32
    %dma_start3A_118 = tpu.memref_slice %arg6[%dma_start3A_116, %dma_start3A_117] : memref<2x80xi32, #tpu.memory_space<vmem>> -> memref<1x80xi32, #tpu.memory_space<vmem>>
    %dma_start3A_119 = tpu.memref_squeeze %dma_start3A_118 : memref<1x80xi32, #tpu.memory_space<vmem>> -> memref<80xi32, #tpu.memory_space<vmem>>
    %dma_start3A_120 = arith.constant 0 : i32
    %dma_start3A_121 = arith.constant 0 : i32
    %dma_start3A_122 = tpu.memref_slice %arg21[%dma_start3A_120, %dma_start3A_121] : memref<10240x128xf32, #tpu.memory_space<vmem_shared>> -> memref<10240x128xf32, #tpu.memory_space<vmem_shared>>
    tpu.enqueue_indirect_dma source(%arg9 : memref<80x128xf32, #tpu.memory_space<vmem>>) target(%dma_start3A_122 : memref<10240x128xf32, #tpu.memory_space<vmem_shared>>) offsets(%dma_start3A_119 : memref<80xi32, #tpu.memory_space<vmem>>) semaphore(%arg15 : memref<!tpu.dma_semaphore, #tpu.memory_space<semaphore_mem>>) {add = true}
    %dma_wait3A_123 = arith.constant 0 : i32
    %dma_wait3A_124 = arith.constant 0 : i32
    %dma_wait3A_125 = tpu.memref_slice %arg6[%dma_wait3A_123, %dma_wait3A_124] : memref<2x80xi32, #tpu.memory_space<vmem>> -> memref<1x80xi32, #tpu.memory_space<vmem>>
    %dma_wait3A_126 = tpu.memref_squeeze %dma_wait3A_125 : memref<1x80xi32, #tpu.memory_space<vmem>> -> memref<80xi32, #tpu.memory_space<vmem>>
    %dma_wait3A_127 = arith.constant 0 : i32
    %dma_wait3A_128 = arith.constant 0 : i32
    %dma_wait3A_129 = tpu.memref_slice %arg2[%dma_wait3A_127, %dma_wait3A_128] : memref<10240x128xf32, #tpu.memory_space<hbm>> -> memref<10240x128xf32, #tpu.memory_space<hbm>>
    tpu.wait_indirect_dma semaphore(%arg13 : memref<!tpu.dma_semaphore, #tpu.memory_space<semaphore_mem>>) src(%dma_wait3A_129 : memref<10240x128xf32, #tpu.memory_space<hbm>>) dst(%arg10 : memref<80x128xf32, #tpu.memory_space<vmem>>)
    %dma_start3A_130 = arith.constant 1 : i32
    %dma_start3A_131 = arith.constant 0 : i32
    %dma_start3A_132 = tpu.memref_slice %arg7[%dma_start3A_130, %dma_start3A_131] : memref<2x80xi32, #tpu.memory_space<vmem>> -> memref<1x80xi32, #tpu.memory_space<vmem>>
    %dma_start3A_133 = tpu.memref_squeeze %dma_start3A_132 : memref<1x80xi32, #tpu.memory_space<vmem>> -> memref<80xi32, #tpu.memory_space<vmem>>
    %dma_start3A_134 = arith.constant 0 : i32
    %dma_start3A_135 = arith.constant 0 : i32
    %dma_start3A_136 = tpu.memref_slice %arg21[%dma_start3A_134, %dma_start3A_135] : memref<10240x128xf32, #tpu.memory_space<vmem_shared>> -> memref<10240x128xf32, #tpu.memory_space<vmem_shared>>
    tpu.enqueue_indirect_dma source(%arg10 : memref<80x128xf32, #tpu.memory_space<vmem>>) target(%dma_start3A_136 : memref<10240x128xf32, #tpu.memory_space<vmem_shared>>) offsets(%dma_start3A_133 : memref<80xi32, #tpu.memory_space<vmem>>) semaphore(%arg16 : memref<!tpu.dma_semaphore, #tpu.memory_space<semaphore_mem>>) {add = true}
    %dma_wait3A_137 = arith.constant 1 : i32
    %dma_wait3A_138 = arith.constant 0 : i32
    %dma_wait3A_139 = tpu.memref_slice %arg8[%dma_wait3A_137, %dma_wait3A_138] : memref<2x80xi32, #tpu.memory_space<vmem>> -> memref<1x80xi32, #tpu.memory_space<vmem>>
    %dma_wait3A_140 = tpu.memref_squeeze %dma_wait3A_139 : memref<1x80xi32, #tpu.memory_space<vmem>> -> memref<80xi32, #tpu.memory_space<vmem>>
    %dma_wait3A_141 = arith.constant 0 : i32
    %dma_wait3A_142 = arith.constant 0 : i32
    %dma_wait3A_143 = tpu.memref_slice %arg21[%dma_wait3A_141, %dma_wait3A_142] : memref<10240x128xf32, #tpu.memory_space<vmem_shared>> -> memref<10240x128xf32, #tpu.memory_space<vmem_shared>>
    tpu.wait_indirect_dma semaphore(%arg17 : memref<!tpu.dma_semaphore, #tpu.memory_space<semaphore_mem>>) src(%arg11 : memref<80x128xf32, #tpu.memory_space<vmem>>) dst(%dma_wait3A_143 : memref<10240x128xf32, #tpu.memory_space<vmem_shared>>)
    %dma_wait3A_144 = arith.constant 1 : i32
    %dma_wait3A_145 = arith.constant 0 : i32
    %dma_wait3A_146 = tpu.memref_slice %arg6[%dma_wait3A_144, %dma_wait3A_145] : memref<2x80xi32, #tpu.memory_space<vmem>> -> memref<1x80xi32, #tpu.memory_space<vmem>>
    %dma_wait3A_147 = tpu.memref_squeeze %dma_wait3A_146 : memref<1x80xi32, #tpu.memory_space<vmem>> -> memref<80xi32, #tpu.memory_space<vmem>>
    %dma_wait3A_148 = arith.constant 0 : i32
    %dma_wait3A_149 = arith.constant 0 : i32
    %dma_wait3A_150 = tpu.memref_slice %arg21[%dma_wait3A_148, %dma_wait3A_149] : memref<10240x128xf32, #tpu.memory_space<vmem_shared>> -> memref<10240x128xf32, #tpu.memory_space<vmem_shared>>
    tpu.wait_indirect_dma semaphore(%arg15 : memref<!tpu.dma_semaphore, #tpu.memory_space<semaphore_mem>>) src(%arg9 : memref<80x128xf32, #tpu.memory_space<vmem>>) dst(%dma_wait3A_150 : memref<10240x128xf32, #tpu.memory_space<vmem_shared>>)
    %dma_wait3A_151 = arith.constant 1 : i32
    %dma_wait3A_152 = arith.constant 0 : i32
    %dma_wait3A_153 = tpu.memref_slice %arg7[%dma_wait3A_151, %dma_wait3A_152] : memref<2x80xi32, #tpu.memory_space<vmem>> -> memref<1x80xi32, #tpu.memory_space<vmem>>
    %dma_wait3A_154 = tpu.memref_squeeze %dma_wait3A_153 : memref<1x80xi32, #tpu.memory_space<vmem>> -> memref<80xi32, #tpu.memory_space<vmem>>
    %dma_wait3A_155 = arith.constant 0 : i32
    %dma_wait3A_156 = arith.constant 0 : i32
    %dma_wait3A_157 = tpu.memref_slice %arg21[%dma_wait3A_155, %dma_wait3A_156] : memref<10240x128xf32, #tpu.memory_space<vmem_shared>> -> memref<10240x128xf32, #tpu.memory_space<vmem_shared>>
    tpu.wait_indirect_dma semaphore(%arg16 : memref<!tpu.dma_semaphore, #tpu.memory_space<semaphore_mem>>) src(%arg10 : memref<80x128xf32, #tpu.memory_space<vmem>>) dst(%dma_wait3A_157 : memref<10240x128xf32, #tpu.memory_space<vmem_shared>>)
    %barrier3A_158 = arith.constant 0 : index
    tpu.barrier barrier_id(%barrier3A_158)
    %mul3A_159 = arith.constant 10240 : i32
    %mul3A_160 = arith.muli %arg0, %mul3A_159 : i32
    %add3A_161 = arith.addi %mul3A_160, %mul3A_0 : i32
    "tpu.region"() ({
      %run_scoped3A = tpu.sem_alloc : memref<!tpu.dma_semaphore, #tpu.memory_space<semaphore_mem>>
      %dma_start3A_162 = arith.constant 0 : i32
      %dma_start3A_163 = tpu.memref_slice %arg5[%add3A_161, %dma_start3A_162] : memref<20480x128xf32, #tpu.memory_space<hbm>> -> memref<640x128xf32, #tpu.memory_space<hbm>>
      %dma_start3A_164 = arith.constant 0 : i32
      %dma_start3A_165 = tpu.memref_slice %arg21[%mul3A_0, %dma_start3A_164] : memref<10240x128xf32, #tpu.memory_space<vmem_shared>> -> memref<640x128xf32, #tpu.memory_space<vmem_shared>>
      tpu.enqueue_dma source(%dma_start3A_165 : memref<640x128xf32, #tpu.memory_space<vmem_shared>>) target(%dma_start3A_163 : memref<640x128xf32, #tpu.memory_space<hbm>>) target_semaphore(%run_scoped3A : memref<!tpu.dma_semaphore, #tpu.memory_space<semaphore_mem>>)
      %dma_wait3A_166 = arith.constant 0 : i32
      %dma_wait3A_167 = tpu.memref_slice %arg5[%add3A_161, %dma_wait3A_166] : memref<20480x128xf32, #tpu.memory_space<hbm>> -> memref<640x128xf32, #tpu.memory_space<hbm>>
      %dma_wait3A_168 = arith.constant 0 : i32
      %dma_wait3A_169 = tpu.memref_slice %arg21[%mul3A_0, %dma_wait3A_168] : memref<10240x128xf32, #tpu.memory_space<vmem_shared>> -> memref<640x128xf32, #tpu.memory_space<vmem_shared>>
      tpu.wait_dma2 semaphore(%run_scoped3A : memref<!tpu.dma_semaphore, #tpu.memory_space<semaphore_mem>>) src(%dma_wait3A_169 : memref<640x128xf32, #tpu.memory_space<vmem_shared>>) dst(%dma_wait3A_167 : memref<640x128xf32, #tpu.memory_space<hbm>>)
      tpu.yield
    }) : () -> ()
    return
  }
}

#map = affine_map<(d0, d1) -> (0)>
module attributes {stable_mosaic.version = 14 : i64} {
  func.func @_deg_body(%arg0: i32, %arg1: i32, %arg2: memref<320000xi32, #tpu.memory_space<hbm>>, %arg3: memref<640xf32, #tpu.memory_space<hbm>>, %arg4: memref<10000xf32, #tpu.memory_space<hbm>>, %arg5: memref<20480xf32, #tpu.memory_space<hbm>>, %arg6: memref<10000xi32, #tpu.memory_space<vmem>>, %arg7: memref<10000xf32, #tpu.memory_space<vmem>>, %arg8: memref<10240xf32, #tpu.memory_space<vmem_shared>>) attributes {dimension_semantics = [#tpu.dimension_semantics<core_parallel>, #tpu.dimension_semantics<subcore_parallel>], iteration_bounds = array<i64: 2, 16>, scalar_prefetch = 0 : i64, scratch_operands = 3 : i64, tpu.core_type = #tpu.core_type<sc_vector_subcore>, window_params = [{transform_indices = #map}, {transform_indices = #map}, {transform_indices = #map}, {transform_indices = #map}]} {
    %mul3A = arith.constant 640 : i32
    %mul3A_0 = arith.muli %arg1, %mul3A : i32
    "tpu.region"() ({
      %run_scoped3A = tpu.sem_alloc : memref<!tpu.dma_semaphore, #tpu.memory_space<semaphore_mem>>
      %dma_start3A = tpu.memref_slice %arg8[%mul3A_0] : memref<10240xf32, #tpu.memory_space<vmem_shared>> -> memref<640xf32, #tpu.memory_space<vmem_shared>>
      tpu.enqueue_dma source(%arg3 : memref<640xf32, #tpu.memory_space<hbm>>) target(%dma_start3A : memref<640xf32, #tpu.memory_space<vmem_shared>>) target_semaphore(%run_scoped3A : memref<!tpu.dma_semaphore, #tpu.memory_space<semaphore_mem>>)
      %dma_wait3A = tpu.memref_slice %arg8[%mul3A_0] : memref<10240xf32, #tpu.memory_space<vmem_shared>> -> memref<640xf32, #tpu.memory_space<vmem_shared>>
      tpu.wait_dma2 semaphore(%run_scoped3A : memref<!tpu.dma_semaphore, #tpu.memory_space<semaphore_mem>>) src(%arg3 : memref<640xf32, #tpu.memory_space<hbm>>) dst(%dma_wait3A : memref<640xf32, #tpu.memory_space<vmem_shared>>)
      tpu.yield
    }) : () -> ()
    "tpu.region"() ({
      %run_scoped3A = tpu.sem_alloc : memref<!tpu.dma_semaphore, #tpu.memory_space<semaphore_mem>>
      tpu.enqueue_dma source(%arg4 : memref<10000xf32, #tpu.memory_space<hbm>>) target(%arg7 : memref<10000xf32, #tpu.memory_space<vmem>>) target_semaphore(%run_scoped3A : memref<!tpu.dma_semaphore, #tpu.memory_space<semaphore_mem>>)
      tpu.wait_dma2 semaphore(%run_scoped3A : memref<!tpu.dma_semaphore, #tpu.memory_space<semaphore_mem>>) src(%arg4 : memref<10000xf32, #tpu.memory_space<hbm>>) dst(%arg7 : memref<10000xf32, #tpu.memory_space<vmem>>)
      tpu.yield
    }) : () -> ()
    %barrier3A = arith.constant 0 : index
    tpu.barrier barrier_id(%barrier3A)
    %mul3A_1 = arith.constant 16 : i32
    %mul3A_2 = arith.muli %arg0, %mul3A_1 : i32
    %add3A = arith.addi %mul3A_2, %arg1 : i32
    %mul3A_3 = arith.constant 10000 : i32
    %mul3A_4 = arith.muli %add3A, %mul3A_3 : i32
    "tpu.region"() ({
      %run_scoped3A = tpu.sem_alloc : memref<!tpu.dma_semaphore, #tpu.memory_space<semaphore_mem>>
      %dma_start3A = tpu.memref_slice %arg2[%mul3A_4] : memref<320000xi32, #tpu.memory_space<hbm>> -> memref<10000xi32, #tpu.memory_space<hbm>>
      %dma_start3A_9 = tpu.memref_slice %arg2[%mul3A_4] : memref<320000xi32, #tpu.memory_space<hbm>> -> memref<10000xi32, #tpu.memory_space<hbm>>
      tpu.enqueue_dma source(%dma_start3A_9 : memref<10000xi32, #tpu.memory_space<hbm>>) target(%arg6 : memref<10000xi32, #tpu.memory_space<vmem>>) target_semaphore(%run_scoped3A : memref<!tpu.dma_semaphore, #tpu.memory_space<semaphore_mem>>)
      %dma_wait3A = tpu.memref_slice %arg2[%mul3A_4] : memref<320000xi32, #tpu.memory_space<hbm>> -> memref<10000xi32, #tpu.memory_space<hbm>>
      %dma_wait3A_10 = tpu.memref_slice %arg2[%mul3A_4] : memref<320000xi32, #tpu.memory_space<hbm>> -> memref<10000xi32, #tpu.memory_space<hbm>>
      tpu.wait_dma2 semaphore(%run_scoped3A : memref<!tpu.dma_semaphore, #tpu.memory_space<semaphore_mem>>) src(%dma_wait3A_10 : memref<10000xi32, #tpu.memory_space<hbm>>) dst(%arg6 : memref<10000xi32, #tpu.memory_space<vmem>>)
      tpu.yield
    }) : () -> ()
    "tpu.region"() ({
      %run_scoped3A = tpu.sem_alloc : memref<!tpu.dma_semaphore, #tpu.memory_space<semaphore_mem>>
      %dma_start3A = arith.constant 0 : i32
      %dma_start3A_9 = tpu.memref_slice %arg8[%dma_start3A] : memref<10240xf32, #tpu.memory_space<vmem_shared>> -> memref<10240xf32, #tpu.memory_space<vmem_shared>>
      tpu.enqueue_indirect_dma source(%arg7 : memref<10000xf32, #tpu.memory_space<vmem>>) target(%dma_start3A_9 : memref<10240xf32, #tpu.memory_space<vmem_shared>>) offsets(%arg6 : memref<10000xi32, #tpu.memory_space<vmem>>) semaphore(%run_scoped3A : memref<!tpu.dma_semaphore, #tpu.memory_space<semaphore_mem>>) {add = true}
      %dma_wait3A = arith.constant 0 : i32
      %dma_wait3A_10 = tpu.memref_slice %arg8[%dma_wait3A] : memref<10240xf32, #tpu.memory_space<vmem_shared>> -> memref<10240xf32, #tpu.memory_space<vmem_shared>>
      tpu.wait_indirect_dma semaphore(%run_scoped3A : memref<!tpu.dma_semaphore, #tpu.memory_space<semaphore_mem>>) src(%arg7 : memref<10000xf32, #tpu.memory_space<vmem>>) dst(%dma_wait3A_10 : memref<10240xf32, #tpu.memory_space<vmem_shared>>)
      tpu.yield
    }) : () -> ()
    %barrier3A_5 = arith.constant 0 : index
    tpu.barrier barrier_id(%barrier3A_5)
    %mul3A_6 = arith.constant 10240 : i32
    %mul3A_7 = arith.muli %arg0, %mul3A_6 : i32
    %add3A_8 = arith.addi %mul3A_7, %mul3A_0 : i32
    "tpu.region"() ({
      %run_scoped3A = tpu.sem_alloc : memref<!tpu.dma_semaphore, #tpu.memory_space<semaphore_mem>>
      %dma_start3A = tpu.memref_slice %arg5[%add3A_8] : memref<20480xf32, #tpu.memory_space<hbm>> -> memref<640xf32, #tpu.memory_space<hbm>>
      %dma_start3A_9 = tpu.memref_slice %arg8[%mul3A_0] : memref<10240xf32, #tpu.memory_space<vmem_shared>> -> memref<640xf32, #tpu.memory_space<vmem_shared>>
      tpu.enqueue_dma source(%dma_start3A_9 : memref<640xf32, #tpu.memory_space<vmem_shared>>) target(%dma_start3A : memref<640xf32, #tpu.memory_space<hbm>>) target_semaphore(%run_scoped3A : memref<!tpu.dma_semaphore, #tpu.memory_space<semaphore_mem>>)
      %dma_wait3A = tpu.memref_slice %arg5[%add3A_8] : memref<20480xf32, #tpu.memory_space<hbm>> -> memref<640xf32, #tpu.memory_space<hbm>>
      %dma_wait3A_10 = tpu.memref_slice %arg8[%mul3A_0] : memref<10240xf32, #tpu.memory_space<vmem_shared>> -> memref<640xf32, #tpu.memory_space<vmem_shared>>
      tpu.wait_dma2 semaphore(%run_scoped3A : memref<!tpu.dma_semaphore, #tpu.memory_space<semaphore_mem>>) src(%dma_wait3A_10 : memref<640xf32, #tpu.memory_space<vmem_shared>>) dst(%dma_wait3A : memref<640xf32, #tpu.memory_space<hbm>>)
      tpu.yield
    }) : () -> ()
    return
  }
}

module attributes {stable_mosaic.version = 14 : i64} {
  func.func @_tc1_body(%arg0: i32, %arg1: memref<640x1xf32, #tpu.memory_space<vmem>>, %arg2: memref<640x1xf32, #tpu.memory_space<vmem>>, %arg3: memref<640x128xf32, #tpu.memory_space<vmem>>, %arg4: memref<128x128xf32, #tpu.memory_space<vmem>>, %arg5: memref<640x128xf32, #tpu.memory_space<vmem>>, %arg6: memref<640x1xf32, #tpu.memory_space<vmem>>) attributes {dimension_semantics = [#tpu.dimension_semantics<arbitrary>], iteration_bounds = array<i64: 16>, scalar_prefetch = 0 : i64, scratch_operands = 0 : i64, tpu.core_type = #tpu.core_type<tc>, window_params = [{transform_indices = @transform_0, window_bounds = array<i64: 640, 1>}, {transform_indices = @transform_1, window_bounds = array<i64: 640, 1>}, {transform_indices = @transform_2, window_bounds = array<i64: 640, 128>}, {pipeline_mode = #tpu.pipeline_mode<synchronous>, transform_indices = @transform_3, window_bounds = array<i64: 128, 128>}, {transform_indices = @transform_4, window_bounds = array<i64: 640, 128>}, {transform_indices = @transform_5, window_bounds = array<i64: 640, 1>}]} {
    %get3A = arith.constant 0 : index
    %get3A_0 = arith.constant 0 : index
    %get3A_1 = vector.load %arg1[%get3A, %get3A_0] : memref<640x1xf32, #tpu.memory_space<vmem>>, vector<640x1xf32>
    %get3A_2 = arith.constant 0 : index
    %get3A_3 = arith.constant 0 : index
    %get3A_4 = vector.load %arg2[%get3A_2, %get3A_3] : memref<640x1xf32, #tpu.memory_space<vmem>>, vector<640x1xf32>
    %add3A = arith.addf %get3A_1, %get3A_4 : vector<640x1xf32>
    %add3A_5 = arith.constant 1.000000e+00 : f32
    %add3A_6 = vector.broadcast %add3A_5 : f32 to vector<640x1xf32>
    %add3A_7 = arith.addf %add3A, %add3A_6 : vector<640x1xf32>
    %rsqrt3A = math.rsqrt %add3A_7 : vector<640x1xf32>
    %get3A_8 = arith.constant 0 : index
    %get3A_9 = arith.constant 0 : index
    %get3A_10 = vector.load %arg3[%get3A_8, %get3A_9] : memref<640x128xf32, #tpu.memory_space<vmem>>, vector<640x128xf32>
    %get3A_11 = arith.constant 0 : index
    %get3A_12 = arith.constant 0 : index
    %get3A_13 = vector.load %arg4[%get3A_11, %get3A_12] : memref<128x128xf32, #tpu.memory_space<vmem>>, vector<128x128xf32>
    %dot_general3A = arith.constant dense<0.000000e+00> : vector<640x128xf32>
    %dot_general3A_14 = tpu.matmul %get3A_10, %get3A_13, %dot_general3A {dimension_numbers = #tpu.dot_dimension_numbers<[1], [0], [0], [1], [0, 0, 1, 1], [], []>, transpose_lhs_hint = false} : vector<640x128xf32>, vector<128x128xf32>, vector<640x128xf32> -> vector<640x128xf32>
    %mul3A = vector.broadcast %rsqrt3A : vector<640x1xf32> to vector<640x128xf32>
    %mul3A_15 = arith.mulf %dot_general3A_14, %mul3A : vector<640x128xf32>
    %swap3A = arith.constant 0 : index
    %swap3A_16 = arith.constant 0 : index
    %swap3A_17 = vector.load %arg5[%swap3A, %swap3A_16] : memref<640x128xf32, #tpu.memory_space<vmem>>, vector<640x128xf32>
    tpu.vector_store %arg5[%swap3A, %swap3A_16], %mul3A_15 {strides = array<i32>} : memref<640x128xf32, #tpu.memory_space<vmem>>, vector<640x128xf32>,
    %swap3A_18 = arith.constant 0 : index
    %swap3A_19 = arith.constant 0 : index
    %swap3A_20 = vector.load %arg6[%swap3A_18, %swap3A_19] : memref<640x1xf32, #tpu.memory_space<vmem>>, vector<640x1xf32>
    tpu.vector_store %arg6[%swap3A_18, %swap3A_19], %rsqrt3A {strides = array<i32>} : memref<640x1xf32, #tpu.memory_space<vmem>>, vector<640x1xf32>,
    return
  }
  func.func @transform_0(%arg0: i32) -> (i32, i32) {
    %c0_i32 = arith.constant 0 : i32
    %c0_i32_0 = arith.constant 0 : i32
    return %arg0, %c0_i32 : i32, i32
  }
  func.func @transform_1(%arg0: i32) -> (i32, i32) {
    %add3A = arith.constant 16 : i32
    %add3A_0 = arith.addi %add3A, %arg0 : i32
    %c0_i32 = arith.constant 0 : i32
    %c0_i32_1 = arith.constant 0 : i32
    return %add3A_0, %c0_i32 : i32, i32
  }
  func.func @transform_2(%arg0: i32) -> (i32, i32) {
    %c0_i32 = arith.constant 0 : i32
    %c0_i32_0 = arith.constant 0 : i32
    return %arg0, %c0_i32 : i32, i32
  }
  func.func @transform_3(%arg0: i32) -> (i32, i32) {
    %c0_i32 = arith.constant 0 : i32
    %c0_i32_0 = arith.constant 0 : i32
    %c0_i32_1 = arith.constant 0 : i32
    return %c0_i32, %c0_i32_0 : i32, i32
  }
  func.func @transform_4(%arg0: i32) -> (i32, i32) {
    %c0_i32 = arith.constant 0 : i32
    %c0_i32_0 = arith.constant 0 : i32
    return %arg0, %c0_i32 : i32, i32
  }
  func.func @transform_5(%arg0: i32) -> (i32, i32) {
    %c0_i32 = arith.constant 0 : i32
    %c0_i32_0 = arith.constant 0 : i32
    return %arg0, %c0_i32 : i32, i32
  }
}

module attributes {stable_mosaic.version = 14 : i64} {
  func.func @_tc2_body(%arg0: i32, %arg1: memref<640x128xf32, #tpu.memory_space<vmem>>, %arg2: memref<640x128xf32, #tpu.memory_space<vmem>>, %arg3: memref<640x128xf32, #tpu.memory_space<vmem>>, %arg4: memref<640x1xf32, #tpu.memory_space<vmem>>, %arg5: memref<1x128xf32, #tpu.memory_space<vmem>>, %arg6: memref<128x128xf32, #tpu.memory_space<vmem>>, %arg7: memref<640x128xf32, #tpu.memory_space<vmem>>) attributes {dimension_semantics = [#tpu.dimension_semantics<arbitrary>], iteration_bounds = array<i64: 16>, scalar_prefetch = 0 : i64, scratch_operands = 0 : i64, tpu.core_type = #tpu.core_type<tc>, window_params = [{transform_indices = @transform_0, window_bounds = array<i64: 640, 128>}, {transform_indices = @transform_1, window_bounds = array<i64: 640, 128>}, {transform_indices = @transform_2, window_bounds = array<i64: 640, 128>}, {transform_indices = @transform_3, window_bounds = array<i64: 640, 1>}, {pipeline_mode = #tpu.pipeline_mode<synchronous>, transform_indices = @transform_4, window_bounds = array<i64: 1, 128>}, {pipeline_mode = #tpu.pipeline_mode<synchronous>, transform_indices = @transform_5, window_bounds = array<i64: 128, 128>}, {transform_indices = @transform_6, window_bounds = array<i64: 640, 128>}]} {
    %get3A = arith.constant 0 : index
    %get3A_0 = arith.constant 0 : index
    %get3A_1 = vector.load %arg1[%get3A, %get3A_0] : memref<640x128xf32, #tpu.memory_space<vmem>>, vector<640x128xf32>
    %get3A_2 = arith.constant 0 : index
    %get3A_3 = arith.constant 0 : index
    %get3A_4 = vector.load %arg2[%get3A_2, %get3A_3] : memref<640x128xf32, #tpu.memory_space<vmem>>, vector<640x128xf32>
    %add3A = arith.addf %get3A_1, %get3A_4 : vector<640x128xf32>
    %get3A_5 = arith.constant 0 : index
    %get3A_6 = arith.constant 0 : index
    %get3A_7 = vector.load %arg3[%get3A_5, %get3A_6] : memref<640x128xf32, #tpu.memory_space<vmem>>, vector<640x128xf32>
    %add3A_8 = arith.addf %add3A, %get3A_7 : vector<640x128xf32>
    %get3A_9 = arith.constant 0 : index
    %get3A_10 = arith.constant 0 : index
    %get3A_11 = vector.load %arg4[%get3A_9, %get3A_10] : memref<640x1xf32, #tpu.memory_space<vmem>>, vector<640x1xf32>
    %mul3A = vector.broadcast %get3A_11 : vector<640x1xf32> to vector<640x128xf32>
    %mul3A_12 = arith.mulf %add3A_8, %mul3A : vector<640x128xf32>
    %get3A_13 = arith.constant 0 : index
    %get3A_14 = arith.constant 0 : index
    %get3A_15 = vector.load %arg5[%get3A_13, %get3A_14] : memref<1x128xf32, #tpu.memory_space<vmem>>, vector<1x128xf32>
    %add3A_16 = vector.broadcast %get3A_15 : vector<1x128xf32> to vector<640x128xf32>
    %add3A_17 = arith.addf %mul3A_12, %add3A_16 : vector<640x128xf32>
    %max3A = arith.constant 0.000000e+00 : f32
    %max3A_18 = vector.broadcast %max3A : f32 to vector<640x128xf32>
    %max3A_19 = arith.maximumf %add3A_17, %max3A_18 : vector<640x128xf32>
    %get3A_20 = arith.constant 0 : index
    %get3A_21 = arith.constant 0 : index
    %get3A_22 = vector.load %arg6[%get3A_20, %get3A_21] : memref<128x128xf32, #tpu.memory_space<vmem>>, vector<128x128xf32>
    %dot_general3A = arith.constant dense<0.000000e+00> : vector<640x128xf32>
    %dot_general3A_23 = tpu.matmul %max3A_19, %get3A_22, %dot_general3A {dimension_numbers = #tpu.dot_dimension_numbers<[1], [0], [0], [1], [0, 0, 1, 1], [], []>, transpose_lhs_hint = false} : vector<640x128xf32>, vector<128x128xf32>, vector<640x128xf32> -> vector<640x128xf32>
    %get3A_24 = arith.constant 0 : index
    %get3A_25 = arith.constant 0 : index
    %get3A_26 = vector.load %arg4[%get3A_24, %get3A_25] : memref<640x1xf32, #tpu.memory_space<vmem>>, vector<640x1xf32>
    %mul3A_27 = vector.broadcast %get3A_26 : vector<640x1xf32> to vector<640x128xf32>
    %mul3A_28 = arith.mulf %dot_general3A_23, %mul3A_27 : vector<640x128xf32>
    %swap3A = arith.constant 0 : index
    %swap3A_29 = arith.constant 0 : index
    %swap3A_30 = vector.load %arg7[%swap3A, %swap3A_29] : memref<640x128xf32, #tpu.memory_space<vmem>>, vector<640x128xf32>
    tpu.vector_store %arg7[%swap3A, %swap3A_29], %mul3A_28 {strides = array<i32>} : memref<640x128xf32, #tpu.memory_space<vmem>>, vector<640x128xf32>,
    return
  }
  func.func @transform_0(%arg0: i32) -> (i32, i32) {
    %c0_i32 = arith.constant 0 : i32
    %c0_i32_0 = arith.constant 0 : i32
    return %arg0, %c0_i32 : i32, i32
  }
  func.func @transform_1(%arg0: i32) -> (i32, i32) {
    %add3A = arith.constant 16 : i32
    %add3A_0 = arith.addi %add3A, %arg0 : i32
    %c0_i32 = arith.constant 0 : i32
    %c0_i32_1 = arith.constant 0 : i32
    return %add3A_0, %c0_i32 : i32, i32
  }
  func.func @transform_2(%arg0: i32) -> (i32, i32) {
    %c0_i32 = arith.constant 0 : i32
    %c0_i32_0 = arith.constant 0 : i32
    return %arg0, %c0_i32 : i32, i32
  }
  func.func @transform_3(%arg0: i32) -> (i32, i32) {
    %c0_i32 = arith.constant 0 : i32
    %c0_i32_0 = arith.constant 0 : i32
    return %arg0, %c0_i32 : i32, i32
  }
  func.func @transform_4(%arg0: i32) -> (i32, i32) {
    %c0_i32 = arith.constant 0 : i32
    %c0_i32_0 = arith.constant 0 : i32
    %c0_i32_1 = arith.constant 0 : i32
    return %c0_i32, %c0_i32_0 : i32, i32
  }
  func.func @transform_5(%arg0: i32) -> (i32, i32) {
    %c0_i32 = arith.constant 0 : i32
    %c0_i32_0 = arith.constant 0 : i32
    %c0_i32_1 = arith.constant 0 : i32
    return %c0_i32, %c0_i32_0 : i32, i32
  }
  func.func @transform_6(%arg0: i32) -> (i32, i32) {
    %c0_i32 = arith.constant 0 : i32
    %c0_i32_0 = arith.constant 0 : i32
    return %arg0, %c0_i32 : i32, i32
  }
}

module attributes {stable_mosaic.version = 14 : i64} {
  func.func @_tc3_body(%arg0: i32, %arg1: memref<640x128xf32, #tpu.memory_space<vmem>>, %arg2: memref<640x128xf32, #tpu.memory_space<vmem>>, %arg3: memref<640x128xf32, #tpu.memory_space<vmem>>, %arg4: memref<640x1xf32, #tpu.memory_space<vmem>>, %arg5: memref<1x128xf32, #tpu.memory_space<vmem>>, %arg6: memref<640x128xf32, #tpu.memory_space<vmem>>) attributes {dimension_semantics = [#tpu.dimension_semantics<arbitrary>], iteration_bounds = array<i64: 16>, scalar_prefetch = 0 : i64, scratch_operands = 0 : i64, tpu.core_type = #tpu.core_type<tc>, window_params = [{transform_indices = @transform_0, window_bounds = array<i64: 640, 128>}, {transform_indices = @transform_1, window_bounds = array<i64: 640, 128>}, {transform_indices = @transform_2, window_bounds = array<i64: 640, 128>}, {transform_indices = @transform_3, window_bounds = array<i64: 640, 1>}, {pipeline_mode = #tpu.pipeline_mode<synchronous>, transform_indices = @transform_4, window_bounds = array<i64: 1, 128>}, {transform_indices = @transform_5, window_bounds = array<i64: 640, 128>}]} {
    %get3A = arith.constant 0 : index
    %get3A_0 = arith.constant 0 : index
    %get3A_1 = vector.load %arg1[%get3A, %get3A_0] : memref<640x128xf32, #tpu.memory_space<vmem>>, vector<640x128xf32>
    %get3A_2 = arith.constant 0 : index
    %get3A_3 = arith.constant 0 : index
    %get3A_4 = vector.load %arg2[%get3A_2, %get3A_3] : memref<640x128xf32, #tpu.memory_space<vmem>>, vector<640x128xf32>
    %add3A = arith.addf %get3A_1, %get3A_4 : vector<640x128xf32>
    %get3A_5 = arith.constant 0 : index
    %get3A_6 = arith.constant 0 : index
    %get3A_7 = vector.load %arg3[%get3A_5, %get3A_6] : memref<640x128xf32, #tpu.memory_space<vmem>>, vector<640x128xf32>
    %add3A_8 = arith.addf %add3A, %get3A_7 : vector<640x128xf32>
    %get3A_9 = arith.constant 0 : index
    %get3A_10 = arith.constant 0 : index
    %get3A_11 = vector.load %arg4[%get3A_9, %get3A_10] : memref<640x1xf32, #tpu.memory_space<vmem>>, vector<640x1xf32>
    %mul3A = vector.broadcast %get3A_11 : vector<640x1xf32> to vector<640x128xf32>
    %mul3A_12 = arith.mulf %add3A_8, %mul3A : vector<640x128xf32>
    %get3A_13 = arith.constant 0 : index
    %get3A_14 = arith.constant 0 : index
    %get3A_15 = vector.load %arg5[%get3A_13, %get3A_14] : memref<1x128xf32, #tpu.memory_space<vmem>>, vector<1x128xf32>
    %add3A_16 = vector.broadcast %get3A_15 : vector<1x128xf32> to vector<640x128xf32>
    %add3A_17 = arith.addf %mul3A_12, %add3A_16 : vector<640x128xf32>
    %swap3A = arith.constant 0 : index
    %swap3A_18 = arith.constant 0 : index
    %swap3A_19 = vector.load %arg6[%swap3A, %swap3A_18] : memref<640x128xf32, #tpu.memory_space<vmem>>, vector<640x128xf32>
    tpu.vector_store %arg6[%swap3A, %swap3A_18], %add3A_17 {strides = array<i32>} : memref<640x128xf32, #tpu.memory_space<vmem>>, vector<640x128xf32>,
    return
  }
  func.func @transform_0(%arg0: i32) -> (i32, i32) {
    %c0_i32 = arith.constant 0 : i32
    %c0_i32_0 = arith.constant 0 : i32
    return %arg0, %c0_i32 : i32, i32
  }
  func.func @transform_1(%arg0: i32) -> (i32, i32) {
    %add3A = arith.constant 16 : i32
    %add3A_0 = arith.addi %add3A, %arg0 : i32
    %c0_i32 = arith.constant 0 : i32
    %c0_i32_1 = arith.constant 0 : i32
    return %add3A_0, %c0_i32 : i32, i32
  }
  func.func @transform_2(%arg0: i32) -> (i32, i32) {
    %c0_i32 = arith.constant 0 : i32
    %c0_i32_0 = arith.constant 0 : i32
    return %arg0, %c0_i32 : i32, i32
  }
  func.func @transform_3(%arg0: i32) -> (i32, i32) {
    %c0_i32 = arith.constant 0 : i32
    %c0_i32_0 = arith.constant 0 : i32
    return %arg0, %c0_i32 : i32, i32
  }
  func.func @transform_4(%arg0: i32) -> (i32, i32) {
    %c0_i32 = arith.constant 0 : i32
    %c0_i32_0 = arith.constant 0 : i32
    %c0_i32_1 = arith.constant 0 : i32
    return %c0_i32, %c0_i32_0 : i32, i32
  }
  func.func @transform_5(%arg0: i32) -> (i32, i32) {
    %c0_i32 = arith.constant 0 : i32
    %c0_i32_0 = arith.constant 0 : i32
    return %arg0, %c0_i32 : i32, i32
  }
}

</mosaic_0001>

<sc_bundles>
// kernel: kernel.11.cloned.1.call-start
scs
__scs_entry_jumppad:
0x0: {  	(pc) =	sbr.rel $0x88, $3  }
0x1: {  	(tag) =	ssettag $0x0;
	lr =	simm.s32 $0x1  }
0x2: {  	[smem:$0x3F9B] =	sst lr;
	_ =	strace $0xD0000000  }
0x3: {  	_ = 	snop  }
0x4: {  	_ = 	snop  }
0x5: {  	_ = 	snop  }
0x6: {  	_ = 	snop  }
0x7: {  	_ = 	snop  }
__scs_overlays_trampoline_lowered:
0x8: {  	[smem:$0x3FAA] =	sst s0  }
0x9: {  	[smem:$0x3FAB] =	sst s1  }
0xa: {  	[smem:$0x3FAC] =	sst s2  }
0xb: {  	[smem:$0x3FAD] =	sst s3  }
0xc: {  	[smem:$0x3FAE] =	sst s4  }
0xd: {  	[smem:$0x3FAF] =	sst s5  }
0xe: {  	[smem:$0x3FB0] =	sst s6  }
0xf: {  	[smem:$0x3FB1] =	sst s7  }
0x10: {  	[smem:$0x3FB2] =	sst s8  }
0x11: {  	[smem:$0x3FB3] =	sst s9;
	s0 =	simm.s32 @!p0 $0x0  }
0x12: {  	s1 =	sld [smem:$0x3F99];
	s0 =	simm.s32 @p0 $0x1  }
0x13: {  	[smem:$0x3FB4] =	sst s0;
	s0 =	simm.s32 @!p1 $0x0  }
0x14: {  	s2 =	sld [smem:$0x3F98];
	s0 =	simm.s32 @p1 $0x1  }
0x15: {  	[smem:$0x3FB5] =	sst s0;
	s0 =	simm.s32 @!p2 $0x0  }
0x16: {  	s3 =	sld [smem:$0x3FDB];
	s0 =	simm.s32 @p2 $0x1  }
0x17: {  	s4 =	simm.s32 $0x1BF5;
	[smem:$0x3FB7] =	sst s0  }
0x18: {  	s0 =	sld [smem:$0x3F9A];
	_ =	swait.ge [sflag:s4], $0x0  }
0x19: {  	s7 =	sld [smem:$0x3F9B]  }
0x1a: {  	s8 =	sadd.s32 $0xFFFFE003, lr  }
0x1b: {  	s9 =	sadd.s32 $0xFFFFFEF7, lr;
	s5 =	simm.s32 $0xFFFFFFFF;
	p2 =	slt.u32 s8, $0xFFFFF086  }
0x1c: {  	p1 =	slt.u32 s9, $0xF7A;
	s5 =	simm.s32 @!p2 $0x0  }
0x1d: {  	s5 =	simm.s32 @p1 $0x1;
	p0 =	seq.s32 s7, s2  }
0x1e: {  	s7 =	smul.u32 @!p0 $0xF7A, s2;
	p2 =	seq.s32 @!p0 s5, $0x0  }
0x1f: {  	s9 =	smul.u32 $0xF7A, s1;
	s8 =	simm.s32 @!p0 $0x1BF5;
	p2 =	por !p2, p0  }
0x20: {  	[sflag:s8] =	ssyncset.s32 @!p0 $0xFFFFF086;
	s6 =	sadd.s32 @!p0 s3, s7;
	s7 =	simm.s32 @!p0 $0x108  }
0x21: {  	s3 =	sadd.s32 s3, s9;
	s6 =	sadd.s32 @!p0 $0x88, s6;
	s7 =	simm.s32 @p2 $0x1082  }
0x22: {  	[simem:s7], [sflag:s8] =	dma.local @!p0 [hbm:s6], $0xF7A  }
0x23: {  	s9 =	sor.u32 $0xD0000000, s2;
	s6 =	simm.s32 $0x108;
	_ =	swait.ge @!p0 [sflag:s8], $0x0  }
0x24: {  	s3 =	sadd.s32 $0x88, s3;
	s6 =	simm.s32 @!p1 $0x1082;
	[sflag:s4] =	ssyncset.s32 $0xFFFFF086  }
0x25: {  	[simem:s6], [sflag:s4] =	dma.local [hbm:s3], $0xF7A  }
0x26: {  	[smem:$0x3F9B] =	sst s1;
	(tag) =	ssettag s2;
	_ =	strace s9  }
0x27: {  	s1 =	sld [smem:$0x3FAB]  }
0x28: {  	s2 =	sld [smem:$0x3FAC]  }
0x29: {  	s4 =	sld [smem:$0x3FAE]  }
0x2a: {  	p0 =	seq.s32 s5, $0x0;
	s5 =	sld [smem:$0x3FAF]  }
0x2b: {  	s6 =	sld [smem:$0x3FB0]  }
0x2c: {  	s7 =	sld [smem:$0x3FB1]  }
0x2d: {  	s3 =	simm.s32 $0x108;
	s8 =	sld [smem:$0x3FB2]  }
0x2e: {  	s3 =	simm.s32 @!p0 $0x1082;
	s9 =	sld [smem:$0x3FB3]  }
0x2f: {  	lr =	sadd.s32 s0, s3;
	s0 =	sld [smem:$0x3FAA]  }
0x30: {  	s3 =	sld [smem:$0x3FAD]  }
0x31: {  	[smem:$0x3FB6] =	sst s10  }
0x32: {  	s10 =	sld [smem:$0x3FB4];
	_ =	sdelay $0x3  }
0x33: {  	p0 =	seq.s32 s10, $0x1;
	s10 =	sld [smem:$0x3FB6];
	_ =	sdelay $0x3  }
0x34: {  	[smem:$0x3FB6] =	sst s10  }
0x35: {  	s10 =	sld [smem:$0x3FB5];
	_ =	sdelay $0x3  }
0x36: {  	p1 =	seq.s32 s10, $0x1;
	s10 =	sld [smem:$0x3FB6];
	_ =	sdelay $0x3  }
0x37: {  	[smem:$0x3FB6] =	sst s10  }
0x38: {  	s10 =	sld [smem:$0x3FB7]  }
0x39: {  	_ = 	snop;
	(pc) =	sbr.ind lr, $3  }
0x3a: {  	_ = 	snop  }
0x3b: {  	_ = 	snop  }
0x3c: {  	p2 =	seq.s32 s10, $0x1;
	s10 =	sld [smem:$0x3FB6]  }
0x3d: {  	_ =	shalt  }
0x3e: {  	_ =	shalt  }
0x3f: {  	_ =	shalt  }
0x40: {  	_ =	shalt  }
0x41: {  	_ =	shalt  }
0x42: {  	_ =	shalt  }
0x43: {  	_ =	shalt  }
0x44: {  	_ =	shalt  }
0x45: {  	_ =	shalt  }
0x46: {  	_ =	shalt  }
0x47: {  	_ =	shalt  }
0x48: {  	_ =	shalt  }
0x49: {  	_ =	shalt  }
0x4a: {  	_ =	shalt  }
0x4b: {  	_ =	shalt  }
0x4c: {  	_ =	shalt  }
0x4d: {  	_ =	shalt  }
0x4e: {  	_ =	shalt  }
0x4f: {  	_ =	shalt  }
0x50: {  	_ =	shalt  }
0x51: {  	_ =	shalt  }
0x52: {  	_ =	shalt  }
0x53: {  	_ =	shalt  }
0x54: {  	_ =	shalt  }
0x55: {  	_ =	shalt  }
0x56: {  	_ =	shalt  }
0x57: {  	_ =	shalt  }
0x58: {  	_ =	shalt  }
0x59: {  	_ =	shalt  }
0x5a: {  	_ =	shalt  }
0x5b: {  	_ =	shalt  }
0x5c: {  	_ =	shalt  }
0x5d: {  	_ =	shalt  }
0x5e: {  	_ =	shalt  }
0x5f: {  	_ =	shalt  }
0x60: {  	_ =	shalt  }
0x61: {  	_ =	shalt  }
0x62: {  	_ =	shalt  }
0x63: {  	_ =	shalt  }
0x64: {  	_ =	shalt  }
0x65: {  	_ =	shalt  }
0x66: {  	_ =	shalt  }
0x67: {  	_ =	shalt  }
0x68: {  	_ =	shalt  }
0x69: {  	_ =	shalt  }
0x6a: {  	_ =	shalt  }
0x6b: {  	_ =	shalt  }
0x6c: {  	_ =	shalt  }
0x6d: {  	_ =	shalt  }
0x6e: {  	_ =	shalt  }
0x6f: {  	_ =	shalt  }
0x70: {  	_ =	shalt  }
0x71: {  	_ =	shalt  }
0x72: {  	_ =	shalt  }
0x73: {  	_ =	shalt  }
0x74: {  	_ =	shalt  }
0x75: {  	_ =	shalt  }
0x76: {  	_ =	shalt  }
0x77: {  	_ =	shalt  }
0x78: {  	_ =	shalt  }
0x79: {  	_ =	shalt  }
0x7a: {  	_ =	shalt  }
0x7b: {  	_ =	shalt  }
0x7c: {  	_ =	shalt  }
0x7d: {  	_ =	shalt  }
0x7e: {  	_ =	shalt  }
0x7f: {  	_ =	shalt  }
0x80: {  	_ =	shalt  }
0x81: {  	_ =	shalt  }
0x82: {  	_ =	shalt  }
0x83: {  	_ =	shalt  }
0x84: {  	_ =	shalt  }
0x85: {  	_ =	shalt  }
0x86: {  	_ =	shalt  }
0x87: {  	_ =	shalt  }
.Lfunc_end0:
.L_simem_size_0:
called_computation.1_lowered:
.L_overlay_start_0:
0x88: {  	s2 =	sld [smem:$0x3FD9]  }
0x89: {  	s3 =	sld [smem:$0x3FFE];
	_ =	sdelay $0x1  }
0x8a: {  	s1 =	srdreg.scid  }
0x8b: {  	s0 =	sand.u32 $0x1, s1  }
0x8c: {  	s17 =	sshll.u32 s0, $0xA;
	s2 =	sadd.s32 s3, s2  }
0x8d: {  	s2 =	sadd.s32 s2, s17  }
0x8e: {  	[smem:$0x3FC2] =	sst s2  }
0x8f: {  	_ = 	snop  }
0x90: {  	s2 =	sld [smem:$0x3FD0];
	(tm) =	ssettm $0x1  }
0x91: {  	s18 =	sld [smem:$0x3FFB];
	_ =	sdelay $0x3  }
0x92: {  	_ =	strace s18  }
0x93: {  	s3 =	sld [smem:$0x3FFC];
	_ =	sdelay $0x3  }
0x94: {  	_ =	strace s3  }
0x95: {  	s3 =	sld [smem:$0x3FFD];
	_ =	sdelay $0x3  }
0x96: {  	_ =	strace s3  }
0x97: {  	_ =	strace $0x8FFFFFFF  }
0x98: {  	s19 =	sld [smem:$0x3FDB];
	_ =	sdelay $0x1  }
0x99: {  	s4 =	simm.s32 $_scs_section_size  }
0x9a: {  	s5 =	simm.s32 $_size__tile_overlayer_lowered;
	s6 =	simm.s32 $_tile_overlayer_lowered  }
0x9b: {  	s22 =	simm.s32 $0x1BFF;
	s21 =	sshll.u32 s6, $0x1;
	s3 =	sadd.s32 s4, s19  }
0x9c: {  	s7 =	simm.s32 $0x0;
	s20 =	sshll.u32 s5, $0x1;
	s5 =	sadd.s32 s21, s3  }
0x9d: {  	[timem:s7], [sflag:s22] =	dma.local [hbm:s5], s20  }
0x9e: {  	_ =	swait.ge [sflag:s22], s20  }
0x9f: {  	s4 =	ssub.s32 $0x0, s20;
	[sflag:s22] =	ssyncset.done $0x0  }
0xa0: {  	[sflag:s22] =	ssyncadd.s32 s4;
	_ =	sdelay $0x1  }
0xa1: {  	s23 =	simm.s32 $0x1B8B  }
0xa2: {  	_ =	swait.ge [sflag:s23], $0x1  }
0xa3: {  	[sflag:s23] =	ssyncset.done $0x0  }
0xa4: {  	s25 =	simm.s32 $0x1B8E;
	s24 =	sld [smem:$0x3FFE];
	[sflag:s23] =	ssyncadd.s32 $0xFFFFFFFF  }
0xa5: {  	s26 =	simm.s32 $execute0_lowered;
	[smem:$0x3FD2] =	sst s25  }
0xa6: {  	s5 =	sshll.u32 s26, $0x1;
	_ =	strace $0x80000049;
	[dreg:$0x1] =	wrdreg $0xFFFFFFFF  }
0xa7: {  	s28 =	simm.s32 $_size_execute0_lowered;
	s3 =	sadd.s32 s3, s5;
	[dreg:$0x0] =	wrdreg $0x0  }
0xa8: {  	s5 =	sshll.u32 s28, $0x1;
	[dreg:$0x2] =	wrdreg s3  }
0xa9: {  	[dreg:$0x3] =	wrdreg s5  }
0xaa: {  	[dreg:$0x4] =	wrdreg $0xC0  }
0xab: {  	_ =	task [dreg:s7], $0x5FFFF  }
0xac: {  	[dreg:$0x1] =	wrdreg $0xFFFFFFFF  }
0xad: {  	[dreg:$0x0] =	wrdreg $0x60  }
0xae: {  	[dreg:$0x2] =	wrdreg s24  }
0xaf: {  	[dreg:$0x3] =	wrdreg s2  }
0xb0: {  	[dreg:$0x4] =	wrdreg $0x7B000  }
0xb1: {  	[dreg:$0x5] =	wrdreg $0x9  }
0xb2: {  	_ =	task.clear_ibuf [dreg:s7], $0x6FFFF;
	_ =	strace $0x90000049  }
0xb3: {  	s29 =	simm.s32 $0x9;
	_ =	strace $0x8000004B  }
0xb4: {  	_ =	swait.ge [sflag:s29], $0x1  }
0xb5: {  	[sflag:s29] =	ssyncadd.s32 $0xFFFFFFFF  }
0xb6: {  	_ =	strace $0x9000004B  }
0xb7: {  	_ =	sfence  }
0xb8: {  	s30 =	sld [smem:$0x0];
	_ =	sdelay $0x2  }
0xb9: {  	s31 =	sshll.u32 s1, $0xD;
	s1 =	sshrl.u32 s1, $0x2  }
0xba: {  	s3 =	sand.u32 $0x4000, s31;
	s1 =	sadd.s32 s1, s30  }
0xbb: {  	s0 =	sor.u32 s3, s0;
	s1 =	sshll.u32 s1, $0x11  }
0xbc: {  	s0 =	sor.u32 s1, s0  }
0xbd: {  	s0 =	sadd.s32 $0x8F2B, s0  }
0xbe: {  	[sflag:s0] =	ssyncadd.remote.s32 $0x1  }
0xbf: {  	_ =	sfence.sel $0xFFFF  }
0xc0: {  	[dreg:$0x0] =	wrdreg $0xFFFFFFFF;
	(pc) =	sbr.abs _section_cstart, $3  }
0xc1: {  	[dreg:$0x1] =	wrdreg $0xFFFFFFFF  }
0xc2: {  	_ =	task.clear_ibuf [dreg:s7], $0x2FFFF;
	_ =	strace $0x9FFFFFFF  }
0xc3: {  	(tm) =	ssettm $0x7FFFFFFF  }
tec
execute0_lowered:
.L_overlay_start_1:
0x0: {  	(tag) =	ssettag $0x1  }
0x1: {  	s0 =	rddreg [dreg:$0x0]  }
0x2: {  	s1 =	rddreg [dreg:$0x1]  }
0x3: {  	s2 =	rddreg [dreg:$0x2];
	s3 =	simm.s32 $0x0  }
0x4: {  	s4 =	srdreg.scid;
	s11 =	stileid.u32;
	s28 =	simm.s32 $0x2  }
0x5: {  	s29 =	simm.s32 $0x180;
	s30 =	simm.s32 $0x3;
	s31 =	simm.s32 $0x280  }
0x6: {  	[smem:$0x7FF] =	sst s3;
	s5 =	sand.u32 $0x1, s4;
	s6 =	smul.u32 $0x2800, s11  }
0x7: {  	s4 =	sadd.s32 $0x1A00, s0;
	s8 =	sadd.s32 $0x29A00, s0;
	s19 =	smul.u32 $0x50000, s11  }
0x8: {  	s21 =	sshll.u32 s11, $0x6;
	_ =	strace $0x8000004A;
	s7 =	smul.u32 $0x28000, s5  }
0x9: {  	s18 =	sshll.u32 s5, $0x4;
	s20 =	ssub.s32 $0x2, s5;
	s5 =	smul.u32 $0x7D0, s5  }
0xa: {  	[dreg:$0x4] =	wrdreg s8;
	s8 =	sor.u32 s11, s18;
	s11 =	smul.u32 $0x7D, s11  }
0xb: {  	s10 =	sshrl.u32 s20, $0x1;
	s18 =	simm.s32 $0xA;
	s9 =	smul.u32 $0xFA0, s8  }
0xc: {  	s6 =	sadd.s32 s6, s7;
	s7 =	sshrl.u32 s19, $0x2;
	s8 =	smul.u32 $0x7D00, s8  }
0xd: {  	s10 =	ssub.s32 s20, s10;
	s19 =	simm.s32 $0x50;
	s20 =	simm.s32 $0x300  }
0xe: {  	s0 =	sadd.s32 s6, s0;
	s7 =	sadd.s32 s7, s2;
	s6 =	sor.u32 $0x1C0A, s21  }
0xf: {  	s5 =	sadd.s32 s11, s5;
	s25 =	smax.u32 s10, $0x1;
	s21 =	simm.s32 $0x100  }
0x10: {  	s10 =	simm.s32 $0x0;
	s8 =	sshrl.u32 s8, $0x3;
	s9 =	sadd.s32 s1, s9  }
0x11: {  	s5 =	sshll.u32 s5, $0x5;
	s0 =	sadd.s32 $0x2C200, s0;
	[dreg:$0xb] =	wrdreg s25  }
0x12: {  	s17 =	sshrl.u32 s7, $0x3;
	s25 =	simm.s32 $0x1;
	[dreg:$0x5] =	wrdreg s9  }
0x13: {  	s7 =	simm.s32 $0x7;
	s8 =	sadd.s32 s1, s8;
	[dreg:$0xa] =	wrdreg s0  }
0x14: {  	s26 =	sadd.s32 s5, s1;
	s0 =	simm.s32 $0x4;
	s1 =	simm.s32 $0x5  }
0x15: {  	s5 =	simm.s32 $0x6;
	s9 =	simm.s32 $0x9;
	s22 =	sadd.s32 $0x20, s8  }
0x16: {  	s23 =	sadd.s32 $0x40, s8;
	s24 =	sadd.s32 $0xF60, s8;
	[dreg:$0x6] =	wrdreg s22  }
0x17: {  	s8 =	sadd.s32 $0xF80, s8;
	s14 =	sadd.s32 $0xA0, s26;
	[dreg:$0x7] =	wrdreg s23  }
0x18: {  	s15 =	sadd.s32 $0x80, s26;
	s16 =	sadd.s32 $0x60, s26;
	[dreg:$0x8] =	wrdreg s24  }
0x19: {  	s26 =	simm.s32 $0x80;
	[dreg:$0x9] =	wrdreg s8;
	s22 =	simm.s32 $0x2B00  }
0x1a: {  	s23 =	simm.s32 $0x200;
	s24 =	simm.s32 $0x5300;
	s8 =	simm.s32 $0x8  }
.LBB2_1:
0x1b: {  	s11 =	rddreg [dreg:$0x4]  }
0x1c: {  	[spmem:s17], [sflag:s6] =	dma.local [hbm:s11], $0x2800  }
0x1d: {  	_ =	swait.ge [sflag:s18], $0x2800  }
0x1e: {  	[sflag:s18] =	ssyncset.done $0x0  }
0x1f: {  	[sflag:s18] =	ssyncadd.s32 $0xFFFFD800  }
0x20: {  	[bflag:$0x0] =	sbarrier.arrive $0xFFFF  }
0x21: {  	s12 =	rddreg [dreg:$0x5]  }
0x22: {  	[tilespmem:s3], [sflag:$0xA] =	stream.linear.gather [hbm4b:s12+s3], $0x100, $0x38;
	[tilespmem:$0x1BB00] =	vst v63  }
0x23: {  	_ =	swait.ge [sflag:s18], $0x100  }
0x24: {  	[sflag:s18] =	ssyncset.done $0x0  }
0x25: {  	[sflag:s18] =	ssyncadd.s32 $0xFFFFFF00  }
0x26: {  	[tilespmem:s20], [sflag:$0x1] =	stream.indirect.gather [hbm4b:s4+s19], $0x80, s3, s19, $0xb8;
	[tilespmem:$0x1BB00] =	vst v63  }
0x27: {  	s13 =	rddreg [dreg:$0x6]  }
0x28: {  	[tilespmem:s21], [sflag:$0xA] =	stream.linear.gather [hbm4b:s13+s3], $0x100, $0x38;
	[tilespmem:$0x1BB00] =	vst v63  }
0x29: {  	_ =	swait.ge [sflag:s18], $0x100  }
0x2a: {  	[sflag:s18] =	ssyncset.done $0x0  }
0x2b: {  	[sflag:s18] =	ssyncadd.s32 $0xFFFFFF00  }
0x2c: {  	[tilespmem:s22], [sflag:$0x2] =	stream.indirect.gather [hbm4b:s4+s19], $0x80, s21, s19, $0xb8;
	[tilespmem:$0x1BB00] =	vst v63  }
0x2d: {  	s12 =	rddreg [dreg:$0x7]  }
0x2e: {  	[tilespmem:s23], [sflag:$0xA] =	stream.linear.gather [hbm4b:s12+s3], $0x100, $0x38;
	[tilespmem:$0x1BB00] =	vst v63  }
0x2f: {  	_ =	swait.ge [sflag:s18], $0x100  }
0x30: {  	[sflag:s18] =	ssyncset.done $0x0  }
0x31: {  	[sflag:s18] =	ssyncadd.s32 $0xFFFFFF00  }
0x32: {  	[tilespmem:s24], [sflag:$0x3] =	stream.indirect.gather [hbm4b:s4+s19], $0x80, s23, s19, $0xb8;
	[tilespmem:$0x1BB00] =	vst v63  }
0x33: {  	_ =	swait.ge [sflag:s25], $0x2800  }
0x34: {  	[sflag:s25] =	ssyncset.done $0x0  }
0x35: {  	[sflag:s25] =	ssyncadd.s32 $0xFFFFD800  }
0x36: {  	[spmem:s2] =	stream.indirect.scatter.add.f32 [tilespmem:s20], [sflag:$0x4], $0x80, s26, s19, $0xb8;
	[tilespmem:$0x1BB00] =	vst v63  }
0x37: {  	_ =	swait.ge [sflag:s28], $0x2800  }
0x38: {  	[sflag:s28] =	ssyncset.done $0x0  }
0x39: {  	[sflag:s28] =	ssyncadd.s32 $0xFFFFD800  }
0x3a: {  	[spmem:s2] =	stream.indirect.scatter.add.f32 [tilespmem:s22], [sflag:$0x5], $0x80, s29, s19, $0xb8;
	[tilespmem:$0x1BB00] =	vst v63  }
0x3b: {  	_ =	swait.ge [sflag:s30], $0x2800  }
0x3c: {  	[sflag:s30] =	ssyncset.done $0x0  }
0x3d: {  	[sflag:s30] =	ssyncadd.s32 $0xFFFFD800  }
0x3e: {  	[spmem:s2] =	stream.indirect.scatter.add.f32 [tilespmem:s24], [sflag:$0x6], $0x80, s31, s19, $0xb8;
	[tilespmem:$0x1BB00] =	vst v63  }
0x3f: {  	_ =	swait.ge [sflag:s0], $0x2800  }
0x40: {  	[sflag:s0] =	ssyncset.done $0x0  }
0x41: {  	s13 =	sadd.s32 $0x0, s16;
	[sflag:s0] =	ssyncadd.s32 $0xFFFFD800  }
0x42: {  	[tilespmem:s3], [sflag:$0x7] =	stream.linear.gather [hbm4b:s13+s3], $0x100, $0x38;
	[tilespmem:$0x1BB00] =	vst v63  }
0x43: {  	_ =	swait.ge [sflag:s1], $0x2800  }
0x44: {  	[sflag:s1] =	ssyncset.done $0x0  }
0x45: {  	s12 =	sadd.s32 $0x0, s15;
	[sflag:s1] =	ssyncadd.s32 $0xFFFFD800  }
0x46: {  	[tilespmem:s21], [sflag:$0x8] =	stream.linear.gather [hbm4b:s12+s3], $0x100, $0x38;
	[tilespmem:$0x1BB00] =	vst v63  }
0x47: {  	_ =	swait.ge [sflag:s5], $0x2800  }
0x48: {  	[sflag:s5] =	ssyncset.done $0x0  }
0x49: {  	s13 =	sadd.s32 $0x0, s14;
	[sflag:s5] =	ssyncadd.s32 $0xFFFFD800  }
0x4a: {  	[tilespmem:s23], [sflag:$0x9] =	stream.linear.gather [hbm4b:s13+s3], $0x100, $0x38;
	[tilespmem:$0x1BB00] =	vst v63  }
0x4b: {  	_ =	swait.ge [sflag:s7], $0x100  }
0x4c: {  	[sflag:s7] =	ssyncset.done $0x0  }
0x4d: {  	[sflag:s7] =	ssyncadd.s32 $0xFFFFFF00  }
0x4e: {  	[tilespmem:s20], [sflag:$0x1] =	stream.indirect.gather [hbm4b:s4+s19], $0x80, s3, s19, $0xb8;
	[tilespmem:$0x1BB00] =	vst v63  }
0x4f: {  	_ =	swait.ge [sflag:s8], $0x100  }
0x50: {  	[sflag:s8] =	ssyncset.done $0x0  }
0x51: {  	[sflag:s8] =	ssyncadd.s32 $0xFFFFFF00  }
0x52: {  	[tilespmem:s22], [sflag:$0x2] =	stream.indirect.gather [hbm4b:s4+s19], $0x80, s21, s19, $0xb8;
	[tilespmem:$0x1BB00] =	vst v63  }
0x53: {  	_ =	swait.ge [sflag:s9], $0x100  }
0x54: {  	[sflag:s9] =	ssyncset.done $0x0  }
0x55: {  	s11 =	simm.s32 $0x60;
	[sflag:s9] =	ssyncadd.s32 $0xFFFFFF00  }
.LBB2_2:
0x56: {  	[tilespmem:s24], [sflag:$0x3] =	stream.indirect.gather [hbm4b:s4+s19], $0x80, s23, s19, $0xb8;
	[tilespmem:$0x1BB00] =	vst v63  }
0x57: {  	s12 =	smov.u32 s11  }
0x58: {  	p0 =	sne.s32 s11, $0xEA0;
	s11 =	sadd.s32 $0x60, s11;
	_ =	swait.ge [sflag:s25], $0x2800  }
0x59: {  	[sflag:s25] =	ssyncset.done $0x0  }
0x5a: {  	[sflag:s25] =	ssyncadd.s32 $0xFFFFD800  }
0x5b: {  	[spmem:s2] =	stream.indirect.scatter.add.f32 [tilespmem:s20], [sflag:$0x4], $0x80, s26, s19, $0xb8;
	[tilespmem:$0x1BB00] =	vst v63  }
0x5c: {  	_ =	swait.ge [sflag:s28], $0x2800  }
0x5d: {  	[sflag:s28] =	ssyncset.done $0x0  }
0x5e: {  	[sflag:s28] =	ssyncadd.s32 $0xFFFFD800  }
0x5f: {  	[spmem:s2] =	stream.indirect.scatter.add.f32 [tilespmem:s22], [sflag:$0x5], $0x80, s29, s19, $0xb8;
	[tilespmem:$0x1BB00] =	vst v63  }
0x60: {  	_ =	swait.ge [sflag:s30], $0x2800  }
0x61: {  	[sflag:s30] =	ssyncset.done $0x0  }
0x62: {  	[sflag:s30] =	ssyncadd.s32 $0xFFFFD800  }
0x63: {  	[spmem:s2] =	stream.indirect.scatter.add.f32 [tilespmem:s24], [sflag:$0x6], $0x80, s31, s19, $0xb8;
	[tilespmem:$0x1BB00] =	vst v63  }
0x64: {  	_ =	swait.ge [sflag:s0], $0x2800  }
0x65: {  	[sflag:s0] =	ssyncset.done $0x0  }
0x66: {  	s13 =	sadd.s32 s12, s16;
	[sflag:s0] =	ssyncadd.s32 $0xFFFFD800  }
0x67: {  	[tilespmem:s3], [sflag:$0x7] =	stream.linear.gather [hbm4b:s13+s3], $0x100, $0x38;
	[tilespmem:$0x1BB00] =	vst v63  }
0x68: {  	_ =	swait.ge [sflag:s1], $0x2800  }
0x69: {  	[sflag:s1] =	ssyncset.done $0x0  }
0x6a: {  	s13 =	sadd.s32 s12, s15;
	[sflag:s1] =	ssyncadd.s32 $0xFFFFD800  }
0x6b: {  	[tilespmem:s21], [sflag:$0x8] =	stream.linear.gather [hbm4b:s13+s3], $0x100, $0x38;
	[tilespmem:$0x1BB00] =	vst v63  }
0x6c: {  	_ =	swait.ge [sflag:s5], $0x2800  }
0x6d: {  	[sflag:s5] =	ssyncset.done $0x0  }
0x6e: {  	s12 =	sadd.s32 s12, s14;
	[sflag:s5] =	ssyncadd.s32 $0xFFFFD800  }
0x6f: {  	[tilespmem:s23], [sflag:$0x9] =	stream.linear.gather [hbm4b:s12+s3], $0x100, $0x38;
	[tilespmem:$0x1BB00] =	vst v63  }
0x70: {  	_ =	swait.ge [sflag:s7], $0x100  }
0x71: {  	[sflag:s7] =	ssyncset.done $0x0  }
0x72: {  	[sflag:s7] =	ssyncadd.s32 $0xFFFFFF00  }
0x73: {  	[tilespmem:s20], [sflag:$0x1] =	stream.indirect.gather [hbm4b:s4+s19], $0x80, s3, s19, $0xb8;
	[tilespmem:$0x1BB00] =	vst v63  }
0x74: {  	_ =	swait.ge [sflag:s8], $0x100  }
0x75: {  	[sflag:s8] =	ssyncset.done $0x0  }
.Ltmp0:
0x76: {  	[sflag:s8] =	ssyncadd.s32 $0xFFFFFF00;
	(pc) =	sbr.rel @p0 .LBB2_2-.Ltmp0, $4  }
0x77: {  	[tilespmem:s22], [sflag:$0x2] =	stream.indirect.gather [hbm4b:s4+s19], $0x80, s21, s19, $0xb8;
	[tilespmem:$0x1BB00] =	vst v63  }
0x78: {  	_ =	swait.ge [sflag:s9], $0x100  }
0x79: {  	[sflag:s9] =	ssyncset.done $0x0  }
0x7a: {  	[sflag:s9] =	ssyncadd.s32 $0xFFFFFF00  }
0x7b: {  	[tilespmem:s24], [sflag:$0x3] =	stream.indirect.gather [hbm4b:s4+s19], $0x80, s23, s19, $0xb8;
	[tilespmem:$0x1BB00] =	vst v63  }
0x7c: {  	_ =	swait.ge [sflag:s25], $0x2800  }
0x7d: {  	[sflag:s25] =	ssyncset.done $0x0  }
0x7e: {  	[sflag:s25] =	ssyncadd.s32 $0xFFFFD800  }
0x7f: {  	[spmem:s2] =	stream.indirect.scatter.add.f32 [tilespmem:s20], [sflag:$0x4], $0x80, s26, s19, $0xb8;
	[tilespmem:$0x1BB00] =	vst v63  }
0x80: {  	_ =	swait.ge [sflag:s0], $0x2800  }
0x81: {  	[sflag:s0] =	ssyncset.done $0x0  }
0x82: {  	s11 =	rddreg [dreg:$0x8];
	[sflag:s0] =	ssyncadd.s32 $0xFFFFD800  }
0x83: {  	[tilespmem:s3], [sflag:$0xA] =	stream.linear.gather [hbm4b:s11+s3], $0x100, $0x38;
	[tilespmem:$0x1BB00] =	vst v63  }
0x84: {  	_ =	swait.ge [sflag:s18], $0x100  }
0x85: {  	[sflag:s18] =	ssyncset.done $0x0  }
0x86: {  	[sflag:s18] =	ssyncadd.s32 $0xFFFFFF00  }
0x87: {  	[tilespmem:s20], [sflag:$0x1] =	stream.indirect.gather [hbm4b:s4+s19], $0x80, s3, s19, $0xb8;
	[tilespmem:$0x1BB00] =	vst v63  }
0x88: {  	_ =	swait.ge [sflag:s28], $0x2800  }
0x89: {  	[sflag:s28] =	ssyncset.done $0x0  }
0x8a: {  	[sflag:s28] =	ssyncadd.s32 $0xFFFFD800  }
0x8b: {  	[spmem:s2] =	stream.indirect.scatter.add.f32 [tilespmem:s22], [sflag:$0x5], $0x80, s29, s19, $0xb8;
	[tilespmem:$0x1BB00] =	vst v63  }
0x8c: {  	_ =	swait.ge [sflag:s1], $0x2800  }
0x8d: {  	[sflag:s1] =	ssyncset.done $0x0  }
0x8e: {  	s13 =	rddreg [dreg:$0x9];
	[sflag:s1] =	ssyncadd.s32 $0xFFFFD800  }
0x8f: {  	[tilespmem:s21], [sflag:$0xA] =	stream.linear.gather [hbm4b:s13+s3], $0x100, $0x38;
	[tilespmem:$0x1BB00] =	vst v63  }
0x90: {  	_ =	swait.ge [sflag:s18], $0x100  }
0x91: {  	[sflag:s18] =	ssyncset.done $0x0  }
0x92: {  	[sflag:s18] =	ssyncadd.s32 $0xFFFFFF00  }
0x93: {  	[tilespmem:s22], [sflag:$0x2] =	stream.indirect.gather [hbm4b:s4+s19], $0x80, s21, s19, $0xb8;
	[tilespmem:$0x1BB00] =	vst v63  }
0x94: {  	_ =	swait.ge [sflag:s30], $0x2800  }
0x95: {  	[sflag:s30] =	ssyncset.done $0x0  }
0x96: {  	[sflag:s30] =	ssyncadd.s32 $0xFFFFD800  }
0x97: {  	[spmem:s2] =	stream.indirect.scatter.add.f32 [tilespmem:s24], [sflag:$0x6], $0x80, s31, s19, $0xb8;
	[tilespmem:$0x1BB00] =	vst v63  }
0x98: {  	_ =	swait.ge [sflag:s25], $0x2800  }
0x99: {  	[sflag:s25] =	ssyncset.done $0x0  }
0x9a: {  	[sflag:s25] =	ssyncadd.s32 $0xFFFFD800  }
0x9b: {  	[spmem:s2] =	stream.indirect.scatter.add.f32 [tilespmem:s20], [sflag:$0x4], $0x80, s26, s19, $0xb8;
	[tilespmem:$0x1BB00] =	vst v63  }
0x9c: {  	_ =	swait.ge [sflag:s28], $0x2800  }
0x9d: {  	[sflag:s28] =	ssyncset.done $0x0  }
0x9e: {  	[sflag:s28] =	ssyncadd.s32 $0xFFFFD800  }
0x9f: {  	[spmem:s2] =	stream.indirect.scatter.add.f32 [tilespmem:s22], [sflag:$0x5], $0x80, s29, s19, $0xb8;
	[tilespmem:$0x1BB00] =	vst v63  }
0xa0: {  	_ =	swait.ge [sflag:s5], $0x2800  }
0xa1: {  	[sflag:s5] =	ssyncset.done $0x0  }
0xa2: {  	[sflag:s5] =	ssyncadd.s32 $0xFFFFD800  }
0xa3: {  	_ =	swait.ge [sflag:s0], $0x2800  }
0xa4: {  	[sflag:s0] =	ssyncset.done $0x0  }
0xa5: {  	[sflag:s0] =	ssyncadd.s32 $0xFFFFD800  }
0xa6: {  	_ =	swait.ge [sflag:s1], $0x2800  }
0xa7: {  	[sflag:s1] =	ssyncset.done $0x0  }
0xa8: {  	[sflag:s1] =	ssyncadd.s32 $0xFFFFD800  }
0xa9: {  	[bflag:$0x0] =	sbarrier.arrive $0xFFFF  }
0xaa: {  	s12 =	rddreg [dreg:$0xa]  }
0xab: {  	[hbm:s12], [sflag:s6] =	dma.local [spmem:s17], $0x2800  }
0xac: {  	_ =	swait.ge [sflag:s18], $0x2800  }
0xad: {  	s10 =	sadd.s32 $0x1, s10;
	s13 =	rddreg [dreg:$0xb]  }
0xae: {  	p0 =	sne.s32 s10, s13  }
.Ltmp1:
0xaf: {  	_ = 	snop;
	(pc) =	sbr.rel @p0 .LBB2_1-.Ltmp1, $3  }
0xb0: {  	_ =	sdelay $0x1  }
0xb1: {  	[sflag:s18] =	ssyncset.done $0x0  }
0xb2: {  	[sflag:s18] =	ssyncadd.s32 $0xFFFFD800  }
0xb3: {  	_ =	sfence.sel $0x180000  }
0xb4: {  	[bflag:$0x0] =	sbarrier.arrive $0xFFFF  }
0xb5: {  	_ =	strace $0x9000004A  }
0xb6: {  	s0 =	stileid.u32;
	[bflag:$0x2] =	sbarrier.arrive $0xFFFF  }
0xb7: {  	p0 =	sne.s32 s0, $0x0;
	s0 =	rddreg [dreg:$0x3]  }
0xb8: {  	s0 =	sadd.s32 @!p0 $0x100000, s0  }
0xb9: {  	[sflag:s0] =	ssyncadd.tile.s32 @!p0 $0x1;
	_ =	shalt  }
.Lfunc_end2:
_tile_overlayer_lowered:
.L_overlay_start_2:
0xba: {  	(tag) =	ssettag $0x2  }
0xbb: {  	s0 =	rddreg [dreg:$0x0];
	s2 =	stileid.u32  }
0xbc: {  	s1 =	rddreg [dreg:$0x1];
	p0 =	sne.s32 s2, $0x0  }
0xbd: {  	s3 =	rddreg [dreg:$0x2];
	[bflag:$0x3] =	sbarrier.arrive $0xFFFF;
	s2 =	simm.s32 @!p0 $0x1C0A  }
0xbe: {  	[timem:s3], [sflag:s2] =	dma.local @!p0 [hbm:s0], s1  }
0xbf: {  	s0 =	simm.s32 @!p0 $0xA  }
0xc0: {  	_ =	swait.ge @!p0 [sflag:s0], s1  }
0xc1: {  	s1 =	ssub.s32 @!p0 $0x0, s1;
	[sflag:s0] =	ssyncset.done @!p0 $0x0  }
0xc2: {  	[sflag:s0] =	ssyncadd.s32 @!p0 s1  }
0xc3: {  	[bflag:$0x3] =	sbarrier.arrive $0xFFFF  }
0xc4: {  	_ =	shalt  }

// kernel: kernel.14.cloned.1.call-start
scs
__scs_entry_jumppad:
0x0: {  	(pc) =	sbr.rel $0x88, $3  }
0x1: {  	(tag) =	ssettag $0x0;
	lr =	simm.s32 $0x1  }
0x2: {  	[smem:$0x3F9B] =	sst lr;
	_ =	strace $0xD0000000  }
0x3: {  	_ = 	snop  }
0x4: {  	_ = 	snop  }
0x5: {  	_ = 	snop  }
0x6: {  	_ = 	snop  }
0x7: {  	_ = 	snop  }
__scs_overlays_trampoline_lowered:
0x8: {  	[smem:$0x3FAA] =	sst s0  }
0x9: {  	[smem:$0x3FAB] =	sst s1  }
0xa: {  	[smem:$0x3FAC] =	sst s2  }
0xb: {  	[smem:$0x3FAD] =	sst s3  }
0xc: {  	[smem:$0x3FAE] =	sst s4  }
0xd: {  	[smem:$0x3FAF] =	sst s5  }
0xe: {  	[smem:$0x3FB0] =	sst s6  }
0xf: {  	[smem:$0x3FB1] =	sst s7  }
0x10: {  	[smem:$0x3FB2] =	sst s8  }
0x11: {  	[smem:$0x3FB3] =	sst s9;
	s0 =	simm.s32 @!p0 $0x0  }
0x12: {  	s1 =	sld [smem:$0x3F99];
	s0 =	simm.s32 @p0 $0x1  }
0x13: {  	[smem:$0x3FB4] =	sst s0;
	s0 =	simm.s32 @!p1 $0x0  }
0x14: {  	s2 =	sld [smem:$0x3F98];
	s0 =	simm.s32 @p1 $0x1  }
0x15: {  	[smem:$0x3FB5] =	sst s0;
	s0 =	simm.s32 @!p2 $0x0  }
0x16: {  	s3 =	sld [smem:$0x3FDB];
	s0 =	simm.s32 @p2 $0x1  }
0x17: {  	s4 =	simm.s32 $0x1BF5;
	[smem:$0x3FB7] =	sst s0  }
0x18: {  	s0 =	sld [smem:$0x3F9A];
	_ =	swait.ge [sflag:s4], $0x0  }
0x19: {  	s7 =	sld [smem:$0x3F9B]  }
0x1a: {  	s8 =	sadd.s32 $0xFFFFE003, lr  }
0x1b: {  	s9 =	sadd.s32 $0xFFFFFEF7, lr;
	s5 =	simm.s32 $0xFFFFFFFF;
	p2 =	slt.u32 s8, $0xFFFFF086  }
0x1c: {  	p1 =	slt.u32 s9, $0xF7A;
	s5 =	simm.s32 @!p2 $0x0  }
0x1d: {  	s5 =	simm.s32 @p1 $0x1;
	p0 =	seq.s32 s7, s2  }
0x1e: {  	s7 =	smul.u32 @!p0 $0xF7A, s2;
	p2 =	seq.s32 @!p0 s5, $0x0  }
0x1f: {  	s9 =	smul.u32 $0xF7A, s1;
	s8 =	simm.s32 @!p0 $0x1BF5;
	p2 =	por !p2, p0  }
0x20: {  	[sflag:s8] =	ssyncset.s32 @!p0 $0xFFFFF086;
	s6 =	sadd.s32 @!p0 s3, s7;
	s7 =	simm.s32 @!p0 $0x108  }
0x21: {  	s3 =	sadd.s32 s3, s9;
	s6 =	sadd.s32 @!p0 $0x88, s6;
	s7 =	simm.s32 @p2 $0x1082  }
0x22: {  	[simem:s7], [sflag:s8] =	dma.local @!p0 [hbm:s6], $0xF7A  }
0x23: {  	s9 =	sor.u32 $0xD0000000, s2;
	s6 =	simm.s32 $0x108;
	_ =	swait.ge @!p0 [sflag:s8], $0x0  }
0x24: {  	s3 =	sadd.s32 $0x88, s3;
	s6 =	simm.s32 @!p1 $0x1082;
	[sflag:s4] =	ssyncset.s32 $0xFFFFF086  }
0x25: {  	[simem:s6], [sflag:s4] =	dma.local [hbm:s3], $0xF7A  }
0x26: {  	[smem:$0x3F9B] =	sst s1;
	(tag) =	ssettag s2;
	_ =	strace s9  }
0x27: {  	s1 =	sld [smem:$0x3FAB]  }
0x28: {  	s2 =	sld [smem:$0x3FAC]  }
0x29: {  	s4 =	sld [smem:$0x3FAE]  }
0x2a: {  	p0 =	seq.s32 s5, $0x0;
	s5 =	sld [smem:$0x3FAF]  }
0x2b: {  	s6 =	sld [smem:$0x3FB0]  }
0x2c: {  	s7 =	sld [smem:$0x3FB1]  }
0x2d: {  	s3 =	simm.s32 $0x108;
	s8 =	sld [smem:$0x3FB2]  }
0x2e: {  	s3 =	simm.s32 @!p0 $0x1082;
	s9 =	sld [smem:$0x3FB3]  }
0x2f: {  	lr =	sadd.s32 s0, s3;
	s0 =	sld [smem:$0x3FAA]  }
0x30: {  	s3 =	sld [smem:$0x3FAD]  }
0x31: {  	[smem:$0x3FB6] =	sst s10  }
0x32: {  	s10 =	sld [smem:$0x3FB4];
	_ =	sdelay $0x3  }
0x33: {  	p0 =	seq.s32 s10, $0x1;
	s10 =	sld [smem:$0x3FB6];
	_ =	sdelay $0x3  }
0x34: {  	[smem:$0x3FB6] =	sst s10  }
0x35: {  	s10 =	sld [smem:$0x3FB5];
	_ =	sdelay $0x3  }
0x36: {  	p1 =	seq.s32 s10, $0x1;
	s10 =	sld [smem:$0x3FB6];
	_ =	sdelay $0x3  }
0x37: {  	[smem:$0x3FB6] =	sst s10  }
0x38: {  	s10 =	sld [smem:$0x3FB7]  }
0x39: {  	_ = 	snop;
	(pc) =	sbr.ind lr, $3  }
0x3a: {  	_ = 	snop  }
0x3b: {  	_ = 	snop  }
0x3c: {  	p2 =	seq.s32 s10, $0x1;
	s10 =	sld [smem:$0x3FB6]  }
0x3d: {  	_ =	shalt  }
0x3e: {  	_ =	shalt  }
0x3f: {  	_ =	shalt  }
0x40: {  	_ =	shalt  }
0x41: {  	_ =	shalt  }
0x42: {  	_ =	shalt  }
0x43: {  	_ =	shalt  }
0x44: {  	_ =	shalt  }
0x45: {  	_ =	shalt  }
0x46: {  	_ =	shalt  }
0x47: {  	_ =	shalt  }
0x48: {  	_ =	shalt  }
0x49: {  	_ =	shalt  }
0x4a: {  	_ =	shalt  }
0x4b: {  	_ =	shalt  }
0x4c: {  	_ =	shalt  }
0x4d: {  	_ =	shalt  }
0x4e: {  	_ =	shalt  }
0x4f: {  	_ =	shalt  }
0x50: {  	_ =	shalt  }
0x51: {  	_ =	shalt  }
0x52: {  	_ =	shalt  }
0x53: {  	_ =	shalt  }
0x54: {  	_ =	shalt  }
0x55: {  	_ =	shalt  }
0x56: {  	_ =	shalt  }
0x57: {  	_ =	shalt  }
0x58: {  	_ =	shalt  }
0x59: {  	_ =	shalt  }
0x5a: {  	_ =	shalt  }
0x5b: {  	_ =	shalt  }
0x5c: {  	_ =	shalt  }
0x5d: {  	_ =	shalt  }
0x5e: {  	_ =	shalt  }
0x5f: {  	_ =	shalt  }
0x60: {  	_ =	shalt  }
0x61: {  	_ =	shalt  }
0x62: {  	_ =	shalt  }
0x63: {  	_ =	shalt  }
0x64: {  	_ =	shalt  }
0x65: {  	_ =	shalt  }
0x66: {  	_ =	shalt  }
0x67: {  	_ =	shalt  }
0x68: {  	_ =	shalt  }
0x69: {  	_ =	shalt  }
0x6a: {  	_ =	shalt  }
0x6b: {  	_ =	shalt  }
0x6c: {  	_ =	shalt  }
0x6d: {  	_ =	shalt  }
0x6e: {  	_ =	shalt  }
0x6f: {  	_ =	shalt  }
0x70: {  	_ =	shalt  }
0x71: {  	_ =	shalt  }
0x72: {  	_ =	shalt  }
0x73: {  	_ =	shalt  }
0x74: {  	_ =	shalt  }
0x75: {  	_ =	shalt  }
0x76: {  	_ =	shalt  }
0x77: {  	_ =	shalt  }
0x78: {  	_ =	shalt  }
0x79: {  	_ =	shalt  }
0x7a: {  	_ =	shalt  }
0x7b: {  	_ =	shalt  }
0x7c: {  	_ =	shalt  }
0x7d: {  	_ =	shalt  }
0x7e: {  	_ =	shalt  }
0x7f: {  	_ =	shalt  }
0x80: {  	_ =	shalt  }
0x81: {  	_ =	shalt  }
0x82: {  	_ =	shalt  }
0x83: {  	_ =	shalt  }
0x84: {  	_ =	shalt  }
0x85: {  	_ =	shalt  }
0x86: {  	_ =	shalt  }
0x87: {  	_ =	shalt  }
.Lfunc_end0:
.L_simem_size_0:
called_computation.2_lowered:
.L_overlay_start_0:
0x88: {  	s2 =	sld [smem:$0x3FD9]  }
0x89: {  	s3 =	sld [smem:$0x3FFE];
	_ =	sdelay $0x1  }
0x8a: {  	s1 =	srdreg.scid  }
0x8b: {  	s0 =	sand.u32 $0x1, s1  }
0x8c: {  	s17 =	sshll.u32 s0, $0xA;
	s2 =	sadd.s32 s3, s2  }
0x8d: {  	s2 =	sadd.s32 s2, s17  }
0x8e: {  	[smem:$0x3FC2] =	sst s2  }
0x8f: {  	_ = 	snop  }
0x90: {  	s2 =	sld [smem:$0x3FD0];
	(tm) =	ssettm $0x1  }
0x91: {  	s18 =	sld [smem:$0x3FFB];
	_ =	sdelay $0x3  }
0x92: {  	_ =	strace s18  }
0x93: {  	s3 =	sld [smem:$0x3FFC];
	_ =	sdelay $0x3  }
0x94: {  	_ =	strace s3  }
0x95: {  	s3 =	sld [smem:$0x3FFD];
	_ =	sdelay $0x3  }
0x96: {  	_ =	strace s3  }
0x97: {  	_ =	strace $0x8FFFFFFF  }
0x98: {  	s19 =	sld [smem:$0x3FDB];
	_ =	sdelay $0x1  }
0x99: {  	s4 =	simm.s32 $_scs_section_size  }
0x9a: {  	s5 =	simm.s32 $_size__tile_overlayer_lowered;
	s6 =	simm.s32 $_tile_overlayer_lowered  }
0x9b: {  	s22 =	simm.s32 $0x1BFF;
	s21 =	sshll.u32 s6, $0x1;
	s3 =	sadd.s32 s4, s19  }
0x9c: {  	s7 =	simm.s32 $0x0;
	s20 =	sshll.u32 s5, $0x1;
	s5 =	sadd.s32 s21, s3  }
0x9d: {  	[timem:s7], [sflag:s22] =	dma.local [hbm:s5], s20  }
0x9e: {  	_ =	swait.ge [sflag:s22], s20  }
0x9f: {  	s4 =	ssub.s32 $0x0, s20;
	[sflag:s22] =	ssyncset.done $0x0  }
0xa0: {  	[sflag:s22] =	ssyncadd.s32 s4;
	_ =	sdelay $0x1  }
0xa1: {  	s23 =	simm.s32 $0x1B8B  }
0xa2: {  	_ =	swait.ge [sflag:s23], $0x1  }
0xa3: {  	[sflag:s23] =	ssyncset.done $0x0  }
0xa4: {  	s25 =	simm.s32 $0x1B8E;
	s24 =	sld [smem:$0x3FFE];
	[sflag:s23] =	ssyncadd.s32 $0xFFFFFFFF  }
0xa5: {  	s26 =	simm.s32 $execute0_lowered;
	[smem:$0x3FD2] =	sst s25  }
0xa6: {  	s5 =	sshll.u32 s26, $0x1;
	_ =	strace $0x8000004C;
	[dreg:$0x1] =	wrdreg $0xFFFFFFFF  }
0xa7: {  	s28 =	simm.s32 $_size_execute0_lowered;
	s3 =	sadd.s32 s3, s5;
	[dreg:$0x0] =	wrdreg $0x0  }
0xa8: {  	s5 =	sshll.u32 s28, $0x1;
	[dreg:$0x2] =	wrdreg s3  }
0xa9: {  	[dreg:$0x3] =	wrdreg s5  }
0xaa: {  	[dreg:$0x4] =	wrdreg $0xC0  }
0xab: {  	_ =	task [dreg:s7], $0x5FFFF  }
0xac: {  	[dreg:$0x1] =	wrdreg $0xFFFFFFFF  }
0xad: {  	[dreg:$0x0] =	wrdreg $0x60  }
0xae: {  	[dreg:$0x2] =	wrdreg s24  }
0xaf: {  	[dreg:$0x3] =	wrdreg s2  }
0xb0: {  	[dreg:$0x4] =	wrdreg $0x7B000  }
0xb1: {  	[dreg:$0x5] =	wrdreg $0x9  }
0xb2: {  	_ =	task.clear_ibuf [dreg:s7], $0x6FFFF;
	_ =	strace $0x9000004C  }
0xb3: {  	s29 =	simm.s32 $0x9;
	_ =	strace $0x8000004E  }
0xb4: {  	_ =	swait.ge [sflag:s29], $0x1  }
0xb5: {  	[sflag:s29] =	ssyncadd.s32 $0xFFFFFFFF  }
0xb6: {  	_ =	strace $0x9000004E  }
0xb7: {  	_ =	sfence  }
0xb8: {  	s30 =	sld [smem:$0x0];
	_ =	sdelay $0x2  }
0xb9: {  	s31 =	sshll.u32 s1, $0xD;
	s1 =	sshrl.u32 s1, $0x2  }
0xba: {  	s3 =	sand.u32 $0x4000, s31;
	s1 =	sadd.s32 s1, s30  }
0xbb: {  	s0 =	sor.u32 s3, s0;
	s1 =	sshll.u32 s1, $0x11  }
0xbc: {  	s0 =	sor.u32 s1, s0  }
0xbd: {  	s0 =	sadd.s32 $0x8F2B, s0  }
0xbe: {  	[sflag:s0] =	ssyncadd.remote.s32 $0x1  }
0xbf: {  	_ =	sfence.sel $0xFFFF  }
0xc0: {  	[dreg:$0x0] =	wrdreg $0xFFFFFFFF;
	(pc) =	sbr.abs _section_cstart, $3  }
0xc1: {  	[dreg:$0x1] =	wrdreg $0xFFFFFFFF  }
0xc2: {  	_ =	task.clear_ibuf [dreg:s7], $0x2FFFF;
	_ =	strace $0x9FFFFFFF  }
0xc3: {  	(tm) =	ssettm $0x7FFFFFFF  }
tec
execute0_lowered:
.L_overlay_start_1:
0x0: {  	(tag) =	ssettag $0x1  }
0x1: {  	s0 =	rddreg [dreg:$0x0]  }
0x2: {  	s1 =	rddreg [dreg:$0x1]  }
0x3: {  	s2 =	rddreg [dreg:$0x2];
	s3 =	simm.s32 $0x0  }
0x4: {  	s4 =	srdreg.scid;
	s11 =	stileid.u32;
	s28 =	simm.s32 $0x2  }
0x5: {  	s29 =	simm.s32 $0x180;
	s30 =	simm.s32 $0x3;
	s31 =	simm.s32 $0x280  }
0x6: {  	[smem:$0x7FF] =	sst s3;
	s5 =	sand.u32 $0x1, s4;
	s6 =	smul.u32 $0x2800, s11  }
0x7: {  	s4 =	sadd.s32 $0x1A00, s0;
	s8 =	sadd.s32 $0x29A00, s0;
	s19 =	smul.u32 $0x50000, s11  }
0x8: {  	s21 =	sshll.u32 s11, $0x6;
	_ =	strace $0x8000004D;
	s7 =	smul.u32 $0x28000, s5  }
0x9: {  	s18 =	sshll.u32 s5, $0x4;
	s20 =	ssub.s32 $0x2, s5;
	s5 =	smul.u32 $0x7D0, s5  }
0xa: {  	[dreg:$0x4] =	wrdreg s8;
	s8 =	sor.u32 s11, s18;
	s11 =	smul.u32 $0x7D, s11  }
0xb: {  	s10 =	sshrl.u32 s20, $0x1;
	s18 =	simm.s32 $0xA;
	s9 =	smul.u32 $0xFA0, s8  }
0xc: {  	s6 =	sadd.s32 s6, s7;
	s7 =	sshrl.u32 s19, $0x2;
	s8 =	smul.u32 $0x7D00, s8  }
0xd: {  	s10 =	ssub.s32 s20, s10;
	s19 =	simm.s32 $0x50;
	s20 =	simm.s32 $0x300  }
0xe: {  	s0 =	sadd.s32 s6, s0;
	s7 =	sadd.s32 s7, s2;
	s6 =	sor.u32 $0x1C0A, s21  }
0xf: {  	s5 =	sadd.s32 s11, s5;
	s25 =	smax.u32 s10, $0x1;
	s21 =	simm.s32 $0x100  }
0x10: {  	s10 =	simm.s32 $0x0;
	s8 =	sshrl.u32 s8, $0x3;
	s9 =	sadd.s32 s1, s9  }
0x11: {  	s5 =	sshll.u32 s5, $0x5;
	s0 =	sadd.s32 $0x2C200, s0;
	[dreg:$0xb] =	wrdreg s25  }
0x12: {  	s17 =	sshrl.u32 s7, $0x3;
	s25 =	simm.s32 $0x1;
	[dreg:$0x5] =	wrdreg s9  }
0x13: {  	s7 =	simm.s32 $0x7;
	s8 =	sadd.s32 s1, s8;
	[dreg:$0xa] =	wrdreg s0  }
0x14: {  	s26 =	sadd.s32 s5, s1;
	s0 =	simm.s32 $0x4;
	s1 =	simm.s32 $0x5  }
0x15: {  	s5 =	simm.s32 $0x6;
	s9 =	simm.s32 $0x9;
	s22 =	sadd.s32 $0x20, s8  }
0x16: {  	s23 =	sadd.s32 $0x40, s8;
	s24 =	sadd.s32 $0xF60, s8;
	[dreg:$0x6] =	wrdreg s22  }
0x17: {  	s8 =	sadd.s32 $0xF80, s8;
	s14 =	sadd.s32 $0xA0, s26;
	[dreg:$0x7] =	wrdreg s23  }
0x18: {  	s15 =	sadd.s32 $0x80, s26;
	s16 =	sadd.s32 $0x60, s26;
	[dreg:$0x8] =	wrdreg s24  }
0x19: {  	s26 =	simm.s32 $0x80;
	[dreg:$0x9] =	wrdreg s8;
	s22 =	simm.s32 $0x2B00  }
0x1a: {  	s23 =	simm.s32 $0x200;
	s24 =	simm.s32 $0x5300;
	s8 =	simm.s32 $0x8  }
.LBB2_1:
0x1b: {  	s11 =	rddreg [dreg:$0x4]  }
0x1c: {  	[spmem:s17], [sflag:s6] =	dma.local [hbm:s11], $0x2800  }
0x1d: {  	_ =	swait.ge [sflag:s18], $0x2800  }
0x1e: {  	[sflag:s18] =	ssyncset.done $0x0  }
0x1f: {  	[sflag:s18] =	ssyncadd.s32 $0xFFFFD800  }
0x20: {  	[bflag:$0x0] =	sbarrier.arrive $0xFFFF  }
0x21: {  	s12 =	rddreg [dreg:$0x5]  }
0x22: {  	[tilespmem:s3], [sflag:$0xA] =	stream.linear.gather [hbm4b:s12+s3], $0x100, $0x38;
	[tilespmem:$0x1BB00] =	vst v63  }
0x23: {  	_ =	swait.ge [sflag:s18], $0x100  }
0x24: {  	[sflag:s18] =	ssyncset.done $0x0  }
0x25: {  	[sflag:s18] =	ssyncadd.s32 $0xFFFFFF00  }
0x26: {  	[tilespmem:s20], [sflag:$0x1] =	stream.indirect.gather [hbm4b:s4+s19], $0x80, s3, s19, $0xb8;
	[tilespmem:$0x1BB00] =	vst v63  }
0x27: {  	s13 =	rddreg [dreg:$0x6]  }
0x28: {  	[tilespmem:s21], [sflag:$0xA] =	stream.linear.gather [hbm4b:s13+s3], $0x100, $0x38;
	[tilespmem:$0x1BB00] =	vst v63  }
0x29: {  	_ =	swait.ge [sflag:s18], $0x100  }
0x2a: {  	[sflag:s18] =	ssyncset.done $0x0  }
0x2b: {  	[sflag:s18] =	ssyncadd.s32 $0xFFFFFF00  }
0x2c: {  	[tilespmem:s22], [sflag:$0x2] =	stream.indirect.gather [hbm4b:s4+s19], $0x80, s21, s19, $0xb8;
	[tilespmem:$0x1BB00] =	vst v63  }
0x2d: {  	s12 =	rddreg [dreg:$0x7]  }
0x2e: {  	[tilespmem:s23], [sflag:$0xA] =	stream.linear.gather [hbm4b:s12+s3], $0x100, $0x38;
	[tilespmem:$0x1BB00] =	vst v63  }
0x2f: {  	_ =	swait.ge [sflag:s18], $0x100  }
0x30: {  	[sflag:s18] =	ssyncset.done $0x0  }
0x31: {  	[sflag:s18] =	ssyncadd.s32 $0xFFFFFF00  }
0x32: {  	[tilespmem:s24], [sflag:$0x3] =	stream.indirect.gather [hbm4b:s4+s19], $0x80, s23, s19, $0xb8;
	[tilespmem:$0x1BB00] =	vst v63  }
0x33: {  	_ =	swait.ge [sflag:s25], $0x2800  }
0x34: {  	[sflag:s25] =	ssyncset.done $0x0  }
0x35: {  	[sflag:s25] =	ssyncadd.s32 $0xFFFFD800  }
0x36: {  	[spmem:s2] =	stream.indirect.scatter.add.f32 [tilespmem:s20], [sflag:$0x4], $0x80, s26, s19, $0xb8;
	[tilespmem:$0x1BB00] =	vst v63  }
0x37: {  	_ =	swait.ge [sflag:s28], $0x2800  }
0x38: {  	[sflag:s28] =	ssyncset.done $0x0  }
0x39: {  	[sflag:s28] =	ssyncadd.s32 $0xFFFFD800  }
0x3a: {  	[spmem:s2] =	stream.indirect.scatter.add.f32 [tilespmem:s22], [sflag:$0x5], $0x80, s29, s19, $0xb8;
	[tilespmem:$0x1BB00] =	vst v63  }
0x3b: {  	_ =	swait.ge [sflag:s30], $0x2800  }
0x3c: {  	[sflag:s30] =	ssyncset.done $0x0  }
0x3d: {  	[sflag:s30] =	ssyncadd.s32 $0xFFFFD800  }
0x3e: {  	[spmem:s2] =	stream.indirect.scatter.add.f32 [tilespmem:s24], [sflag:$0x6], $0x80, s31, s19, $0xb8;
	[tilespmem:$0x1BB00] =	vst v63  }
0x3f: {  	_ =	swait.ge [sflag:s0], $0x2800  }
0x40: {  	[sflag:s0] =	ssyncset.done $0x0  }
0x41: {  	s13 =	sadd.s32 $0x0, s16;
	[sflag:s0] =	ssyncadd.s32 $0xFFFFD800  }
0x42: {  	[tilespmem:s3], [sflag:$0x7] =	stream.linear.gather [hbm4b:s13+s3], $0x100, $0x38;
	[tilespmem:$0x1BB00] =	vst v63  }
0x43: {  	_ =	swait.ge [sflag:s1], $0x2800  }
0x44: {  	[sflag:s1] =	ssyncset.done $0x0  }
0x45: {  	s12 =	sadd.s32 $0x0, s15;
	[sflag:s1] =	ssyncadd.s32 $0xFFFFD800  }
0x46: {  	[tilespmem:s21], [sflag:$0x8] =	stream.linear.gather [hbm4b:s12+s3], $0x100, $0x38;
	[tilespmem:$0x1BB00] =	vst v63  }
0x47: {  	_ =	swait.ge [sflag:s5], $0x2800  }
0x48: {  	[sflag:s5] =	ssyncset.done $0x0  }
0x49: {  	s13 =	sadd.s32 $0x0, s14;
	[sflag:s5] =	ssyncadd.s32 $0xFFFFD800  }
0x4a: {  	[tilespmem:s23], [sflag:$0x9] =	stream.linear.gather [hbm4b:s13+s3], $0x100, $0x38;
	[tilespmem:$0x1BB00] =	vst v63  }
0x4b: {  	_ =	swait.ge [sflag:s7], $0x100  }
0x4c: {  	[sflag:s7] =	ssyncset.done $0x0  }
0x4d: {  	[sflag:s7] =	ssyncadd.s32 $0xFFFFFF00  }
0x4e: {  	[tilespmem:s20], [sflag:$0x1] =	stream.indirect.gather [hbm4b:s4+s19], $0x80, s3, s19, $0xb8;
	[tilespmem:$0x1BB00] =	vst v63  }
0x4f: {  	_ =	swait.ge [sflag:s8], $0x100  }
0x50: {  	[sflag:s8] =	ssyncset.done $0x0  }
0x51: {  	[sflag:s8] =	ssyncadd.s32 $0xFFFFFF00  }
0x52: {  	[tilespmem:s22], [sflag:$0x2] =	stream.indirect.gather [hbm4b:s4+s19], $0x80, s21, s19, $0xb8;
	[tilespmem:$0x1BB00] =	vst v63  }
0x53: {  	_ =	swait.ge [sflag:s9], $0x100  }
0x54: {  	[sflag:s9] =	ssyncset.done $0x0  }
0x55: {  	s11 =	simm.s32 $0x60;
	[sflag:s9] =	ssyncadd.s32 $0xFFFFFF00  }
.LBB2_2:
0x56: {  	[tilespmem:s24], [sflag:$0x3] =	stream.indirect.gather [hbm4b:s4+s19], $0x80, s23, s19, $0xb8;
	[tilespmem:$0x1BB00] =	vst v63  }
0x57: {  	s12 =	smov.u32 s11  }
0x58: {  	p0 =	sne.s32 s11, $0xEA0;
	s11 =	sadd.s32 $0x60, s11;
	_ =	swait.ge [sflag:s25], $0x2800  }
0x59: {  	[sflag:s25] =	ssyncset.done $0x0  }
0x5a: {  	[sflag:s25] =	ssyncadd.s32 $0xFFFFD800  }
0x5b: {  	[spmem:s2] =	stream.indirect.scatter.add.f32 [tilespmem:s20], [sflag:$0x4], $0x80, s26, s19, $0xb8;
	[tilespmem:$0x1BB00] =	vst v63  }
0x5c: {  	_ =	swait.ge [sflag:s28], $0x2800  }
0x5d: {  	[sflag:s28] =	ssyncset.done $0x0  }
0x5e: {  	[sflag:s28] =	ssyncadd.s32 $0xFFFFD800  }
0x5f: {  	[spmem:s2] =	stream.indirect.scatter.add.f32 [tilespmem:s22], [sflag:$0x5], $0x80, s29, s19, $0xb8;
	[tilespmem:$0x1BB00] =	vst v63  }
0x60: {  	_ =	swait.ge [sflag:s30], $0x2800  }
0x61: {  	[sflag:s30] =	ssyncset.done $0x0  }
0x62: {  	[sflag:s30] =	ssyncadd.s32 $0xFFFFD800  }
0x63: {  	[spmem:s2] =	stream.indirect.scatter.add.f32 [tilespmem:s24], [sflag:$0x6], $0x80, s31, s19, $0xb8;
	[tilespmem:$0x1BB00] =	vst v63  }
0x64: {  	_ =	swait.ge [sflag:s0], $0x2800  }
0x65: {  	[sflag:s0] =	ssyncset.done $0x0  }
0x66: {  	s13 =	sadd.s32 s12, s16;
	[sflag:s0] =	ssyncadd.s32 $0xFFFFD800  }
0x67: {  	[tilespmem:s3], [sflag:$0x7] =	stream.linear.gather [hbm4b:s13+s3], $0x100, $0x38;
	[tilespmem:$0x1BB00] =	vst v63  }
0x68: {  	_ =	swait.ge [sflag:s1], $0x2800  }
0x69: {  	[sflag:s1] =	ssyncset.done $0x0  }
0x6a: {  	s13 =	sadd.s32 s12, s15;
	[sflag:s1] =	ssyncadd.s32 $0xFFFFD800  }
0x6b: {  	[tilespmem:s21], [sflag:$0x8] =	stream.linear.gather [hbm4b:s13+s3], $0x100, $0x38;
	[tilespmem:$0x1BB00] =	vst v63  }
0x6c: {  	_ =	swait.ge [sflag:s5], $0x2800  }
0x6d: {  	[sflag:s5] =	ssyncset.done $0x0  }
0x6e: {  	s12 =	sadd.s32 s12, s14;
	[sflag:s5] =	ssyncadd.s32 $0xFFFFD800  }
0x6f: {  	[tilespmem:s23], [sflag:$0x9] =	stream.linear.gather [hbm4b:s12+s3], $0x100, $0x38;
	[tilespmem:$0x1BB00] =	vst v63  }
0x70: {  	_ =	swait.ge [sflag:s7], $0x100  }
0x71: {  	[sflag:s7] =	ssyncset.done $0x0  }
0x72: {  	[sflag:s7] =	ssyncadd.s32 $0xFFFFFF00  }
0x73: {  	[tilespmem:s20], [sflag:$0x1] =	stream.indirect.gather [hbm4b:s4+s19], $0x80, s3, s19, $0xb8;
	[tilespmem:$0x1BB00] =	vst v63  }
0x74: {  	_ =	swait.ge [sflag:s8], $0x100  }
0x75: {  	[sflag:s8] =	ssyncset.done $0x0  }
.Ltmp0:
0x76: {  	[sflag:s8] =	ssyncadd.s32 $0xFFFFFF00;
	(pc) =	sbr.rel @p0 .LBB2_2-.Ltmp0, $4  }
0x77: {  	[tilespmem:s22], [sflag:$0x2] =	stream.indirect.gather [hbm4b:s4+s19], $0x80, s21, s19, $0xb8;
	[tilespmem:$0x1BB00] =	vst v63  }
0x78: {  	_ =	swait.ge [sflag:s9], $0x100  }
0x79: {  	[sflag:s9] =	ssyncset.done $0x0  }
0x7a: {  	[sflag:s9] =	ssyncadd.s32 $0xFFFFFF00  }
0x7b: {  	[tilespmem:s24], [sflag:$0x3] =	stream.indirect.gather [hbm4b:s4+s19], $0x80, s23, s19, $0xb8;
	[tilespmem:$0x1BB00] =	vst v63  }
0x7c: {  	_ =	swait.ge [sflag:s25], $0x2800  }
0x7d: {  	[sflag:s25] =	ssyncset.done $0x0  }
0x7e: {  	[sflag:s25] =	ssyncadd.s32 $0xFFFFD800  }
0x7f: {  	[spmem:s2] =	stream.indirect.scatter.add.f32 [tilespmem:s20], [sflag:$0x4], $0x80, s26, s19, $0xb8;
	[tilespmem:$0x1BB00] =	vst v63  }
0x80: {  	_ =	swait.ge [sflag:s0], $0x2800  }
0x81: {  	[sflag:s0] =	ssyncset.done $0x0  }
0x82: {  	s11 =	rddreg [dreg:$0x8];
	[sflag:s0] =	ssyncadd.s32 $0xFFFFD800  }
0x83: {  	[tilespmem:s3], [sflag:$0xA] =	stream.linear.gather [hbm4b:s11+s3], $0x100, $0x38;
	[tilespmem:$0x1BB00] =	vst v63  }
0x84: {  	_ =	swait.ge [sflag:s18], $0x100  }
0x85: {  	[sflag:s18] =	ssyncset.done $0x0  }
0x86: {  	[sflag:s18] =	ssyncadd.s32 $0xFFFFFF00  }
0x87: {  	[tilespmem:s20], [sflag:$0x1] =	stream.indirect.gather [hbm4b:s4+s19], $0x80, s3, s19, $0xb8;
	[tilespmem:$0x1BB00] =	vst v63  }
0x88: {  	_ =	swait.ge [sflag:s28], $0x2800  }
0x89: {  	[sflag:s28] =	ssyncset.done $0x0  }
0x8a: {  	[sflag:s28] =	ssyncadd.s32 $0xFFFFD800  }
0x8b: {  	[spmem:s2] =	stream.indirect.scatter.add.f32 [tilespmem:s22], [sflag:$0x5], $0x80, s29, s19, $0xb8;
	[tilespmem:$0x1BB00] =	vst v63  }
0x8c: {  	_ =	swait.ge [sflag:s1], $0x2800  }
0x8d: {  	[sflag:s1] =	ssyncset.done $0x0  }
0x8e: {  	s13 =	rddreg [dreg:$0x9];
	[sflag:s1] =	ssyncadd.s32 $0xFFFFD800  }
0x8f: {  	[tilespmem:s21], [sflag:$0xA] =	stream.linear.gather [hbm4b:s13+s3], $0x100, $0x38;
	[tilespmem:$0x1BB00] =	vst v63  }
0x90: {  	_ =	swait.ge [sflag:s18], $0x100  }
0x91: {  	[sflag:s18] =	ssyncset.done $0x0  }
0x92: {  	[sflag:s18] =	ssyncadd.s32 $0xFFFFFF00  }
0x93: {  	[tilespmem:s22], [sflag:$0x2] =	stream.indirect.gather [hbm4b:s4+s19], $0x80, s21, s19, $0xb8;
	[tilespmem:$0x1BB00] =	vst v63  }
0x94: {  	_ =	swait.ge [sflag:s30], $0x2800  }
0x95: {  	[sflag:s30] =	ssyncset.done $0x0  }
0x96: {  	[sflag:s30] =	ssyncadd.s32 $0xFFFFD800  }
0x97: {  	[spmem:s2] =	stream.indirect.scatter.add.f32 [tilespmem:s24], [sflag:$0x6], $0x80, s31, s19, $0xb8;
	[tilespmem:$0x1BB00] =	vst v63  }
0x98: {  	_ =	swait.ge [sflag:s25], $0x2800  }
0x99: {  	[sflag:s25] =	ssyncset.done $0x0  }
0x9a: {  	[sflag:s25] =	ssyncadd.s32 $0xFFFFD800  }
0x9b: {  	[spmem:s2] =	stream.indirect.scatter.add.f32 [tilespmem:s20], [sflag:$0x4], $0x80, s26, s19, $0xb8;
	[tilespmem:$0x1BB00] =	vst v63  }
0x9c: {  	_ =	swait.ge [sflag:s28], $0x2800  }
0x9d: {  	[sflag:s28] =	ssyncset.done $0x0  }
0x9e: {  	[sflag:s28] =	ssyncadd.s32 $0xFFFFD800  }
0x9f: {  	[spmem:s2] =	stream.indirect.scatter.add.f32 [tilespmem:s22], [sflag:$0x5], $0x80, s29, s19, $0xb8;
	[tilespmem:$0x1BB00] =	vst v63  }
0xa0: {  	_ =	swait.ge [sflag:s5], $0x2800  }
0xa1: {  	[sflag:s5] =	ssyncset.done $0x0  }
0xa2: {  	[sflag:s5] =	ssyncadd.s32 $0xFFFFD800  }
0xa3: {  	_ =	swait.ge [sflag:s0], $0x2800  }
0xa4: {  	[sflag:s0] =	ssyncset.done $0x0  }
0xa5: {  	[sflag:s0] =	ssyncadd.s32 $0xFFFFD800  }
0xa6: {  	_ =	swait.ge [sflag:s1], $0x2800  }
0xa7: {  	[sflag:s1] =	ssyncset.done $0x0  }
0xa8: {  	[sflag:s1] =	ssyncadd.s32 $0xFFFFD800  }
0xa9: {  	[bflag:$0x0] =	sbarrier.arrive $0xFFFF  }
0xaa: {  	s12 =	rddreg [dreg:$0xa]  }
0xab: {  	[hbm:s12], [sflag:s6] =	dma.local [spmem:s17], $0x2800  }
0xac: {  	_ =	swait.ge [sflag:s18], $0x2800  }
0xad: {  	s10 =	sadd.s32 $0x1, s10;
	s13 =	rddreg [dreg:$0xb]  }
0xae: {  	p0 =	sne.s32 s10, s13  }
.Ltmp1:
0xaf: {  	_ = 	snop;
	(pc) =	sbr.rel @p0 .LBB2_1-.Ltmp1, $3  }
0xb0: {  	_ =	sdelay $0x1  }
0xb1: {  	[sflag:s18] =	ssyncset.done $0x0  }
0xb2: {  	[sflag:s18] =	ssyncadd.s32 $0xFFFFD800  }
0xb3: {  	_ =	sfence.sel $0x180000  }
0xb4: {  	[bflag:$0x0] =	sbarrier.arrive $0xFFFF  }
0xb5: {  	_ =	strace $0x9000004D  }
0xb6: {  	s0 =	stileid.u32;
	[bflag:$0x2] =	sbarrier.arrive $0xFFFF  }
0xb7: {  	p0 =	sne.s32 s0, $0x0;
	s0 =	rddreg [dreg:$0x3]  }
0xb8: {  	s0 =	sadd.s32 @!p0 $0x100000, s0  }
0xb9: {  	[sflag:s0] =	ssyncadd.tile.s32 @!p0 $0x1;
	_ =	shalt  }
.Lfunc_end2:
_tile_overlayer_lowered:
.L_overlay_start_2:
0xba: {  	(tag) =	ssettag $0x2  }
0xbb: {  	s0 =	rddreg [dreg:$0x0];
	s2 =	stileid.u32  }
0xbc: {  	s1 =	rddreg [dreg:$0x1];
	p0 =	sne.s32 s2, $0x0  }
0xbd: {  	s3 =	rddreg [dreg:$0x2];
	[bflag:$0x3] =	sbarrier.arrive $0xFFFF;
	s2 =	simm.s32 @!p0 $0x1C0A  }
0xbe: {  	[timem:s3], [sflag:s2] =	dma.local @!p0 [hbm:s0], s1  }
0xbf: {  	s0 =	simm.s32 @!p0 $0xA  }
0xc0: {  	_ =	swait.ge @!p0 [sflag:s0], s1  }
0xc1: {  	s1 =	ssub.s32 @!p0 $0x0, s1;
	[sflag:s0] =	ssyncset.done @!p0 $0x0  }
0xc2: {  	[sflag:s0] =	ssyncadd.s32 @!p0 s1  }
0xc3: {  	[bflag:$0x3] =	sbarrier.arrive $0xFFFF  }
0xc4: {  	_ =	shalt  }

// kernel: kernel.8.cloned.1.call-start
scs
__scs_entry_jumppad:
0x0: {  	(pc) =	sbr.rel $0x88, $3  }
0x1: {  	(tag) =	ssettag $0x0;
	lr =	simm.s32 $0x1  }
0x2: {  	[smem:$0x3F9B] =	sst lr;
	_ =	strace $0xD0000000  }
0x3: {  	_ = 	snop  }
0x4: {  	_ = 	snop  }
0x5: {  	_ = 	snop  }
0x6: {  	_ = 	snop  }
0x7: {  	_ = 	snop  }
__scs_overlays_trampoline_lowered:
0x8: {  	[smem:$0x3FAA] =	sst s0  }
0x9: {  	[smem:$0x3FAB] =	sst s1  }
0xa: {  	[smem:$0x3FAC] =	sst s2  }
0xb: {  	[smem:$0x3FAD] =	sst s3  }
0xc: {  	[smem:$0x3FAE] =	sst s4  }
0xd: {  	[smem:$0x3FAF] =	sst s5  }
0xe: {  	[smem:$0x3FB0] =	sst s6  }
0xf: {  	[smem:$0x3FB1] =	sst s7  }
0x10: {  	[smem:$0x3FB2] =	sst s8  }
0x11: {  	[smem:$0x3FB3] =	sst s9;
	s0 =	simm.s32 @!p0 $0x0  }
0x12: {  	s1 =	sld [smem:$0x3F99];
	s0 =	simm.s32 @p0 $0x1  }
0x13: {  	[smem:$0x3FB4] =	sst s0;
	s0 =	simm.s32 @!p1 $0x0  }
0x14: {  	s2 =	sld [smem:$0x3F98];
	s0 =	simm.s32 @p1 $0x1  }
0x15: {  	[smem:$0x3FB5] =	sst s0;
	s0 =	simm.s32 @!p2 $0x0  }
0x16: {  	s3 =	sld [smem:$0x3FDB];
	s0 =	simm.s32 @p2 $0x1  }
0x17: {  	s4 =	simm.s32 $0x1BF5;
	[smem:$0x3FB7] =	sst s0  }
0x18: {  	s0 =	sld [smem:$0x3F9A];
	_ =	swait.ge [sflag:s4], $0x0  }
0x19: {  	s7 =	sld [smem:$0x3F9B]  }
0x1a: {  	s8 =	sadd.s32 $0xFFFFE003, lr  }
0x1b: {  	s9 =	sadd.s32 $0xFFFFFEF7, lr;
	s5 =	simm.s32 $0xFFFFFFFF;
	p2 =	slt.u32 s8, $0xFFFFF086  }
0x1c: {  	p1 =	slt.u32 s9, $0xF7A;
	s5 =	simm.s32 @!p2 $0x0  }
0x1d: {  	s5 =	simm.s32 @p1 $0x1;
	p0 =	seq.s32 s7, s2  }
0x1e: {  	s7 =	smul.u32 @!p0 $0xF7A, s2;
	p2 =	seq.s32 @!p0 s5, $0x0  }
0x1f: {  	s9 =	smul.u32 $0xF7A, s1;
	s8 =	simm.s32 @!p0 $0x1BF5;
	p2 =	por !p2, p0  }
0x20: {  	[sflag:s8] =	ssyncset.s32 @!p0 $0xFFFFF086;
	s6 =	sadd.s32 @!p0 s3, s7;
	s7 =	simm.s32 @!p0 $0x108  }
0x21: {  	s3 =	sadd.s32 s3, s9;
	s6 =	sadd.s32 @!p0 $0x88, s6;
	s7 =	simm.s32 @p2 $0x1082  }
0x22: {  	[simem:s7], [sflag:s8] =	dma.local @!p0 [hbm:s6], $0xF7A  }
0x23: {  	s9 =	sor.u32 $0xD0000000, s2;
	s6 =	simm.s32 $0x108;
	_ =	swait.ge @!p0 [sflag:s8], $0x0  }
0x24: {  	s3 =	sadd.s32 $0x88, s3;
	s6 =	simm.s32 @!p1 $0x1082;
	[sflag:s4] =	ssyncset.s32 $0xFFFFF086  }
0x25: {  	[simem:s6], [sflag:s4] =	dma.local [hbm:s3], $0xF7A  }
0x26: {  	[smem:$0x3F9B] =	sst s1;
	(tag) =	ssettag s2;
	_ =	strace s9  }
0x27: {  	s1 =	sld [smem:$0x3FAB]  }
0x28: {  	s2 =	sld [smem:$0x3FAC]  }
0x29: {  	s4 =	sld [smem:$0x3FAE]  }
0x2a: {  	p0 =	seq.s32 s5, $0x0;
	s5 =	sld [smem:$0x3FAF]  }
0x2b: {  	s6 =	sld [smem:$0x3FB0]  }
0x2c: {  	s7 =	sld [smem:$0x3FB1]  }
0x2d: {  	s3 =	simm.s32 $0x108;
	s8 =	sld [smem:$0x3FB2]  }
0x2e: {  	s3 =	simm.s32 @!p0 $0x1082;
	s9 =	sld [smem:$0x3FB3]  }
0x2f: {  	lr =	sadd.s32 s0, s3;
	s0 =	sld [smem:$0x3FAA]  }
0x30: {  	s3 =	sld [smem:$0x3FAD]  }
0x31: {  	[smem:$0x3FB6] =	sst s10  }
0x32: {  	s10 =	sld [smem:$0x3FB4];
	_ =	sdelay $0x3  }
0x33: {  	p0 =	seq.s32 s10, $0x1;
	s10 =	sld [smem:$0x3FB6];
	_ =	sdelay $0x3  }
0x34: {  	[smem:$0x3FB6] =	sst s10  }
0x35: {  	s10 =	sld [smem:$0x3FB5];
	_ =	sdelay $0x3  }
0x36: {  	p1 =	seq.s32 s10, $0x1;
	s10 =	sld [smem:$0x3FB6];
	_ =	sdelay $0x3  }
0x37: {  	[smem:$0x3FB6] =	sst s10  }
0x38: {  	s10 =	sld [smem:$0x3FB7]  }
0x39: {  	_ = 	snop;
	(pc) =	sbr.ind lr, $3  }
0x3a: {  	_ = 	snop  }
0x3b: {  	_ = 	snop  }
0x3c: {  	p2 =	seq.s32 s10, $0x1;
	s10 =	sld [smem:$0x3FB6]  }
0x3d: {  	_ =	shalt  }
0x3e: {  	_ =	shalt  }
0x3f: {  	_ =	shalt  }
0x40: {  	_ =	shalt  }
0x41: {  	_ =	shalt  }
0x42: {  	_ =	shalt  }
0x43: {  	_ =	shalt  }
0x44: {  	_ =	shalt  }
0x45: {  	_ =	shalt  }
0x46: {  	_ =	shalt  }
0x47: {  	_ =	shalt  }
0x48: {  	_ =	shalt  }
0x49: {  	_ =	shalt  }
0x4a: {  	_ =	shalt  }
0x4b: {  	_ =	shalt  }
0x4c: {  	_ =	shalt  }
0x4d: {  	_ =	shalt  }
0x4e: {  	_ =	shalt  }
0x4f: {  	_ =	shalt  }
0x50: {  	_ =	shalt  }
0x51: {  	_ =	shalt  }
0x52: {  	_ =	shalt  }
0x53: {  	_ =	shalt  }
0x54: {  	_ =	shalt  }
0x55: {  	_ =	shalt  }
0x56: {  	_ =	shalt  }
0x57: {  	_ =	shalt  }
0x58: {  	_ =	shalt  }
0x59: {  	_ =	shalt  }
0x5a: {  	_ =	shalt  }
0x5b: {  	_ =	shalt  }
0x5c: {  	_ =	shalt  }
0x5d: {  	_ =	shalt  }
0x5e: {  	_ =	shalt  }
0x5f: {  	_ =	shalt  }
0x60: {  	_ =	shalt  }
0x61: {  	_ =	shalt  }
0x62: {  	_ =	shalt  }
0x63: {  	_ =	shalt  }
0x64: {  	_ =	shalt  }
0x65: {  	_ =	shalt  }
0x66: {  	_ =	shalt  }
0x67: {  	_ =	shalt  }
0x68: {  	_ =	shalt  }
0x69: {  	_ =	shalt  }
0x6a: {  	_ =	shalt  }
0x6b: {  	_ =	shalt  }
0x6c: {  	_ =	shalt  }
0x6d: {  	_ =	shalt  }
0x6e: {  	_ =	shalt  }
0x6f: {  	_ =	shalt  }
0x70: {  	_ =	shalt  }
0x71: {  	_ =	shalt  }
0x72: {  	_ =	shalt  }
0x73: {  	_ =	shalt  }
0x74: {  	_ =	shalt  }
0x75: {  	_ =	shalt  }
0x76: {  	_ =	shalt  }
0x77: {  	_ =	shalt  }
0x78: {  	_ =	shalt  }
0x79: {  	_ =	shalt  }
0x7a: {  	_ =	shalt  }
0x7b: {  	_ =	shalt  }
0x7c: {  	_ =	shalt  }
0x7d: {  	_ =	shalt  }
0x7e: {  	_ =	shalt  }
0x7f: {  	_ =	shalt  }
0x80: {  	_ =	shalt  }
0x81: {  	_ =	shalt  }
0x82: {  	_ =	shalt  }
0x83: {  	_ =	shalt  }
0x84: {  	_ =	shalt  }
0x85: {  	_ =	shalt  }
0x86: {  	_ =	shalt  }
0x87: {  	_ =	shalt  }
.Lfunc_end0:
.L_simem_size_0:
called_computation_lowered:
.L_overlay_start_0:
0x88: {  	s2 =	sld [smem:$0x3FD9]  }
0x89: {  	s3 =	sld [smem:$0x3FFE];
	_ =	sdelay $0x1  }
0x8a: {  	s1 =	srdreg.scid  }
0x8b: {  	s0 =	sand.u32 $0x1, s1  }
0x8c: {  	s16 =	sshll.u32 s0, $0xA;
	s2 =	sadd.s32 s3, s2  }
0x8d: {  	s2 =	sadd.s32 s2, s16  }
0x8e: {  	[smem:$0x3FC2] =	sst s2  }
0x8f: {  	_ = 	snop  }
0x90: {  	(tm) =	ssettm $0x1  }
0x91: {  	s17 =	sld [smem:$0x3FFB];
	_ =	sdelay $0x3  }
0x92: {  	_ =	strace s17  }
0x93: {  	s2 =	sld [smem:$0x3FFC];
	_ =	sdelay $0x3  }
0x94: {  	_ =	strace s2  }
0x95: {  	s2 =	sld [smem:$0x3FFD];
	_ =	sdelay $0x3  }
0x96: {  	_ =	strace s2  }
0x97: {  	_ =	strace $0x8FFFFFFF  }
0x98: {  	s18 =	sld [smem:$0x3FDB];
	_ =	sdelay $0x1  }
0x99: {  	s19 =	simm.s32 $_scs_section_size  }
0x9a: {  	s4 =	simm.s32 $_size__tile_overlayer_lowered;
	s5 =	simm.s32 $_tile_overlayer_lowered  }
0x9b: {  	s22 =	simm.s32 $0x1BFF;
	s21 =	sshll.u32 s5, $0x1;
	s2 =	sadd.s32 s19, s18  }
0x9c: {  	s6 =	simm.s32 $0x0;
	s20 =	sshll.u32 s4, $0x1;
	s4 =	sadd.s32 s21, s2  }
0x9d: {  	[timem:s6], [sflag:s22] =	dma.local [hbm:s4], s20  }
0x9e: {  	_ =	swait.ge [sflag:s22], s20  }
0x9f: {  	s3 =	ssub.s32 $0x0, s20;
	[sflag:s22] =	ssyncset.done $0x0  }
0xa0: {  	[sflag:s22] =	ssyncadd.s32 s3;
	_ =	sdelay $0x1  }
0xa1: {  	s23 =	simm.s32 $0x1B8B  }
0xa2: {  	_ =	swait.ge [sflag:s23], $0x1  }
0xa3: {  	[sflag:s23] =	ssyncset.done $0x0  }
0xa4: {  	s25 =	simm.s32 $0x1B8E;
	s24 =	sld [smem:$0x3FFE];
	[sflag:s23] =	ssyncadd.s32 $0xFFFFFFFF  }
0xa5: {  	s26 =	simm.s32 $execute0_lowered;
	[smem:$0x3FD2] =	sst s25  }
0xa6: {  	s4 =	sshll.u32 s26, $0x1;
	_ =	strace $0x80000046;
	[dreg:$0x1] =	wrdreg $0xFFFFFFFF  }
0xa7: {  	s28 =	simm.s32 $_size_execute0_lowered;
	s2 =	sadd.s32 s2, s4;
	[dreg:$0x0] =	wrdreg $0x0  }
0xa8: {  	s4 =	sshll.u32 s28, $0x1;
	[dreg:$0x2] =	wrdreg s2  }
0xa9: {  	[dreg:$0x3] =	wrdreg s4  }
0xaa: {  	[dreg:$0x4] =	wrdreg $0xC0  }
0xab: {  	_ =	task [dreg:s6], $0x5FFFF  }
0xac: {  	[dreg:$0x1] =	wrdreg $0xFFFFFFFF  }
0xad: {  	[dreg:$0x0] =	wrdreg $0x60  }
0xae: {  	[dreg:$0x2] =	wrdreg s24  }
0xaf: {  	[dreg:$0x3] =	wrdreg $0x4F000  }
0xb0: {  	[dreg:$0x4] =	wrdreg $0x9  }
0xb1: {  	_ =	task.clear_ibuf [dreg:s6], $0x5FFFF;
	_ =	strace $0x90000046  }
0xb2: {  	s29 =	simm.s32 $0x9;
	_ =	strace $0x80000048  }
0xb3: {  	_ =	swait.ge [sflag:s29], $0x1  }
0xb4: {  	[sflag:s29] =	ssyncadd.s32 $0xFFFFFFFF  }
0xb5: {  	_ =	strace $0x90000048  }
0xb6: {  	_ =	sfence  }
0xb7: {  	s30 =	sld [smem:$0x0];
	_ =	sdelay $0x2  }
0xb8: {  	s31 =	sshll.u32 s1, $0xD;
	s1 =	sshrl.u32 s1, $0x2  }
0xb9: {  	s3 =	sand.u32 $0x4000, s31;
	s1 =	sadd.s32 s1, s30  }
0xba: {  	s0 =	sor.u32 s3, s0;
	s1 =	sshll.u32 s1, $0x11  }
0xbb: {  	s0 =	sor.u32 s1, s0  }
0xbc: {  	s0 =	sadd.s32 $0x8F2B, s0  }
0xbd: {  	[sflag:s0] =	ssyncadd.remote.s32 $0x1  }
0xbe: {  	_ =	sfence.sel $0xFFFF  }
0xbf: {  	[dreg:$0x0] =	wrdreg $0xFFFFFFFF;
	(pc) =	sbr.abs _section_cstart, $3  }
0xc0: {  	[dreg:$0x1] =	wrdreg $0xFFFFFFFF  }
0xc1: {  	_ =	task.clear_ibuf [dreg:s6], $0x2FFFF;
	_ =	strace $0x9FFFFFFF  }
0xc2: {  	(tm) =	ssettm $0x7FFFFFFF  }
0xc3: {  	_ =	shalt  }
tec
execute0_lowered:
.L_overlay_start_1:
0x0: {  	(tag) =	ssettag $0x1  }
0x1: {  	s12 =	rddreg [dreg:$0x0]  }
0x2: {  	s2 =	rddreg [dreg:$0x1]  }
0x3: {  	s0 =	rddreg [dreg:$0x2];
	s1 =	stileid.u32  }
0x4: {  	s3 =	simm.s32 $0x0;
	s4 =	srdreg.scid;
	s13 =	smul.u32 $0x280, s1  }
0x5: {  	[smem:$0x7FF] =	sst s3;
	s14 =	sand.u32 $0x1, s4;
	s4 =	sadd.s32 $0xBE00, s12  }
0x6: {  	s5 =	sshll.u32 s1, $0x6;
	_ =	strace $0x80000047;
	s6 =	sadd.s32 s13, s2  }
0x7: {  	s5 =	sor.u32 $0x1C01, s5;
	s7 =	sshrl.u32 s6, $0x3;
	s6 =	simm.s32 $0x1  }
0x8: {  	[spmem:s7], [sflag:s5] =	dma.local [hbm:s4], $0x50  }
0x9: {  	_ =	swait.ge [sflag:s6], $0x50  }
0xa: {  	s9 =	simm.s32 $0x2780;
	s8 =	sshll.u32 s14, $0x4;
	[sflag:s6] =	ssyncset.done $0x0  }
0xb: {  	s10 =	sor.u32 s1, s8;
	s8 =	sadd.s32 $0xB800, s12;
	[sflag:s6] =	ssyncadd.s32 $0xFFFFFFB0  }
0xc: {  	[tilespmem:s9], [sflag:$0x1] =	stream.linear.gather [hbm4b:s8+s3], $0x2780, $0x38;
	[tilespmem:$0x5180] =	vst v63  }
0xd: {  	s10 =	smul.u32 $0x4E2, s10;
	_ =	swait.ge [sflag:s6], $0x2780  }
0xe: {  	[sflag:s6] =	ssyncset.done $0x0  }
0xf: {  	s10 =	sadd.s32 s10, s12;
	[sflag:s6] =	ssyncadd.s32 $0xFFFFD880  }
0x10: {  	s15 =	smul.u32 $0x2800, s14;
	s10 =	sadd.s32 $0x1A00, s10;
	[bflag:$0x0] =	sbarrier.arrive $0xFFFF  }
0x11: {  	[tilespmem:s3], [sflag:$0x1] =	stream.linear.gather [hbm4b:s10+s3], $0x2710, $0x38;
	[tilespmem:$0x5180] =	vst v63  }
0x12: {  	s11 =	simm.s32 $0x2710;
	s14 =	ssub.s32 $0x2, s14;
	_ =	swait.ge [sflag:s6], $0x2710  }
0x13: {  	s30 =	sshrl.u32 s14, $0x1;
	s13 =	sadd.s32 s13, s15;
	[sflag:s6] =	ssyncset.done $0x0  }
0x14: {  	s31 =	ssub.s32 s14, s30;
	s13 =	sshrl.u32 s13, $0x3;
	[sflag:s6] =	ssyncadd.s32 $0xFFFFD8F0  }
0x15: {  	[spmem:s2] =	stream.indirect.scatter.add.f32 [tilespmem:s9], [sflag:$0x1], $0x1, s3, s11, $0xb8;
	[tilespmem:$0x5180] =	vst v63  }
0x16: {  	s12 =	sadd.s32 s13, s12;
	s13 =	smax.u32 s31, $0x1;
	_ =	swait.ge [sflag:s6], $0x2710  }
0x17: {  	p0 =	sne.s32 s13, $0x1;
	[sflag:s6] =	ssyncset.done $0x0  }
.Ltmp0:
0x18: {  	[sflag:s6] =	ssyncadd.s32 $0xFFFFD8F0;
	(pc) =	sbr.rel @!p0 .LBB2_2-.Ltmp0, $4  }
0x19: {  	s12 =	sadd.s32 $0xC000, s12;
	[bflag:$0x0] =	sbarrier.arrive $0xFFFF  }
0x1a: {  	[hbm:s12], [sflag:s5] =	dma.local [spmem:s7], $0x50  }
0x1b: {  	_ =	swait.ge [sflag:s6], $0x50  }
0x1c: {  	s13 =	sadd.s32 $0xFFFFFFFF, s13;
	[sflag:s6] =	ssyncset.done $0x0  }
.LBB2_1:
0x1d: {  	p0 =	sne.s32 s13, $0x1;
	s13 =	sadd.s32 $0xFFFFFFFF, s13;
	[sflag:s6] =	ssyncadd.s32 $0xFFFFFFB0  }
0x1e: {  	[spmem:s7], [sflag:s5] =	dma.local [hbm:s4], $0x50  }
0x1f: {  	_ =	swait.ge [sflag:s6], $0x50  }
0x20: {  	[sflag:s6] =	ssyncset.done $0x0  }
0x21: {  	[sflag:s6] =	ssyncadd.s32 $0xFFFFFFB0  }
0x22: {  	[tilespmem:s9], [sflag:$0x1] =	stream.linear.gather [hbm4b:s8+s3], $0x2780, $0x38;
	[tilespmem:$0x5180] =	vst v63  }
0x23: {  	_ =	swait.ge [sflag:s6], $0x2780  }
0x24: {  	[sflag:s6] =	ssyncset.done $0x0  }
0x25: {  	[sflag:s6] =	ssyncadd.s32 $0xFFFFD880  }
0x26: {  	[bflag:$0x0] =	sbarrier.arrive $0xFFFF  }
0x27: {  	[tilespmem:s3], [sflag:$0x1] =	stream.linear.gather [hbm4b:s10+s3], $0x2710, $0x38;
	[tilespmem:$0x5180] =	vst v63  }
0x28: {  	_ =	swait.ge [sflag:s6], $0x2710  }
0x29: {  	[sflag:s6] =	ssyncset.done $0x0  }
0x2a: {  	[sflag:s6] =	ssyncadd.s32 $0xFFFFD8F0  }
0x2b: {  	[spmem:s2] =	stream.indirect.scatter.add.f32 [tilespmem:s9], [sflag:$0x1], $0x1, s3, s11, $0xb8;
	[tilespmem:$0x5180] =	vst v63  }
0x2c: {  	_ =	swait.ge [sflag:s6], $0x2710  }
0x2d: {  	[sflag:s6] =	ssyncset.done $0x0  }
.Ltmp1:
0x2e: {  	[sflag:s6] =	ssyncadd.s32 $0xFFFFD8F0;
	(pc) =	sbr.rel @p0 .LBB2_1-.Ltmp1, $4  }
0x2f: {  	[bflag:$0x0] =	sbarrier.arrive $0xFFFF  }
0x30: {  	[hbm:s12], [sflag:s5] =	dma.local [spmem:s7], $0x50  }
0x31: {  	_ =	swait.ge [sflag:s6], $0x50  }
0x32: {  	[sflag:s6] =	ssyncset.done $0x0  }
.LBB2_2:
0x33: {  	[sflag:s6] =	ssyncadd.s32 $0xFFFFFFB0  }
0x34: {  	_ =	sfence.sel $0x180000  }
0x35: {  	[bflag:$0x0] =	sbarrier.arrive $0xFFFF  }
0x36: {  	p0 =	sne.s32 s1, $0x0;
	_ =	strace $0x90000047  }
0x37: {  	s0 =	sadd.s32 @!p0 $0x100000, s0;
	[bflag:$0x2] =	sbarrier.arrive $0xFFFF  }
0x38: {  	[sflag:s0] =	ssyncadd.tile.s32 @!p0 $0x1;
	_ =	shalt  }
.Lfunc_end2:
_tile_overlayer_lowered:
.L_overlay_start_2:
0x39: {  	(tag) =	ssettag $0x2  }
0x3a: {  	s0 =	rddreg [dreg:$0x0];
	s2 =	stileid.u32  }
0x3b: {  	s1 =	rddreg [dreg:$0x1];
	p0 =	sne.s32 s2, $0x0  }
0x3c: {  	s3 =	rddreg [dreg:$0x2];
	[bflag:$0x3] =	sbarrier.arrive $0xFFFF;
	s2 =	simm.s32 @!p0 $0x1C01  }
0x3d: {  	[timem:s3], [sflag:s2] =	dma.local @!p0 [hbm:s0], s1  }
0x3e: {  	s0 =	simm.s32 @!p0 $0x1  }
0x3f: {  	_ =	swait.ge @!p0 [sflag:s0], s1  }
0x40: {  	s1 =	ssub.s32 @!p0 $0x0, s1;
	[sflag:s0] =	ssyncset.done @!p0 $0x0  }
0x41: {  	[sflag:s0] =	ssyncadd.s32 @!p0 s1  }
0x42: {  	[bflag:$0x3] =	sbarrier.arrive $0xFFFF  }
0x43: {  	_ =	shalt  }

</sc_bundles>
